<compile_context>
chip_gen: v7x
topology: tpu7x:2x2x1
jax: 0.10.2.dev20260603
libtpu: 0.0.44.dev20260713+nightly
codegen_flags: <defaults>
</compile_context>

<pallas_src>
import functools

import jax
import jax.numpy as jnp
from jax import lax
from jax.experimental import pallas as pl
from jax.experimental.pallas import tpu as pltpu
from jax.experimental.pallas import tpu_sc as plsc

N = 10000
NPAD = 10240
E = 320000
D_IN = 128
HID = 64
LAT = 32

NC = 2
NS = 16
NW = NC * NS
EPW = E // NW
CH = 80
NCHUNK = EPW // CH
RPT = NPAD // NS

_MESH = plsc.VectorSubcoreMesh(core_axis_name="c", subcore_axis_name="s")


def _make_sc_scatter(width):

    @functools.partial(
        pl.kernel,
        out_type=jax.ShapeDtypeStruct((NC, NPAD, width), jnp.float32),
        mesh=_MESH,
        compiler_params=pltpu.CompilerParams(use_tc_tiling_on_sc=False),
        scratch_types=[
            pltpu.VMEM((NCHUNK, CH), jnp.int32),
            pltpu.VMEM((NCHUNK, CH), jnp.int32),
            pltpu.VMEM((4, CH, width), jnp.float32),
            pltpu.VMEM_SHARED((NPAD, width), jnp.float32),
            [pltpu.SemaphoreType.DMA] * 4,
            [pltpu.SemaphoreType.DMA] * 4,
        ],
    )
    def sc_scatter(table_hbm, ei_hbm, zero_hbm, out_hbm,
                   src_v, dst_v, rows_v, accum, gsems, ssems):
        c = lax.axis_index("c")
        s = lax.axis_index("s")
        wid = c * NS + s
        z = pltpu.async_copy(zero_hbm.at[pl.ds(s * RPT, RPT)],
                             accum.at[pl.ds(s * RPT, RPT)], gsems[3])
        sv = pltpu.async_copy(ei_hbm.at[0, wid], src_v, gsems[3])
        dv = pltpu.async_copy(ei_hbm.at[1, wid], dst_v, gsems[3])
        z.wait()
        sv.wait()
        dv.wait()
        plsc.subcore_barrier()

        def gather(j, b):
            pltpu.async_copy(table_hbm.at[src_v.at[j]], rows_v.at[b],
                             gsems[b])

        def gwait(j, b):
            pltpu.make_async_copy(table_hbm.at[src_v.at[j]], rows_v.at[b],
                                  gsems[b]).wait()

        def scat(j, b):
            return pltpu.async_copy(rows_v.at[b], accum.at[dst_v.at[j]],
                                    ssems[b], add=True)

        def step(j, b):
            gwait(j, b)
            scat(j, b)
            b2 = (b + 2) % 4
            if isinstance(j, int) and j < 2:
                gather(j + 2, b2)
            else:
                pltpu.make_async_copy(rows_v.at[b2],
                                      accum.at[dst_v.at[j - 2]],
                                      ssems[b2]).wait()

                @pl.when(j + 2 < NCHUNK)
                def _refill():
                    gather(j + 2, b2)

        gather(0, 0)
        gather(1, 1)
        step(0, 0)
        step(1, 1)

        def body(g, _):
            for b in range(4):
                step(4 * g + 2 + b, (2 + b) % 4)
            return ()

        lax.fori_loop(0, (NCHUNK - 5) // 4, body, (), unroll=False)
        for j in range(NCHUNK - 3, NCHUNK):
            step(j, j % 4)
        for j in range(NCHUNK - 2, NCHUNK):
            b = j % 4
            pltpu.make_async_copy(rows_v.at[b], accum.at[dst_v.at[j]],
                                  ssems[b]).wait()
        plsc.subcore_barrier()
        pltpu.sync_copy(accum.at[pl.ds(s * RPT, RPT)],
                        out_hbm.at[c, pl.ds(s * RPT, RPT)])

    return sc_scatter


def _make_sc_degree():

    @functools.partial(
        pl.kernel,
        out_type=jax.ShapeDtypeStruct((NC, NPAD, 16), jnp.float32),
        mesh=_MESH,
        compiler_params=pltpu.CompilerParams(use_tc_tiling_on_sc=False),
        scratch_types=[
            pltpu.VMEM((NCHUNK, CH), jnp.int32),
            pltpu.VMEM((CH, 16), jnp.float32),
            pltpu.VMEM_SHARED((NPAD, 16), jnp.float32),
            pltpu.SemaphoreType.DMA,
        ],
    )
    def sc_degree(ei_hbm, zero_hbm, out_hbm, dst_v, ones_v, accum, ssem):
        c = lax.axis_index("c")
        s = lax.axis_index("s")
        wid = c * NS + s
        z = pltpu.async_copy(zero_hbm.at[pl.ds(s * RPT, RPT)],
                             accum.at[pl.ds(s * RPT, RPT)], ssem)
        dv = pltpu.async_copy(ei_hbm.at[1, wid], dst_v, ssem)
        z.wait()
        dv.wait()

        def fill(i, _):
            ones_v[pl.ds(i * 16, 16), :] = jnp.ones((16, 16), jnp.float32)
            return ()

        lax.fori_loop(0, CH // 16, fill, (), unroll=True)
        plsc.subcore_barrier()

        def body(j, _):
            pltpu.async_copy(ones_v, accum.at[dst_v.at[j]], ssem, add=True)
            return ()

        lax.fori_loop(0, NCHUNK, body, (), unroll=False)

        def drain(j, _):
            pltpu.make_async_copy(ones_v, accum.at[dst_v.at[j]],
                                  ssem).wait()
            return ()

        lax.fori_loop(0, NCHUNK, drain, (), unroll=False)
        plsc.subcore_barrier()
        pltpu.sync_copy(accum.at[pl.ds(s * RPT, RPT)],
                        out_hbm.at[c, pl.ds(s * RPT, RPT)])

    return sc_degree


_sc_scatter64 = _make_sc_scatter(HID)
_sc_scatter32 = _make_sc_scatter(LAT)
_sc_degree = _make_sc_degree()

_BM = 2000


def _dis_of(dsum_block):
    return lax.rsqrt(dsum_block[:, 0:1] + 1.0)


def _tc_h0_body(x_ref, w_ref, o_ref):
    o_ref[...] = jnp.dot(x_ref[...], w_ref[...],
                         preferred_element_type=jnp.float32)


def _tc_scale_body(h_ref, dsum_ref, o_ref):
    o_ref[...] = h_ref[...] * _dis_of(dsum_ref[...])


def _tc_mid_body(u_ref, dsum_ref, b1_ref, g1_ref, be1_ref, w2_ref,
                 o_ref):
    dis = _dis_of(dsum_ref[...])
    t = u_ref[...] * dis + b1_ref[...]
    t = jnp.maximum(t, 0.0)
    mu = jnp.mean(t, axis=-1, keepdims=True)
    var = jnp.mean((t - mu) ** 2, axis=-1, keepdims=True)
    t = (t - mu) * lax.rsqrt(var + 1e-5) * g1_ref[...] + be1_ref[...]
    o_ref[...] = jnp.dot(t, w2_ref[...],
                         preferred_element_type=jnp.float32) * dis


def _tc_final_body(u_ref, dsum_ref, b2_ref, g2_ref, be2_ref,
                   wf1_ref, bf1_ref, wf2_ref, bf2_ref, lat_ref, rec_ref):
    dis = _dis_of(dsum_ref[...])
    t = u_ref[...] * dis + b2_ref[...]
    t = jnp.maximum(t, 0.0)
    mu = jnp.mean(t, axis=-1, keepdims=True)
    var = jnp.mean((t - mu) ** 2, axis=-1, keepdims=True)
    t = (t - mu) * lax.rsqrt(var + 1e-5) * g2_ref[...] + be2_ref[...]
    lat_ref[...] = t
    d = jnp.dot(t, wf1_ref[...], preferred_element_type=jnp.float32)
    d = jnp.maximum(d + bf1_ref[...], 0.0)
    rec_ref[...] = jnp.dot(d, wf2_ref[...],
                           preferred_element_type=jnp.float32) + bf2_ref[...]


def _row_spec(width):
    return pl.BlockSpec((_BM, width), lambda i: (i, 0))


def _rep_spec(shape):
    nd = len(shape)
    return pl.BlockSpec(shape, lambda i: (0,) * nd)


_tc_h0 = pl.pallas_call(
    _tc_h0_body,
    grid=(N // _BM,),
    in_specs=[_row_spec(D_IN), _rep_spec((D_IN, HID))],
    out_specs=_row_spec(HID),
    out_shape=jax.ShapeDtypeStruct((N, HID), jnp.float32),
)

_tc_scale = pl.pallas_call(
    _tc_scale_body,
    grid=(N // _BM,),
    in_specs=[_row_spec(HID), _row_spec(16)],
    out_specs=_row_spec(HID),
    out_shape=jax.ShapeDtypeStruct((N, HID), jnp.float32),
)

_tc_mid = pl.pallas_call(
    _tc_mid_body,
    grid=(N // _BM,),
    in_specs=[
        _row_spec(HID), _row_spec(16),
        _rep_spec((1, HID)), _rep_spec((1, HID)), _rep_spec((1, HID)),
        _rep_spec((HID, LAT)),
    ],
    out_specs=_row_spec(LAT),
    out_shape=jax.ShapeDtypeStruct((N, LAT), jnp.float32),
)

_tc_final = pl.pallas_call(
    _tc_final_body,
    grid=(N // _BM,),
    in_specs=[
        _row_spec(LAT), _row_spec(16),
        _rep_spec((1, LAT)), _rep_spec((1, LAT)), _rep_spec((1, LAT)),
        _rep_spec((LAT, HID)), _rep_spec((1, HID)),
        _rep_spec((HID, D_IN)), _rep_spec((1, D_IN)),
    ],
    out_specs=[_row_spec(LAT), _row_spec(D_IN)],
    out_shape=[
        jax.ShapeDtypeStruct((N, LAT), jnp.float32),
        jax.ShapeDtypeStruct((N, D_IN), jnp.float32),
    ],
)


def kernel(x, edge_index, W_gc1, b_gc1, g1, be1, W_gc2, b_gc2, g2, be2,
           W_fc1, b_fc1, W_fc2, b_fc2):
    ei = edge_index.reshape(2, NW, NCHUNK, CH)
    z16 = jnp.zeros((NPAD, 16), jnp.float32)
    z64 = jnp.zeros((NPAD, HID), jnp.float32)
    z32 = jnp.zeros((NPAD, LAT), jnp.float32)

    h1 = _tc_h0(x, W_gc1)
    degp = _sc_degree(ei, z16)
    dsum = degp[0] + degp[1]
    hs1 = _tc_scale(h1, dsum)
    p1 = _sc_scatter64(hs1, ei, z64)
    u1 = p1[0, :N] + p1[1, :N] + hs1
    hs2 = _tc_mid(u1, dsum, b_gc1[None, :], g1[None, :], be1[None, :],
                  W_gc2)
    p2 = _sc_scatter32(hs2, ei, z32)
    u2 = p2[0, :N] + p2[1, :N] + hs2
    latent, recon = _tc_final(u2, dsum, b_gc2[None, :], g2[None, :],
                              be2[None, :], W_fc1, b_fc1[None, :], W_fc2,
                              b_fc2[None, :])
    return (latent, recon)

# --- scband reference (transcript-rebuilt; emitter-appended) ---
"""Pipeline reference for scband-graph-auto-encoder-50130858278913 (READ-ONLY COPY).

The authoritative reference and input builder live on the scoring server;
editing this copy changes nothing except your own understanding.
"""

import jax, jax.numpy as jnp
import numpy as np

N = 10000
E = 320000
D_IN = 128
HID = 64
LAT = 32


def gcn_conv(x, edge_index, W, b):
    n = x.shape[0]
    loop = jnp.arange(n, dtype=edge_index.dtype)
    src = jnp.concatenate([edge_index[0], loop])
    dst = jnp.concatenate([edge_index[1], loop])
    h = x @ W
    deg = jax.ops.segment_sum(jnp.ones_like(dst, dtype=h.dtype), dst, num_segments=n)
    dis = jnp.where(deg > 0, jax.lax.rsqrt(jnp.maximum(deg, 1e-12)), 0.0)
    norm = dis[src] * dis[dst]
    msg = h[src] * norm[:, None]
    out = jax.ops.segment_sum(msg, dst, num_segments=n)
    return out + b


def layer_norm(x, g, b, eps=1e-5):
    mu = jnp.mean(x, axis=-1, keepdims=True)
    var = jnp.mean((x - mu) ** 2, axis=-1, keepdims=True)
    return (x - mu) * jax.lax.rsqrt(var + eps) * g + b


def setup_inputs(seed: int = 0):
    key = jax.random.key(seed)
    ks = jax.random.split(key, 12)
    x = jax.random.normal(ks[0], (N, D_IN), dtype=jnp.float32)
    edge_index = jax.random.randint(ks[1], (2, E), 0, N, dtype=jnp.int32)
    W_gc1 = jax.random.normal(ks[2], (D_IN, HID), dtype=jnp.float32) / np.sqrt(D_IN)
    b_gc1 = jnp.zeros((HID,), dtype=jnp.float32)
    g1 = jnp.ones((HID,), dtype=jnp.float32)
    be1 = jnp.zeros((HID,), dtype=jnp.float32)
    W_gc2 = jax.random.normal(ks[3], (HID, LAT), dtype=jnp.float32) / np.sqrt(HID)
    b_gc2 = jnp.zeros((LAT,), dtype=jnp.float32)
    g2 = jnp.ones((LAT,), dtype=jnp.float32)
    be2 = jnp.zeros((LAT,), dtype=jnp.float32)
    W_fc1 = jax.random.normal(ks[4], (LAT, HID), dtype=jnp.float32) / np.sqrt(LAT)
    b_fc1 = jnp.zeros((HID,), dtype=jnp.float32)
    W_fc2 = jax.random.normal(ks[5], (HID, D_IN), dtype=jnp.float32) / np.sqrt(HID)
    b_fc2 = jnp.zeros((D_IN,), dtype=jnp.float32)
    return {"x": x, "edge_index": edge_index, "W_gc1": W_gc1, "b_gc1": b_gc1, "g1": g1, "be1": be1, "W_gc2": W_gc2, "b_gc2": b_gc2, "g2": g2, "be2": be2, "W_fc1": W_fc1, "b_fc1": b_fc1, "W_fc2": W_fc2, "b_fc2": b_fc2}


def reference(x, edge_index, W_gc1, b_gc1, g1, be1, W_gc2, b_gc2, g2, be2, W_fc1, b_fc1, W_fc2, b_fc2):
    hidden = jax.nn.relu(gcn_conv(x, edge_index, W_gc1, b_gc1))
    hidden = layer_norm(hidden, g1, be1)
    latent = jax.nn.relu(gcn_conv(hidden, edge_index, W_gc2, b_gc2))
    latent = layer_norm(latent, g2, be2)
    decode = jax.nn.relu(latent @ W_fc1 + b_fc1)
    reconstructed = decode @ W_fc2 + b_fc2
    return (latent, reconstructed)

if __name__ == "__main__":
    import jax
    _d = setup_inputs()
    print(jax.jit(kernel)(*tuple(_d.values())))

</pallas_src>

<mosaic_0001>
#map = affine_map<(d0, d1) -> (0, 0)>
#map1 = affine_map<(d0, d1) -> (0, 0, 0, 0)>
#map2 = affine_map<(d0, d1) -> (0, 0, 0)>
module attributes {stable_mosaic.version = 14 : i64} {
  func.func @sc_scatter(%arg0: i32, %arg1: i32, %arg2: memref<10000x32xf32, #tpu.memory_space<hbm>>, %arg3: memref<2x32x125x80xi32, #tpu.memory_space<hbm>>, %arg4: memref<10240x32xf32, #tpu.memory_space<hbm>>, %arg5: memref<2x10240x32xf32, #tpu.memory_space<hbm>>, %arg6: memref<125x80xi32, #tpu.memory_space<vmem>>, %arg7: memref<125x80xi32, #tpu.memory_space<vmem>>, %arg8: memref<4x80x32xf32, #tpu.memory_space<vmem>>, %arg9: memref<10240x32xf32, #tpu.memory_space<vmem_shared>>, %arg10: memref<!tpu.dma_semaphore, #tpu.memory_space<semaphore_mem>>, %arg11: memref<!tpu.dma_semaphore, #tpu.memory_space<semaphore_mem>>, %arg12: memref<!tpu.dma_semaphore, #tpu.memory_space<semaphore_mem>>, %arg13: memref<!tpu.dma_semaphore, #tpu.memory_space<semaphore_mem>>, %arg14: memref<!tpu.dma_semaphore, #tpu.memory_space<semaphore_mem>>, %arg15: memref<!tpu.dma_semaphore, #tpu.memory_space<semaphore_mem>>, %arg16: memref<!tpu.dma_semaphore, #tpu.memory_space<semaphore_mem>>, %arg17: memref<!tpu.dma_semaphore, #tpu.memory_space<semaphore_mem>>) attributes {dimension_semantics = [#tpu.dimension_semantics<core_parallel>, #tpu.dimension_semantics<subcore_parallel>], iteration_bounds = array<i64: 2, 16>, scalar_prefetch = 0 : i64, scratch_operands = 12 : i64, tpu.core_type = #tpu.core_type<sc_vector_subcore>, window_params = [{transform_indices = #map}, {transform_indices = #map1}, {transform_indices = #map}, {transform_indices = #map2}]} {
    %mul3A = arith.constant 16 : i32
    %mul3A_0 = arith.muli %arg0, %mul3A : i32
    %add3A = arith.addi %mul3A_0, %arg1 : i32
    %mul3A_1 = arith.constant 640 : i32
    %mul3A_2 = arith.muli %arg1, %mul3A_1 : i32
    %mul3A_3 = arith.constant 640 : i32
    %mul3A_4 = arith.muli %arg1, %mul3A_3 : i32
    %dma_start3A = arith.constant 0 : i32
    %dma_start3A_5 = tpu.memref_slice %arg9[%mul3A_4, %dma_start3A] : memref<10240x32xf32, #tpu.memory_space<vmem_shared>> -> memref<640x32xf32, #tpu.memory_space<vmem_shared>>
    %dma_start3A_6 = arith.constant 0 : i32
    %dma_start3A_7 = tpu.memref_slice %arg4[%mul3A_2, %dma_start3A_6] : memref<10240x32xf32, #tpu.memory_space<hbm>> -> memref<640x32xf32, #tpu.memory_space<hbm>>
    tpu.enqueue_dma source(%dma_start3A_7 : memref<640x32xf32, #tpu.memory_space<hbm>>) target(%dma_start3A_5 : memref<640x32xf32, #tpu.memory_space<vmem_shared>>) target_semaphore(%arg13 : memref<!tpu.dma_semaphore, #tpu.memory_space<semaphore_mem>>)
    %dma_start3A_8 = arith.constant 0 : i32
    %dma_start3A_9 = arith.constant 0 : i32
    %dma_start3A_10 = arith.constant 0 : i32
    %dma_start3A_11 = tpu.memref_slice %arg3[%dma_start3A_8, %add3A, %dma_start3A_9, %dma_start3A_10] : memref<2x32x125x80xi32, #tpu.memory_space<hbm>> -> memref<1x1x125x80xi32, #tpu.memory_space<hbm>>
    %dma_start3A_12 = tpu.memref_squeeze %dma_start3A_11 : memref<1x1x125x80xi32, #tpu.memory_space<hbm>> -> memref<125x80xi32, #tpu.memory_space<hbm>>
    %dma_start3A_13 = arith.constant 0 : i32
    %dma_start3A_14 = arith.constant 0 : i32
    %dma_start3A_15 = tpu.memref_slice %arg3[%dma_start3A_8, %add3A, %dma_start3A_13, %dma_start3A_14] : memref<2x32x125x80xi32, #tpu.memory_space<hbm>> -> memref<1x1x125x80xi32, #tpu.memory_space<hbm>>
    %dma_start3A_16 = tpu.memref_squeeze %dma_start3A_15 : memref<1x1x125x80xi32, #tpu.memory_space<hbm>> -> memref<125x80xi32, #tpu.memory_space<hbm>>
    tpu.enqueue_dma source(%dma_start3A_16 : memref<125x80xi32, #tpu.memory_space<hbm>>) target(%arg6 : memref<125x80xi32, #tpu.memory_space<vmem>>) target_semaphore(%arg13 : memref<!tpu.dma_semaphore, #tpu.memory_space<semaphore_mem>>)
    %dma_start3A_17 = arith.constant 1 : i32
    %dma_start3A_18 = arith.constant 0 : i32
    %dma_start3A_19 = arith.constant 0 : i32
    %dma_start3A_20 = tpu.memref_slice %arg3[%dma_start3A_17, %add3A, %dma_start3A_18, %dma_start3A_19] : memref<2x32x125x80xi32, #tpu.memory_space<hbm>> -> memref<1x1x125x80xi32, #tpu.memory_space<hbm>>
    %dma_start3A_21 = tpu.memref_squeeze %dma_start3A_20 : memref<1x1x125x80xi32, #tpu.memory_space<hbm>> -> memref<125x80xi32, #tpu.memory_space<hbm>>
    %dma_start3A_22 = arith.constant 0 : i32
    %dma_start3A_23 = arith.constant 0 : i32
    %dma_start3A_24 = tpu.memref_slice %arg3[%dma_start3A_17, %add3A, %dma_start3A_22, %dma_start3A_23] : memref<2x32x125x80xi32, #tpu.memory_space<hbm>> -> memref<1x1x125x80xi32, #tpu.memory_space<hbm>>
    %dma_start3A_25 = tpu.memref_squeeze %dma_start3A_24 : memref<1x1x125x80xi32, #tpu.memory_space<hbm>> -> memref<125x80xi32, #tpu.memory_space<hbm>>
    tpu.enqueue_dma source(%dma_start3A_25 : memref<125x80xi32, #tpu.memory_space<hbm>>) target(%arg7 : memref<125x80xi32, #tpu.memory_space<vmem>>) target_semaphore(%arg13 : memref<!tpu.dma_semaphore, #tpu.memory_space<semaphore_mem>>)
    %dma_wait3A = arith.constant 0 : i32
    %dma_wait3A_26 = tpu.memref_slice %arg9[%mul3A_4, %dma_wait3A] : memref<10240x32xf32, #tpu.memory_space<vmem_shared>> -> memref<640x32xf32, #tpu.memory_space<vmem_shared>>
    %dma_wait3A_27 = arith.constant 0 : i32
    %dma_wait3A_28 = tpu.memref_slice %arg4[%mul3A_2, %dma_wait3A_27] : memref<10240x32xf32, #tpu.memory_space<hbm>> -> memref<640x32xf32, #tpu.memory_space<hbm>>
    tpu.wait_dma2 semaphore(%arg13 : memref<!tpu.dma_semaphore, #tpu.memory_space<semaphore_mem>>) src(%dma_wait3A_28 : memref<640x32xf32, #tpu.memory_space<hbm>>) dst(%dma_wait3A_26 : memref<640x32xf32, #tpu.memory_space<vmem_shared>>)
    %dma_wait3A_29 = arith.constant 0 : i32
    %dma_wait3A_30 = arith.constant 0 : i32
    %dma_wait3A_31 = arith.constant 0 : i32
    %dma_wait3A_32 = tpu.memref_slice %arg3[%dma_wait3A_29, %add3A, %dma_wait3A_30, %dma_wait3A_31] : memref<2x32x125x80xi32, #tpu.memory_space<hbm>> -> memref<1x1x125x80xi32, #tpu.memory_space<hbm>>
    %dma_wait3A_33 = tpu.memref_squeeze %dma_wait3A_32 : memref<1x1x125x80xi32, #tpu.memory_space<hbm>> -> memref<125x80xi32, #tpu.memory_space<hbm>>
    %dma_wait3A_34 = arith.constant 0 : i32
    %dma_wait3A_35 = arith.constant 0 : i32
    %dma_wait3A_36 = tpu.memref_slice %arg3[%dma_wait3A_29, %add3A, %dma_wait3A_34, %dma_wait3A_35] : memref<2x32x125x80xi32, #tpu.memory_space<hbm>> -> memref<1x1x125x80xi32, #tpu.memory_space<hbm>>
    %dma_wait3A_37 = tpu.memref_squeeze %dma_wait3A_36 : memref<1x1x125x80xi32, #tpu.memory_space<hbm>> -> memref<125x80xi32, #tpu.memory_space<hbm>>
    tpu.wait_dma2 semaphore(%arg13 : memref<!tpu.dma_semaphore, #tpu.memory_space<semaphore_mem>>) src(%dma_wait3A_37 : memref<125x80xi32, #tpu.memory_space<hbm>>) dst(%arg6 : memref<125x80xi32, #tpu.memory_space<vmem>>)
    %dma_wait3A_38 = arith.constant 1 : i32
    %dma_wait3A_39 = arith.constant 0 : i32
    %dma_wait3A_40 = arith.constant 0 : i32
    %dma_wait3A_41 = tpu.memref_slice %arg3[%dma_wait3A_38, %add3A, %dma_wait3A_39, %dma_wait3A_40] : memref<2x32x125x80xi32, #tpu.memory_space<hbm>> -> memref<1x1x125x80xi32, #tpu.memory_space<hbm>>
    %dma_wait3A_42 = tpu.memref_squeeze %dma_wait3A_41 : memref<1x1x125x80xi32, #tpu.memory_space<hbm>> -> memref<125x80xi32, #tpu.memory_space<hbm>>
    %dma_wait3A_43 = arith.constant 0 : i32
    %dma_wait3A_44 = arith.constant 0 : i32
    %dma_wait3A_45 = tpu.memref_slice %arg3[%dma_wait3A_38, %add3A, %dma_wait3A_43, %dma_wait3A_44] : memref<2x32x125x80xi32, #tpu.memory_space<hbm>> -> memref<1x1x125x80xi32, #tpu.memory_space<hbm>>
    %dma_wait3A_46 = tpu.memref_squeeze %dma_wait3A_45 : memref<1x1x125x80xi32, #tpu.memory_space<hbm>> -> memref<125x80xi32, #tpu.memory_space<hbm>>
    tpu.wait_dma2 semaphore(%arg13 : memref<!tpu.dma_semaphore, #tpu.memory_space<semaphore_mem>>) src(%dma_wait3A_46 : memref<125x80xi32, #tpu.memory_space<hbm>>) dst(%arg7 : memref<125x80xi32, #tpu.memory_space<vmem>>)
    %barrier3A = arith.constant 0 : index
    tpu.barrier barrier_id(%barrier3A)
    %dma_start3A_47 = arith.constant 0 : i32
    %dma_start3A_48 = arith.constant 0 : i32
    %dma_start3A_49 = arith.constant 0 : i32
    %dma_start3A_50 = arith.constant 0 : i32
    %dma_start3A_51 = tpu.memref_slice %arg8[%dma_start3A_48, %dma_start3A_49, %dma_start3A_50] : memref<4x80x32xf32, #tpu.memory_space<vmem>> -> memref<1x80x32xf32, #tpu.memory_space<vmem>>
    %dma_start3A_52 = tpu.memref_squeeze %dma_start3A_51 : memref<1x80x32xf32, #tpu.memory_space<vmem>> -> memref<80x32xf32, #tpu.memory_space<vmem>>
    %dma_start3A_53 = arith.constant 0 : i32
    %dma_start3A_54 = tpu.memref_slice %arg6[%dma_start3A_47, %dma_start3A_53] : memref<125x80xi32, #tpu.memory_space<vmem>> -> memref<1x80xi32, #tpu.memory_space<vmem>>
    %dma_start3A_55 = tpu.memref_squeeze %dma_start3A_54 : memref<1x80xi32, #tpu.memory_space<vmem>> -> memref<80xi32, #tpu.memory_space<vmem>>
    %dma_start3A_56 = arith.constant 0 : i32
    %dma_start3A_57 = arith.constant 0 : i32
    %dma_start3A_58 = tpu.memref_slice %arg2[%dma_start3A_56, %dma_start3A_57] : memref<10000x32xf32, #tpu.memory_space<hbm>> -> memref<10000x32xf32, #tpu.memory_space<hbm>>
    tpu.enqueue_indirect_dma source(%dma_start3A_58 : memref<10000x32xf32, #tpu.memory_space<hbm>>) target(%dma_start3A_52 : memref<80x32xf32, #tpu.memory_space<vmem>>) offsets(%dma_start3A_55 : memref<80xi32, #tpu.memory_space<vmem>>) semaphore(%arg10 : memref<!tpu.dma_semaphore, #tpu.memory_space<semaphore_mem>>)
    %dma_start3A_59 = arith.constant 1 : i32
    %dma_start3A_60 = arith.constant 1 : i32
    %dma_start3A_61 = arith.constant 0 : i32
    %dma_start3A_62 = arith.constant 0 : i32
    %dma_start3A_63 = tpu.memref_slice %arg8[%dma_start3A_60, %dma_start3A_61, %dma_start3A_62] : memref<4x80x32xf32, #tpu.memory_space<vmem>> -> memref<1x80x32xf32, #tpu.memory_space<vmem>>
    %dma_start3A_64 = tpu.memref_squeeze %dma_start3A_63 : memref<1x80x32xf32, #tpu.memory_space<vmem>> -> memref<80x32xf32, #tpu.memory_space<vmem>>
    %dma_start3A_65 = arith.constant 0 : i32
    %dma_start3A_66 = tpu.memref_slice %arg6[%dma_start3A_59, %dma_start3A_65] : memref<125x80xi32, #tpu.memory_space<vmem>> -> memref<1x80xi32, #tpu.memory_space<vmem>>
    %dma_start3A_67 = tpu.memref_squeeze %dma_start3A_66 : memref<1x80xi32, #tpu.memory_space<vmem>> -> memref<80xi32, #tpu.memory_space<vmem>>
    %dma_start3A_68 = arith.constant 0 : i32
    %dma_start3A_69 = arith.constant 0 : i32
    %dma_start3A_70 = tpu.memref_slice %arg2[%dma_start3A_68, %dma_start3A_69] : memref<10000x32xf32, #tpu.memory_space<hbm>> -> memref<10000x32xf32, #tpu.memory_space<hbm>>
    tpu.enqueue_indirect_dma source(%dma_start3A_70 : memref<10000x32xf32, #tpu.memory_space<hbm>>) target(%dma_start3A_64 : memref<80x32xf32, #tpu.memory_space<vmem>>) offsets(%dma_start3A_67 : memref<80xi32, #tpu.memory_space<vmem>>) semaphore(%arg11 : memref<!tpu.dma_semaphore, #tpu.memory_space<semaphore_mem>>)
    %dma_wait3A_71 = arith.constant 0 : i32
    %dma_wait3A_72 = arith.constant 0 : i32
    %dma_wait3A_73 = arith.constant 0 : i32
    %dma_wait3A_74 = arith.constant 0 : i32
    %dma_wait3A_75 = tpu.memref_slice %arg8[%dma_wait3A_72, %dma_wait3A_73, %dma_wait3A_74] : memref<4x80x32xf32, #tpu.memory_space<vmem>> -> memref<1x80x32xf32, #tpu.memory_space<vmem>>
    %dma_wait3A_76 = tpu.memref_squeeze %dma_wait3A_75 : memref<1x80x32xf32, #tpu.memory_space<vmem>> -> memref<80x32xf32, #tpu.memory_space<vmem>>
    %dma_wait3A_77 = arith.constant 0 : i32
    %dma_wait3A_78 = tpu.memref_slice %arg6[%dma_wait3A_71, %dma_wait3A_77] : memref<125x80xi32, #tpu.memory_space<vmem>> -> memref<1x80xi32, #tpu.memory_space<vmem>>
    %dma_wait3A_79 = tpu.memref_squeeze %dma_wait3A_78 : memref<1x80xi32, #tpu.memory_space<vmem>> -> memref<80xi32, #tpu.memory_space<vmem>>
    %dma_wait3A_80 = arith.constant 0 : i32
    %dma_wait3A_81 = arith.constant 0 : i32
    %dma_wait3A_82 = tpu.memref_slice %arg2[%dma_wait3A_80, %dma_wait3A_81] : memref<10000x32xf32, #tpu.memory_space<hbm>> -> memref<10000x32xf32, #tpu.memory_space<hbm>>
    tpu.wait_indirect_dma semaphore(%arg10 : memref<!tpu.dma_semaphore, #tpu.memory_space<semaphore_mem>>) src(%dma_wait3A_82 : memref<10000x32xf32, #tpu.memory_space<hbm>>) dst(%dma_wait3A_76 : memref<80x32xf32, #tpu.memory_space<vmem>>)
    %dma_start3A_83 = arith.constant 0 : i32
    %dma_start3A_84 = arith.constant 0 : i32
    %dma_start3A_85 = arith.constant 0 : i32
    %dma_start3A_86 = arith.constant 0 : i32
    %dma_start3A_87 = tpu.memref_slice %arg8[%dma_start3A_83, %dma_start3A_85, %dma_start3A_86] : memref<4x80x32xf32, #tpu.memory_space<vmem>> -> memref<1x80x32xf32, #tpu.memory_space<vmem>>
    %dma_start3A_88 = tpu.memref_squeeze %dma_start3A_87 : memref<1x80x32xf32, #tpu.memory_space<vmem>> -> memref<80x32xf32, #tpu.memory_space<vmem>>
    %dma_start3A_89 = arith.constant 0 : i32
    %dma_start3A_90 = tpu.memref_slice %arg7[%dma_start3A_84, %dma_start3A_89] : memref<125x80xi32, #tpu.memory_space<vmem>> -> memref<1x80xi32, #tpu.memory_space<vmem>>
    %dma_start3A_91 = tpu.memref_squeeze %dma_start3A_90 : memref<1x80xi32, #tpu.memory_space<vmem>> -> memref<80xi32, #tpu.memory_space<vmem>>
    %dma_start3A_92 = arith.constant 0 : i32
    %dma_start3A_93 = arith.constant 0 : i32
    %dma_start3A_94 = tpu.memref_slice %arg9[%dma_start3A_92, %dma_start3A_93] : memref<10240x32xf32, #tpu.memory_space<vmem_shared>> -> memref<10240x32xf32, #tpu.memory_space<vmem_shared>>
    tpu.enqueue_indirect_dma source(%dma_start3A_88 : memref<80x32xf32, #tpu.memory_space<vmem>>) target(%dma_start3A_94 : memref<10240x32xf32, #tpu.memory_space<vmem_shared>>) offsets(%dma_start3A_91 : memref<80xi32, #tpu.memory_space<vmem>>) semaphore(%arg14 : memref<!tpu.dma_semaphore, #tpu.memory_space<semaphore_mem>>) {add = true}
    %dma_start3A_95 = arith.constant 2 : i32
    %dma_start3A_96 = arith.constant 2 : i32
    %dma_start3A_97 = arith.constant 0 : i32
    %dma_start3A_98 = arith.constant 0 : i32
    %dma_start3A_99 = tpu.memref_slice %arg8[%dma_start3A_96, %dma_start3A_97, %dma_start3A_98] : memref<4x80x32xf32, #tpu.memory_space<vmem>> -> memref<1x80x32xf32, #tpu.memory_space<vmem>>
    %dma_start3A_100 = tpu.memref_squeeze %dma_start3A_99 : memref<1x80x32xf32, #tpu.memory_space<vmem>> -> memref<80x32xf32, #tpu.memory_space<vmem>>
    %dma_start3A_101 = arith.constant 0 : i32
    %dma_start3A_102 = tpu.memref_slice %arg6[%dma_start3A_95, %dma_start3A_101] : memref<125x80xi32, #tpu.memory_space<vmem>> -> memref<1x80xi32, #tpu.memory_space<vmem>>
    %dma_start3A_103 = tpu.memref_squeeze %dma_start3A_102 : memref<1x80xi32, #tpu.memory_space<vmem>> -> memref<80xi32, #tpu.memory_space<vmem>>
    %dma_start3A_104 = arith.constant 0 : i32
    %dma_start3A_105 = arith.constant 0 : i32
    %dma_start3A_106 = tpu.memref_slice %arg2[%dma_start3A_104, %dma_start3A_105] : memref<10000x32xf32, #tpu.memory_space<hbm>> -> memref<10000x32xf32, #tpu.memory_space<hbm>>
    tpu.enqueue_indirect_dma source(%dma_start3A_106 : memref<10000x32xf32, #tpu.memory_space<hbm>>) target(%dma_start3A_100 : memref<80x32xf32, #tpu.memory_space<vmem>>) offsets(%dma_start3A_103 : memref<80xi32, #tpu.memory_space<vmem>>) semaphore(%arg12 : memref<!tpu.dma_semaphore, #tpu.memory_space<semaphore_mem>>)
    %dma_wait3A_107 = arith.constant 1 : i32
    %dma_wait3A_108 = arith.constant 1 : i32
    %dma_wait3A_109 = arith.constant 0 : i32
    %dma_wait3A_110 = arith.constant 0 : i32
    %dma_wait3A_111 = tpu.memref_slice %arg8[%dma_wait3A_108, %dma_wait3A_109, %dma_wait3A_110] : memref<4x80x32xf32, #tpu.memory_space<vmem>> -> memref<1x80x32xf32, #tpu.memory_space<vmem>>
    %dma_wait3A_112 = tpu.memref_squeeze %dma_wait3A_111 : memref<1x80x32xf32, #tpu.memory_space<vmem>> -> memref<80x32xf32, #tpu.memory_space<vmem>>
    %dma_wait3A_113 = arith.constant 0 : i32
    %dma_wait3A_114 = tpu.memref_slice %arg6[%dma_wait3A_107, %dma_wait3A_113] : memref<125x80xi32, #tpu.memory_space<vmem>> -> memref<1x80xi32, #tpu.memory_space<vmem>>
    %dma_wait3A_115 = tpu.memref_squeeze %dma_wait3A_114 : memref<1x80xi32, #tpu.memory_space<vmem>> -> memref<80xi32, #tpu.memory_space<vmem>>
    %dma_wait3A_116 = arith.constant 0 : i32
    %dma_wait3A_117 = arith.constant 0 : i32
    %dma_wait3A_118 = tpu.memref_slice %arg2[%dma_wait3A_116, %dma_wait3A_117] : memref<10000x32xf32, #tpu.memory_space<hbm>> -> memref<10000x32xf32, #tpu.memory_space<hbm>>
    tpu.wait_indirect_dma semaphore(%arg11 : memref<!tpu.dma_semaphore, #tpu.memory_space<semaphore_mem>>) src(%dma_wait3A_118 : memref<10000x32xf32, #tpu.memory_space<hbm>>) dst(%dma_wait3A_112 : memref<80x32xf32, #tpu.memory_space<vmem>>)
    %dma_start3A_119 = arith.constant 1 : i32
    %dma_start3A_120 = arith.constant 1 : i32
    %dma_start3A_121 = arith.constant 0 : i32
    %dma_start3A_122 = arith.constant 0 : i32
    %dma_start3A_123 = tpu.memref_slice %arg8[%dma_start3A_119, %dma_start3A_121, %dma_start3A_122] : memref<4x80x32xf32, #tpu.memory_space<vmem>> -> memref<1x80x32xf32, #tpu.memory_space<vmem>>
    %dma_start3A_124 = tpu.memref_squeeze %dma_start3A_123 : memref<1x80x32xf32, #tpu.memory_space<vmem>> -> memref<80x32xf32, #tpu.memory_space<vmem>>
    %dma_start3A_125 = arith.constant 0 : i32
    %dma_start3A_126 = tpu.memref_slice %arg7[%dma_start3A_120, %dma_start3A_125] : memref<125x80xi32, #tpu.memory_space<vmem>> -> memref<1x80xi32, #tpu.memory_space<vmem>>
    %dma_start3A_127 = tpu.memref_squeeze %dma_start3A_126 : memref<1x80xi32, #tpu.memory_space<vmem>> -> memref<80xi32, #tpu.memory_space<vmem>>
    %dma_start3A_128 = arith.constant 0 : i32
    %dma_start3A_129 = arith.constant 0 : i32
    %dma_start3A_130 = tpu.memref_slice %arg9[%dma_start3A_128, %dma_start3A_129] : memref<10240x32xf32, #tpu.memory_space<vmem_shared>> -> memref<10240x32xf32, #tpu.memory_space<vmem_shared>>
    tpu.enqueue_indirect_dma source(%dma_start3A_124 : memref<80x32xf32, #tpu.memory_space<vmem>>) target(%dma_start3A_130 : memref<10240x32xf32, #tpu.memory_space<vmem_shared>>) offsets(%dma_start3A_127 : memref<80xi32, #tpu.memory_space<vmem>>) semaphore(%arg15 : memref<!tpu.dma_semaphore, #tpu.memory_space<semaphore_mem>>) {add = true}
    %dma_start3A_131 = arith.constant 3 : i32
    %dma_start3A_132 = arith.constant 3 : i32
    %dma_start3A_133 = arith.constant 0 : i32
    %dma_start3A_134 = arith.constant 0 : i32
    %dma_start3A_135 = tpu.memref_slice %arg8[%dma_start3A_132, %dma_start3A_133, %dma_start3A_134] : memref<4x80x32xf32, #tpu.memory_space<vmem>> -> memref<1x80x32xf32, #tpu.memory_space<vmem>>
    %dma_start3A_136 = tpu.memref_squeeze %dma_start3A_135 : memref<1x80x32xf32, #tpu.memory_space<vmem>> -> memref<80x32xf32, #tpu.memory_space<vmem>>
    %dma_start3A_137 = arith.constant 0 : i32
    %dma_start3A_138 = tpu.memref_slice %arg6[%dma_start3A_131, %dma_start3A_137] : memref<125x80xi32, #tpu.memory_space<vmem>> -> memref<1x80xi32, #tpu.memory_space<vmem>>
    %dma_start3A_139 = tpu.memref_squeeze %dma_start3A_138 : memref<1x80xi32, #tpu.memory_space<vmem>> -> memref<80xi32, #tpu.memory_space<vmem>>
    %dma_start3A_140 = arith.constant 0 : i32
    %dma_start3A_141 = arith.constant 0 : i32
    %dma_start3A_142 = tpu.memref_slice %arg2[%dma_start3A_140, %dma_start3A_141] : memref<10000x32xf32, #tpu.memory_space<hbm>> -> memref<10000x32xf32, #tpu.memory_space<hbm>>
    tpu.enqueue_indirect_dma source(%dma_start3A_142 : memref<10000x32xf32, #tpu.memory_space<hbm>>) target(%dma_start3A_136 : memref<80x32xf32, #tpu.memory_space<vmem>>) offsets(%dma_start3A_139 : memref<80xi32, #tpu.memory_space<vmem>>) semaphore(%arg13 : memref<!tpu.dma_semaphore, #tpu.memory_space<semaphore_mem>>)
    %scan3A = arith.constant 0 : i32
    %scan3A_143 = arith.constant 30 : i32
    %scan3A_144 = arith.addi %scan3A, %scan3A_143 : i32
    %scan3A_145 = arith.constant 1 : i32
    scf.for %scan3A_296 = %scan3A to %scan3A_144 step %scan3A_145  : i32 {
      %mul3A_297 = arith.constant 4 : i32
      %mul3A_298 = arith.muli %mul3A_297, %scan3A_296 : i32
      %add3A_299 = arith.constant 2 : i32
      %add3A_300 = arith.addi %mul3A_298, %add3A_299 : i32
      %add3A_301 = arith.constant 0 : i32
      %add3A_302 = arith.addi %add3A_300, %add3A_301 : i32
      %dma_wait3A_303 = arith.constant 2 : i32
      %dma_wait3A_304 = arith.constant 0 : i32
      %dma_wait3A_305 = arith.constant 0 : i32
      %dma_wait3A_306 = tpu.memref_slice %arg8[%dma_wait3A_303, %dma_wait3A_304, %dma_wait3A_305] : memref<4x80x32xf32, #tpu.memory_space<vmem>> -> memref<1x80x32xf32, #tpu.memory_space<vmem>>
      %dma_wait3A_307 = tpu.memref_squeeze %dma_wait3A_306 : memref<1x80x32xf32, #tpu.memory_space<vmem>> -> memref<80x32xf32, #tpu.memory_space<vmem>>
      %dma_wait3A_308 = arith.constant 0 : i32
      %dma_wait3A_309 = tpu.memref_slice %arg6[%add3A_302, %dma_wait3A_308] : memref<125x80xi32, #tpu.memory_space<vmem>> -> memref<1x80xi32, #tpu.memory_space<vmem>>
      %dma_wait3A_310 = tpu.memref_squeeze %dma_wait3A_309 : memref<1x80xi32, #tpu.memory_space<vmem>> -> memref<80xi32, #tpu.memory_space<vmem>>
      %dma_wait3A_311 = arith.constant 0 : i32
      %dma_wait3A_312 = arith.constant 0 : i32
      %dma_wait3A_313 = tpu.memref_slice %arg2[%dma_wait3A_311, %dma_wait3A_312] : memref<10000x32xf32, #tpu.memory_space<hbm>> -> memref<10000x32xf32, #tpu.memory_space<hbm>>
      tpu.wait_indirect_dma semaphore(%arg12 : memref<!tpu.dma_semaphore, #tpu.memory_space<semaphore_mem>>) src(%dma_wait3A_313 : memref<10000x32xf32, #tpu.memory_space<hbm>>) dst(%dma_wait3A_307 : memref<80x32xf32, #tpu.memory_space<vmem>>)
      %dma_start3A_314 = arith.constant 2 : i32
      %dma_start3A_315 = arith.constant 0 : i32
      %dma_start3A_316 = arith.constant 0 : i32
      %dma_start3A_317 = tpu.memref_slice %arg8[%dma_start3A_314, %dma_start3A_315, %dma_start3A_316] : memref<4x80x32xf32, #tpu.memory_space<vmem>> -> memref<1x80x32xf32, #tpu.memory_space<vmem>>
      %dma_start3A_318 = tpu.memref_squeeze %dma_start3A_317 : memref<1x80x32xf32, #tpu.memory_space<vmem>> -> memref<80x32xf32, #tpu.memory_space<vmem>>
      %dma_start3A_319 = arith.constant 0 : i32
      %dma_start3A_320 = tpu.memref_slice %arg7[%add3A_302, %dma_start3A_319] : memref<125x80xi32, #tpu.memory_space<vmem>> -> memref<1x80xi32, #tpu.memory_space<vmem>>
      %dma_start3A_321 = tpu.memref_squeeze %dma_start3A_320 : memref<1x80xi32, #tpu.memory_space<vmem>> -> memref<80xi32, #tpu.memory_space<vmem>>
      %dma_start3A_322 = arith.constant 0 : i32
      %dma_start3A_323 = arith.constant 0 : i32
      %dma_start3A_324 = tpu.memref_slice %arg9[%dma_start3A_322, %dma_start3A_323] : memref<10240x32xf32, #tpu.memory_space<vmem_shared>> -> memref<10240x32xf32, #tpu.memory_space<vmem_shared>>
      tpu.enqueue_indirect_dma source(%dma_start3A_318 : memref<80x32xf32, #tpu.memory_space<vmem>>) target(%dma_start3A_324 : memref<10240x32xf32, #tpu.memory_space<vmem_shared>>) offsets(%dma_start3A_321 : memref<80xi32, #tpu.memory_space<vmem>>) semaphore(%arg16 : memref<!tpu.dma_semaphore, #tpu.memory_space<semaphore_mem>>) {add = true}
      %sub3A = arith.constant 2 : i32
      %sub3A_325 = arith.subi %add3A_302, %sub3A : i32
      %dma_wait3A_326 = arith.constant 0 : i32
      %dma_wait3A_327 = arith.constant 0 : i32
      %dma_wait3A_328 = arith.constant 0 : i32
      %dma_wait3A_329 = tpu.memref_slice %arg8[%dma_wait3A_326, %dma_wait3A_327, %dma_wait3A_328] : memref<4x80x32xf32, #tpu.memory_space<vmem>> -> memref<1x80x32xf32, #tpu.memory_space<vmem>>
      %dma_wait3A_330 = tpu.memref_squeeze %dma_wait3A_329 : memref<1x80x32xf32, #tpu.memory_space<vmem>> -> memref<80x32xf32, #tpu.memory_space<vmem>>
      %dma_wait3A_331 = arith.constant 0 : i32
      %dma_wait3A_332 = tpu.memref_slice %arg7[%sub3A_325, %dma_wait3A_331] : memref<125x80xi32, #tpu.memory_space<vmem>> -> memref<1x80xi32, #tpu.memory_space<vmem>>
      %dma_wait3A_333 = tpu.memref_squeeze %dma_wait3A_332 : memref<1x80xi32, #tpu.memory_space<vmem>> -> memref<80xi32, #tpu.memory_space<vmem>>
      %dma_wait3A_334 = arith.constant 0 : i32
      %dma_wait3A_335 = arith.constant 0 : i32
      %dma_wait3A_336 = tpu.memref_slice %arg9[%dma_wait3A_334, %dma_wait3A_335] : memref<10240x32xf32, #tpu.memory_space<vmem_shared>> -> memref<10240x32xf32, #tpu.memory_space<vmem_shared>>
      tpu.wait_indirect_dma semaphore(%arg14 : memref<!tpu.dma_semaphore, #tpu.memory_space<semaphore_mem>>) src(%dma_wait3A_330 : memref<80x32xf32, #tpu.memory_space<vmem>>) dst(%dma_wait3A_336 : memref<10240x32xf32, #tpu.memory_space<vmem_shared>>)
      %add3A_337 = arith.constant 2 : i32
      %add3A_338 = arith.addi %add3A_302, %add3A_337 : i32
      %lt3A = arith.constant 125 : i32
      %lt3A_339 = arith.cmpi slt, %add3A_338, %lt3A : i32
      %convert_element_type3A = arith.extui %lt3A_339 : i1 to i32
      %cond3A = arith.constant 0 : i32
      %cond3A_340 = arith.cmpi ne, %convert_element_type3A, %cond3A : i32
      scf.if %cond3A_340 {
        %add3A_485 = arith.constant 2 : i32
        %add3A_486 = arith.addi %add3A_302, %add3A_485 : i32
        %dma_start3A_487 = arith.constant 0 : i32
        %dma_start3A_488 = arith.constant 0 : i32
        %dma_start3A_489 = arith.constant 0 : i32
        %dma_start3A_490 = tpu.memref_slice %arg8[%dma_start3A_487, %dma_start3A_488, %dma_start3A_489] : memref<4x80x32xf32, #tpu.memory_space<vmem>> -> memref<1x80x32xf32, #tpu.memory_space<vmem>>
        %dma_start3A_491 = tpu.memref_squeeze %dma_start3A_490 : memref<1x80x32xf32, #tpu.memory_space<vmem>> -> memref<80x32xf32, #tpu.memory_space<vmem>>
        %dma_start3A_492 = arith.constant 0 : i32
        %dma_start3A_493 = tpu.memref_slice %arg6[%add3A_486, %dma_start3A_492] : memref<125x80xi32, #tpu.memory_space<vmem>> -> memref<1x80xi32, #tpu.memory_space<vmem>>
        %dma_start3A_494 = tpu.memref_squeeze %dma_start3A_493 : memref<1x80xi32, #tpu.memory_space<vmem>> -> memref<80xi32, #tpu.memory_space<vmem>>
        %dma_start3A_495 = arith.constant 0 : i32
        %dma_start3A_496 = arith.constant 0 : i32
        %dma_start3A_497 = tpu.memref_slice %arg2[%dma_start3A_495, %dma_start3A_496] : memref<10000x32xf32, #tpu.memory_space<hbm>> -> memref<10000x32xf32, #tpu.memory_space<hbm>>
        tpu.enqueue_indirect_dma source(%dma_start3A_497 : memref<10000x32xf32, #tpu.memory_space<hbm>>) target(%dma_start3A_491 : memref<80x32xf32, #tpu.memory_space<vmem>>) offsets(%dma_start3A_494 : memref<80xi32, #tpu.memory_space<vmem>>) semaphore(%arg10 : memref<!tpu.dma_semaphore, #tpu.memory_space<semaphore_mem>>)
      } else {
      }
      %mul3A_341 = arith.constant 4 : i32
      %mul3A_342 = arith.muli %mul3A_341, %scan3A_296 : i32
      %add3A_343 = arith.constant 2 : i32
      %add3A_344 = arith.addi %mul3A_342, %add3A_343 : i32
      %add3A_345 = arith.constant 1 : i32
      %add3A_346 = arith.addi %add3A_344, %add3A_345 : i32
      %dma_wait3A_347 = arith.constant 3 : i32
      %dma_wait3A_348 = arith.constant 0 : i32
      %dma_wait3A_349 = arith.constant 0 : i32
      %dma_wait3A_350 = tpu.memref_slice %arg8[%dma_wait3A_347, %dma_wait3A_348, %dma_wait3A_349] : memref<4x80x32xf32, #tpu.memory_space<vmem>> -> memref<1x80x32xf32, #tpu.memory_space<vmem>>
      %dma_wait3A_351 = tpu.memref_squeeze %dma_wait3A_350 : memref<1x80x32xf32, #tpu.memory_space<vmem>> -> memref<80x32xf32, #tpu.memory_space<vmem>>
      %dma_wait3A_352 = arith.constant 0 : i32
      %dma_wait3A_353 = tpu.memref_slice %arg6[%add3A_346, %dma_wait3A_352] : memref<125x80xi32, #tpu.memory_space<vmem>> -> memref<1x80xi32, #tpu.memory_space<vmem>>
      %dma_wait3A_354 = tpu.memref_squeeze %dma_wait3A_353 : memref<1x80xi32, #tpu.memory_space<vmem>> -> memref<80xi32, #tpu.memory_space<vmem>>
      %dma_wait3A_355 = arith.constant 0 : i32
      %dma_wait3A_356 = arith.constant 0 : i32
      %dma_wait3A_357 = tpu.memref_slice %arg2[%dma_wait3A_355, %dma_wait3A_356] : memref<10000x32xf32, #tpu.memory_space<hbm>> -> memref<10000x32xf32, #tpu.memory_space<hbm>>
      tpu.wait_indirect_dma semaphore(%arg13 : memref<!tpu.dma_semaphore, #tpu.memory_space<semaphore_mem>>) src(%dma_wait3A_357 : memref<10000x32xf32, #tpu.memory_space<hbm>>) dst(%dma_wait3A_351 : memref<80x32xf32, #tpu.memory_space<vmem>>)
      %dma_start3A_358 = arith.constant 3 : i32
      %dma_start3A_359 = arith.constant 0 : i32
      %dma_start3A_360 = arith.constant 0 : i32
      %dma_start3A_361 = tpu.memref_slice %arg8[%dma_start3A_358, %dma_start3A_359, %dma_start3A_360] : memref<4x80x32xf32, #tpu.memory_space<vmem>> -> memref<1x80x32xf32, #tpu.memory_space<vmem>>
      %dma_start3A_362 = tpu.memref_squeeze %dma_start3A_361 : memref<1x80x32xf32, #tpu.memory_space<vmem>> -> memref<80x32xf32, #tpu.memory_space<vmem>>
      %dma_start3A_363 = arith.constant 0 : i32
      %dma_start3A_364 = tpu.memref_slice %arg7[%add3A_346, %dma_start3A_363] : memref<125x80xi32, #tpu.memory_space<vmem>> -> memref<1x80xi32, #tpu.memory_space<vmem>>
      %dma_start3A_365 = tpu.memref_squeeze %dma_start3A_364 : memref<1x80xi32, #tpu.memory_space<vmem>> -> memref<80xi32, #tpu.memory_space<vmem>>
      %dma_start3A_366 = arith.constant 0 : i32
      %dma_start3A_367 = arith.constant 0 : i32
      %dma_start3A_368 = tpu.memref_slice %arg9[%dma_start3A_366, %dma_start3A_367] : memref<10240x32xf32, #tpu.memory_space<vmem_shared>> -> memref<10240x32xf32, #tpu.memory_space<vmem_shared>>
      tpu.enqueue_indirect_dma source(%dma_start3A_362 : memref<80x32xf32, #tpu.memory_space<vmem>>) target(%dma_start3A_368 : memref<10240x32xf32, #tpu.memory_space<vmem_shared>>) offsets(%dma_start3A_365 : memref<80xi32, #tpu.memory_space<vmem>>) semaphore(%arg17 : memref<!tpu.dma_semaphore, #tpu.memory_space<semaphore_mem>>) {add = true}
      %sub3A_369 = arith.constant 2 : i32
      %sub3A_370 = arith.subi %add3A_346, %sub3A_369 : i32
      %dma_wait3A_371 = arith.constant 1 : i32
      %dma_wait3A_372 = arith.constant 0 : i32
      %dma_wait3A_373 = arith.constant 0 : i32
      %dma_wait3A_374 = tpu.memref_slice %arg8[%dma_wait3A_371, %dma_wait3A_372, %dma_wait3A_373] : memref<4x80x32xf32, #tpu.memory_space<vmem>> -> memref<1x80x32xf32, #tpu.memory_space<vmem>>
      %dma_wait3A_375 = tpu.memref_squeeze %dma_wait3A_374 : memref<1x80x32xf32, #tpu.memory_space<vmem>> -> memref<80x32xf32, #tpu.memory_space<vmem>>
      %dma_wait3A_376 = arith.constant 0 : i32
      %dma_wait3A_377 = tpu.memref_slice %arg7[%sub3A_370, %dma_wait3A_376] : memref<125x80xi32, #tpu.memory_space<vmem>> -> memref<1x80xi32, #tpu.memory_space<vmem>>
      %dma_wait3A_378 = tpu.memref_squeeze %dma_wait3A_377 : memref<1x80xi32, #tpu.memory_space<vmem>> -> memref<80xi32, #tpu.memory_space<vmem>>
      %dma_wait3A_379 = arith.constant 0 : i32
      %dma_wait3A_380 = arith.constant 0 : i32
      %dma_wait3A_381 = tpu.memref_slice %arg9[%dma_wait3A_379, %dma_wait3A_380] : memref<10240x32xf32, #tpu.memory_space<vmem_shared>> -> memref<10240x32xf32, #tpu.memory_space<vmem_shared>>
      tpu.wait_indirect_dma semaphore(%arg15 : memref<!tpu.dma_semaphore, #tpu.memory_space<semaphore_mem>>) src(%dma_wait3A_375 : memref<80x32xf32, #tpu.memory_space<vmem>>) dst(%dma_wait3A_381 : memref<10240x32xf32, #tpu.memory_space<vmem_shared>>)
      %add3A_382 = arith.constant 2 : i32
      %add3A_383 = arith.addi %add3A_346, %add3A_382 : i32
      %lt3A_384 = arith.constant 125 : i32
      %lt3A_385 = arith.cmpi slt, %add3A_383, %lt3A_384 : i32
      %convert_element_type3A_386 = arith.extui %lt3A_385 : i1 to i32
      %cond3A_387 = arith.constant 0 : i32
      %cond3A_388 = arith.cmpi ne, %convert_element_type3A_386, %cond3A_387 : i32
      scf.if %cond3A_388 {
        %add3A_485 = arith.constant 2 : i32
        %add3A_486 = arith.addi %add3A_346, %add3A_485 : i32
        %dma_start3A_487 = arith.constant 1 : i32
        %dma_start3A_488 = arith.constant 0 : i32
        %dma_start3A_489 = arith.constant 0 : i32
        %dma_start3A_490 = tpu.memref_slice %arg8[%dma_start3A_487, %dma_start3A_488, %dma_start3A_489] : memref<4x80x32xf32, #tpu.memory_space<vmem>> -> memref<1x80x32xf32, #tpu.memory_space<vmem>>
        %dma_start3A_491 = tpu.memref_squeeze %dma_start3A_490 : memref<1x80x32xf32, #tpu.memory_space<vmem>> -> memref<80x32xf32, #tpu.memory_space<vmem>>
        %dma_start3A_492 = arith.constant 0 : i32
        %dma_start3A_493 = tpu.memref_slice %arg6[%add3A_486, %dma_start3A_492] : memref<125x80xi32, #tpu.memory_space<vmem>> -> memref<1x80xi32, #tpu.memory_space<vmem>>
        %dma_start3A_494 = tpu.memref_squeeze %dma_start3A_493 : memref<1x80xi32, #tpu.memory_space<vmem>> -> memref<80xi32, #tpu.memory_space<vmem>>
        %dma_start3A_495 = arith.constant 0 : i32
        %dma_start3A_496 = arith.constant 0 : i32
        %dma_start3A_497 = tpu.memref_slice %arg2[%dma_start3A_495, %dma_start3A_496] : memref<10000x32xf32, #tpu.memory_space<hbm>> -> memref<10000x32xf32, #tpu.memory_space<hbm>>
        tpu.enqueue_indirect_dma source(%dma_start3A_497 : memref<10000x32xf32, #tpu.memory_space<hbm>>) target(%dma_start3A_491 : memref<80x32xf32, #tpu.memory_space<vmem>>) offsets(%dma_start3A_494 : memref<80xi32, #tpu.memory_space<vmem>>) semaphore(%arg11 : memref<!tpu.dma_semaphore, #tpu.memory_space<semaphore_mem>>)
      } else {
      }
      %mul3A_389 = arith.constant 4 : i32
      %mul3A_390 = arith.muli %mul3A_389, %scan3A_296 : i32
      %add3A_391 = arith.constant 2 : i32
      %add3A_392 = arith.addi %mul3A_390, %add3A_391 : i32
      %add3A_393 = arith.constant 2 : i32
      %add3A_394 = arith.addi %add3A_392, %add3A_393 : i32
      %dma_wait3A_395 = arith.constant 0 : i32
      %dma_wait3A_396 = arith.constant 0 : i32
      %dma_wait3A_397 = arith.constant 0 : i32
      %dma_wait3A_398 = tpu.memref_slice %arg8[%dma_wait3A_395, %dma_wait3A_396, %dma_wait3A_397] : memref<4x80x32xf32, #tpu.memory_space<vmem>> -> memref<1x80x32xf32, #tpu.memory_space<vmem>>
      %dma_wait3A_399 = tpu.memref_squeeze %dma_wait3A_398 : memref<1x80x32xf32, #tpu.memory_space<vmem>> -> memref<80x32xf32, #tpu.memory_space<vmem>>
      %dma_wait3A_400 = arith.constant 0 : i32
      %dma_wait3A_401 = tpu.memref_slice %arg6[%add3A_394, %dma_wait3A_400] : memref<125x80xi32, #tpu.memory_space<vmem>> -> memref<1x80xi32, #tpu.memory_space<vmem>>
      %dma_wait3A_402 = tpu.memref_squeeze %dma_wait3A_401 : memref<1x80xi32, #tpu.memory_space<vmem>> -> memref<80xi32, #tpu.memory_space<vmem>>
      %dma_wait3A_403 = arith.constant 0 : i32
      %dma_wait3A_404 = arith.constant 0 : i32
      %dma_wait3A_405 = tpu.memref_slice %arg2[%dma_wait3A_403, %dma_wait3A_404] : memref<10000x32xf32, #tpu.memory_space<hbm>> -> memref<10000x32xf32, #tpu.memory_space<hbm>>
      tpu.wait_indirect_dma semaphore(%arg10 : memref<!tpu.dma_semaphore, #tpu.memory_space<semaphore_mem>>) src(%dma_wait3A_405 : memref<10000x32xf32, #tpu.memory_space<hbm>>) dst(%dma_wait3A_399 : memref<80x32xf32, #tpu.memory_space<vmem>>)
      %dma_start3A_406 = arith.constant 0 : i32
      %dma_start3A_407 = arith.constant 0 : i32
      %dma_start3A_408 = arith.constant 0 : i32
      %dma_start3A_409 = tpu.memref_slice %arg8[%dma_start3A_406, %dma_start3A_407, %dma_start3A_408] : memref<4x80x32xf32, #tpu.memory_space<vmem>> -> memref<1x80x32xf32, #tpu.memory_space<vmem>>
      %dma_start3A_410 = tpu.memref_squeeze %dma_start3A_409 : memref<1x80x32xf32, #tpu.memory_space<vmem>> -> memref<80x32xf32, #tpu.memory_space<vmem>>
      %dma_start3A_411 = arith.constant 0 : i32
      %dma_start3A_412 = tpu.memref_slice %arg7[%add3A_394, %dma_start3A_411] : memref<125x80xi32, #tpu.memory_space<vmem>> -> memref<1x80xi32, #tpu.memory_space<vmem>>
      %dma_start3A_413 = tpu.memref_squeeze %dma_start3A_412 : memref<1x80xi32, #tpu.memory_space<vmem>> -> memref<80xi32, #tpu.memory_space<vmem>>
      %dma_start3A_414 = arith.constant 0 : i32
      %dma_start3A_415 = arith.constant 0 : i32
      %dma_start3A_416 = tpu.memref_slice %arg9[%dma_start3A_414, %dma_start3A_415] : memref<10240x32xf32, #tpu.memory_space<vmem_shared>> -> memref<10240x32xf32, #tpu.memory_space<vmem_shared>>
      tpu.enqueue_indirect_dma source(%dma_start3A_410 : memref<80x32xf32, #tpu.memory_space<vmem>>) target(%dma_start3A_416 : memref<10240x32xf32, #tpu.memory_space<vmem_shared>>) offsets(%dma_start3A_413 : memref<80xi32, #tpu.memory_space<vmem>>) semaphore(%arg14 : memref<!tpu.dma_semaphore, #tpu.memory_space<semaphore_mem>>) {add = true}
      %sub3A_417 = arith.constant 2 : i32
      %sub3A_418 = arith.subi %add3A_394, %sub3A_417 : i32
      %dma_wait3A_419 = arith.constant 2 : i32
      %dma_wait3A_420 = arith.constant 0 : i32
      %dma_wait3A_421 = arith.constant 0 : i32
      %dma_wait3A_422 = tpu.memref_slice %arg8[%dma_wait3A_419, %dma_wait3A_420, %dma_wait3A_421] : memref<4x80x32xf32, #tpu.memory_space<vmem>> -> memref<1x80x32xf32, #tpu.memory_space<vmem>>
      %dma_wait3A_423 = tpu.memref_squeeze %dma_wait3A_422 : memref<1x80x32xf32, #tpu.memory_space<vmem>> -> memref<80x32xf32, #tpu.memory_space<vmem>>
      %dma_wait3A_424 = arith.constant 0 : i32
      %dma_wait3A_425 = tpu.memref_slice %arg7[%sub3A_418, %dma_wait3A_424] : memref<125x80xi32, #tpu.memory_space<vmem>> -> memref<1x80xi32, #tpu.memory_space<vmem>>
      %dma_wait3A_426 = tpu.memref_squeeze %dma_wait3A_425 : memref<1x80xi32, #tpu.memory_space<vmem>> -> memref<80xi32, #tpu.memory_space<vmem>>
      %dma_wait3A_427 = arith.constant 0 : i32
      %dma_wait3A_428 = arith.constant 0 : i32
      %dma_wait3A_429 = tpu.memref_slice %arg9[%dma_wait3A_427, %dma_wait3A_428] : memref<10240x32xf32, #tpu.memory_space<vmem_shared>> -> memref<10240x32xf32, #tpu.memory_space<vmem_shared>>
      tpu.wait_indirect_dma semaphore(%arg16 : memref<!tpu.dma_semaphore, #tpu.memory_space<semaphore_mem>>) src(%dma_wait3A_423 : memref<80x32xf32, #tpu.memory_space<vmem>>) dst(%dma_wait3A_429 : memref<10240x32xf32, #tpu.memory_space<vmem_shared>>)
      %add3A_430 = arith.constant 2 : i32
      %add3A_431 = arith.addi %add3A_394, %add3A_430 : i32
      %lt3A_432 = arith.constant 125 : i32
      %lt3A_433 = arith.cmpi slt, %add3A_431, %lt3A_432 : i32
      %convert_element_type3A_434 = arith.extui %lt3A_433 : i1 to i32
      %cond3A_435 = arith.constant 0 : i32
      %cond3A_436 = arith.cmpi ne, %convert_element_type3A_434, %cond3A_435 : i32
      scf.if %cond3A_436 {
        %add3A_485 = arith.constant 2 : i32
        %add3A_486 = arith.addi %add3A_394, %add3A_485 : i32
        %dma_start3A_487 = arith.constant 2 : i32
        %dma_start3A_488 = arith.constant 0 : i32
        %dma_start3A_489 = arith.constant 0 : i32
        %dma_start3A_490 = tpu.memref_slice %arg8[%dma_start3A_487, %dma_start3A_488, %dma_start3A_489] : memref<4x80x32xf32, #tpu.memory_space<vmem>> -> memref<1x80x32xf32, #tpu.memory_space<vmem>>
        %dma_start3A_491 = tpu.memref_squeeze %dma_start3A_490 : memref<1x80x32xf32, #tpu.memory_space<vmem>> -> memref<80x32xf32, #tpu.memory_space<vmem>>
        %dma_start3A_492 = arith.constant 0 : i32
        %dma_start3A_493 = tpu.memref_slice %arg6[%add3A_486, %dma_start3A_492] : memref<125x80xi32, #tpu.memory_space<vmem>> -> memref<1x80xi32, #tpu.memory_space<vmem>>
        %dma_start3A_494 = tpu.memref_squeeze %dma_start3A_493 : memref<1x80xi32, #tpu.memory_space<vmem>> -> memref<80xi32, #tpu.memory_space<vmem>>
        %dma_start3A_495 = arith.constant 0 : i32
        %dma_start3A_496 = arith.constant 0 : i32
        %dma_start3A_497 = tpu.memref_slice %arg2[%dma_start3A_495, %dma_start3A_496] : memref<10000x32xf32, #tpu.memory_space<hbm>> -> memref<10000x32xf32, #tpu.memory_space<hbm>>
        tpu.enqueue_indirect_dma source(%dma_start3A_497 : memref<10000x32xf32, #tpu.memory_space<hbm>>) target(%dma_start3A_491 : memref<80x32xf32, #tpu.memory_space<vmem>>) offsets(%dma_start3A_494 : memref<80xi32, #tpu.memory_space<vmem>>) semaphore(%arg12 : memref<!tpu.dma_semaphore, #tpu.memory_space<semaphore_mem>>)
      } else {
      }
      %mul3A_437 = arith.constant 4 : i32
      %mul3A_438 = arith.muli %mul3A_437, %scan3A_296 : i32
      %add3A_439 = arith.constant 2 : i32
      %add3A_440 = arith.addi %mul3A_438, %add3A_439 : i32
      %add3A_441 = arith.constant 3 : i32
      %add3A_442 = arith.addi %add3A_440, %add3A_441 : i32
      %dma_wait3A_443 = arith.constant 1 : i32
      %dma_wait3A_444 = arith.constant 0 : i32
      %dma_wait3A_445 = arith.constant 0 : i32
      %dma_wait3A_446 = tpu.memref_slice %arg8[%dma_wait3A_443, %dma_wait3A_444, %dma_wait3A_445] : memref<4x80x32xf32, #tpu.memory_space<vmem>> -> memref<1x80x32xf32, #tpu.memory_space<vmem>>
      %dma_wait3A_447 = tpu.memref_squeeze %dma_wait3A_446 : memref<1x80x32xf32, #tpu.memory_space<vmem>> -> memref<80x32xf32, #tpu.memory_space<vmem>>
      %dma_wait3A_448 = arith.constant 0 : i32
      %dma_wait3A_449 = tpu.memref_slice %arg6[%add3A_442, %dma_wait3A_448] : memref<125x80xi32, #tpu.memory_space<vmem>> -> memref<1x80xi32, #tpu.memory_space<vmem>>
      %dma_wait3A_450 = tpu.memref_squeeze %dma_wait3A_449 : memref<1x80xi32, #tpu.memory_space<vmem>> -> memref<80xi32, #tpu.memory_space<vmem>>
      %dma_wait3A_451 = arith.constant 0 : i32
      %dma_wait3A_452 = arith.constant 0 : i32
      %dma_wait3A_453 = tpu.memref_slice %arg2[%dma_wait3A_451, %dma_wait3A_452] : memref<10000x32xf32, #tpu.memory_space<hbm>> -> memref<10000x32xf32, #tpu.memory_space<hbm>>
      tpu.wait_indirect_dma semaphore(%arg11 : memref<!tpu.dma_semaphore, #tpu.memory_space<semaphore_mem>>) src(%dma_wait3A_453 : memref<10000x32xf32, #tpu.memory_space<hbm>>) dst(%dma_wait3A_447 : memref<80x32xf32, #tpu.memory_space<vmem>>)
      %dma_start3A_454 = arith.constant 1 : i32
      %dma_start3A_455 = arith.constant 0 : i32
      %dma_start3A_456 = arith.constant 0 : i32
      %dma_start3A_457 = tpu.memref_slice %arg8[%dma_start3A_454, %dma_start3A_455, %dma_start3A_456] : memref<4x80x32xf32, #tpu.memory_space<vmem>> -> memref<1x80x32xf32, #tpu.memory_space<vmem>>
      %dma_start3A_458 = tpu.memref_squeeze %dma_start3A_457 : memref<1x80x32xf32, #tpu.memory_space<vmem>> -> memref<80x32xf32, #tpu.memory_space<vmem>>
      %dma_start3A_459 = arith.constant 0 : i32
      %dma_start3A_460 = tpu.memref_slice %arg7[%add3A_442, %dma_start3A_459] : memref<125x80xi32, #tpu.memory_space<vmem>> -> memref<1x80xi32, #tpu.memory_space<vmem>>
      %dma_start3A_461 = tpu.memref_squeeze %dma_start3A_460 : memref<1x80xi32, #tpu.memory_space<vmem>> -> memref<80xi32, #tpu.memory_space<vmem>>
      %dma_start3A_462 = arith.constant 0 : i32
      %dma_start3A_463 = arith.constant 0 : i32
      %dma_start3A_464 = tpu.memref_slice %arg9[%dma_start3A_462, %dma_start3A_463] : memref<10240x32xf32, #tpu.memory_space<vmem_shared>> -> memref<10240x32xf32, #tpu.memory_space<vmem_shared>>
      tpu.enqueue_indirect_dma source(%dma_start3A_458 : memref<80x32xf32, #tpu.memory_space<vmem>>) target(%dma_start3A_464 : memref<10240x32xf32, #tpu.memory_space<vmem_shared>>) offsets(%dma_start3A_461 : memref<80xi32, #tpu.memory_space<vmem>>) semaphore(%arg15 : memref<!tpu.dma_semaphore, #tpu.memory_space<semaphore_mem>>) {add = true}
      %sub3A_465 = arith.constant 2 : i32
      %sub3A_466 = arith.subi %add3A_442, %sub3A_465 : i32
      %dma_wait3A_467 = arith.constant 3 : i32
      %dma_wait3A_468 = arith.constant 0 : i32
      %dma_wait3A_469 = arith.constant 0 : i32
      %dma_wait3A_470 = tpu.memref_slice %arg8[%dma_wait3A_467, %dma_wait3A_468, %dma_wait3A_469] : memref<4x80x32xf32, #tpu.memory_space<vmem>> -> memref<1x80x32xf32, #tpu.memory_space<vmem>>
      %dma_wait3A_471 = tpu.memref_squeeze %dma_wait3A_470 : memref<1x80x32xf32, #tpu.memory_space<vmem>> -> memref<80x32xf32, #tpu.memory_space<vmem>>
      %dma_wait3A_472 = arith.constant 0 : i32
      %dma_wait3A_473 = tpu.memref_slice %arg7[%sub3A_466, %dma_wait3A_472] : memref<125x80xi32, #tpu.memory_space<vmem>> -> memref<1x80xi32, #tpu.memory_space<vmem>>
      %dma_wait3A_474 = tpu.memref_squeeze %dma_wait3A_473 : memref<1x80xi32, #tpu.memory_space<vmem>> -> memref<80xi32, #tpu.memory_space<vmem>>
      %dma_wait3A_475 = arith.constant 0 : i32
      %dma_wait3A_476 = arith.constant 0 : i32
      %dma_wait3A_477 = tpu.memref_slice %arg9[%dma_wait3A_475, %dma_wait3A_476] : memref<10240x32xf32, #tpu.memory_space<vmem_shared>> -> memref<10240x32xf32, #tpu.memory_space<vmem_shared>>
      tpu.wait_indirect_dma semaphore(%arg17 : memref<!tpu.dma_semaphore, #tpu.memory_space<semaphore_mem>>) src(%dma_wait3A_471 : memref<80x32xf32, #tpu.memory_space<vmem>>) dst(%dma_wait3A_477 : memref<10240x32xf32, #tpu.memory_space<vmem_shared>>)
      %add3A_478 = arith.constant 2 : i32
      %add3A_479 = arith.addi %add3A_442, %add3A_478 : i32
      %lt3A_480 = arith.constant 125 : i32
      %lt3A_481 = arith.cmpi slt, %add3A_479, %lt3A_480 : i32
      %convert_element_type3A_482 = arith.extui %lt3A_481 : i1 to i32
      %cond3A_483 = arith.constant 0 : i32
      %cond3A_484 = arith.cmpi ne, %convert_element_type3A_482, %cond3A_483 : i32
      scf.if %cond3A_484 {
        %add3A_485 = arith.constant 2 : i32
        %add3A_486 = arith.addi %add3A_442, %add3A_485 : i32
        %dma_start3A_487 = arith.constant 3 : i32
        %dma_start3A_488 = arith.constant 0 : i32
        %dma_start3A_489 = arith.constant 0 : i32
        %dma_start3A_490 = tpu.memref_slice %arg8[%dma_start3A_487, %dma_start3A_488, %dma_start3A_489] : memref<4x80x32xf32, #tpu.memory_space<vmem>> -> memref<1x80x32xf32, #tpu.memory_space<vmem>>
        %dma_start3A_491 = tpu.memref_squeeze %dma_start3A_490 : memref<1x80x32xf32, #tpu.memory_space<vmem>> -> memref<80x32xf32, #tpu.memory_space<vmem>>
        %dma_start3A_492 = arith.constant 0 : i32
        %dma_start3A_493 = tpu.memref_slice %arg6[%add3A_486, %dma_start3A_492] : memref<125x80xi32, #tpu.memory_space<vmem>> -> memref<1x80xi32, #tpu.memory_space<vmem>>
        %dma_start3A_494 = tpu.memref_squeeze %dma_start3A_493 : memref<1x80xi32, #tpu.memory_space<vmem>> -> memref<80xi32, #tpu.memory_space<vmem>>
        %dma_start3A_495 = arith.constant 0 : i32
        %dma_start3A_496 = arith.constant 0 : i32
        %dma_start3A_497 = tpu.memref_slice %arg2[%dma_start3A_495, %dma_start3A_496] : memref<10000x32xf32, #tpu.memory_space<hbm>> -> memref<10000x32xf32, #tpu.memory_space<hbm>>
        tpu.enqueue_indirect_dma source(%dma_start3A_497 : memref<10000x32xf32, #tpu.memory_space<hbm>>) target(%dma_start3A_491 : memref<80x32xf32, #tpu.memory_space<vmem>>) offsets(%dma_start3A_494 : memref<80xi32, #tpu.memory_space<vmem>>) semaphore(%arg13 : memref<!tpu.dma_semaphore, #tpu.memory_space<semaphore_mem>>)
      } else {
      }
    }
    %scan3A_146 = arith.constant 30 : i32
    %dma_wait3A_147 = arith.constant 122 : i32
    %dma_wait3A_148 = arith.constant 2 : i32
    %dma_wait3A_149 = arith.constant 0 : i32
    %dma_wait3A_150 = arith.constant 0 : i32
    %dma_wait3A_151 = tpu.memref_slice %arg8[%dma_wait3A_148, %dma_wait3A_149, %dma_wait3A_150] : memref<4x80x32xf32, #tpu.memory_space<vmem>> -> memref<1x80x32xf32, #tpu.memory_space<vmem>>
    %dma_wait3A_152 = tpu.memref_squeeze %dma_wait3A_151 : memref<1x80x32xf32, #tpu.memory_space<vmem>> -> memref<80x32xf32, #tpu.memory_space<vmem>>
    %dma_wait3A_153 = arith.constant 0 : i32
    %dma_wait3A_154 = tpu.memref_slice %arg6[%dma_wait3A_147, %dma_wait3A_153] : memref<125x80xi32, #tpu.memory_space<vmem>> -> memref<1x80xi32, #tpu.memory_space<vmem>>
    %dma_wait3A_155 = tpu.memref_squeeze %dma_wait3A_154 : memref<1x80xi32, #tpu.memory_space<vmem>> -> memref<80xi32, #tpu.memory_space<vmem>>
    %dma_wait3A_156 = arith.constant 0 : i32
    %dma_wait3A_157 = arith.constant 0 : i32
    %dma_wait3A_158 = tpu.memref_slice %arg2[%dma_wait3A_156, %dma_wait3A_157] : memref<10000x32xf32, #tpu.memory_space<hbm>> -> memref<10000x32xf32, #tpu.memory_space<hbm>>
    tpu.wait_indirect_dma semaphore(%arg12 : memref<!tpu.dma_semaphore, #tpu.memory_space<semaphore_mem>>) src(%dma_wait3A_158 : memref<10000x32xf32, #tpu.memory_space<hbm>>) dst(%dma_wait3A_152 : memref<80x32xf32, #tpu.memory_space<vmem>>)
    %dma_start3A_159 = arith.constant 2 : i32
    %dma_start3A_160 = arith.constant 122 : i32
    %dma_start3A_161 = arith.constant 0 : i32
    %dma_start3A_162 = arith.constant 0 : i32
    %dma_start3A_163 = tpu.memref_slice %arg8[%dma_start3A_159, %dma_start3A_161, %dma_start3A_162] : memref<4x80x32xf32, #tpu.memory_space<vmem>> -> memref<1x80x32xf32, #tpu.memory_space<vmem>>
    %dma_start3A_164 = tpu.memref_squeeze %dma_start3A_163 : memref<1x80x32xf32, #tpu.memory_space<vmem>> -> memref<80x32xf32, #tpu.memory_space<vmem>>
    %dma_start3A_165 = arith.constant 0 : i32
    %dma_start3A_166 = tpu.memref_slice %arg7[%dma_start3A_160, %dma_start3A_165] : memref<125x80xi32, #tpu.memory_space<vmem>> -> memref<1x80xi32, #tpu.memory_space<vmem>>
    %dma_start3A_167 = tpu.memref_squeeze %dma_start3A_166 : memref<1x80xi32, #tpu.memory_space<vmem>> -> memref<80xi32, #tpu.memory_space<vmem>>
    %dma_start3A_168 = arith.constant 0 : i32
    %dma_start3A_169 = arith.constant 0 : i32
    %dma_start3A_170 = tpu.memref_slice %arg9[%dma_start3A_168, %dma_start3A_169] : memref<10240x32xf32, #tpu.memory_space<vmem_shared>> -> memref<10240x32xf32, #tpu.memory_space<vmem_shared>>
    tpu.enqueue_indirect_dma source(%dma_start3A_164 : memref<80x32xf32, #tpu.memory_space<vmem>>) target(%dma_start3A_170 : memref<10240x32xf32, #tpu.memory_space<vmem_shared>>) offsets(%dma_start3A_167 : memref<80xi32, #tpu.memory_space<vmem>>) semaphore(%arg16 : memref<!tpu.dma_semaphore, #tpu.memory_space<semaphore_mem>>) {add = true}
    %dma_wait3A_171 = arith.constant 0 : i32
    %dma_wait3A_172 = arith.constant 120 : i32
    %dma_wait3A_173 = arith.constant 0 : i32
    %dma_wait3A_174 = arith.constant 0 : i32
    %dma_wait3A_175 = tpu.memref_slice %arg8[%dma_wait3A_171, %dma_wait3A_173, %dma_wait3A_174] : memref<4x80x32xf32, #tpu.memory_space<vmem>> -> memref<1x80x32xf32, #tpu.memory_space<vmem>>
    %dma_wait3A_176 = tpu.memref_squeeze %dma_wait3A_175 : memref<1x80x32xf32, #tpu.memory_space<vmem>> -> memref<80x32xf32, #tpu.memory_space<vmem>>
    %dma_wait3A_177 = arith.constant 0 : i32
    %dma_wait3A_178 = tpu.memref_slice %arg7[%dma_wait3A_172, %dma_wait3A_177] : memref<125x80xi32, #tpu.memory_space<vmem>> -> memref<1x80xi32, #tpu.memory_space<vmem>>
    %dma_wait3A_179 = tpu.memref_squeeze %dma_wait3A_178 : memref<1x80xi32, #tpu.memory_space<vmem>> -> memref<80xi32, #tpu.memory_space<vmem>>
    %dma_wait3A_180 = arith.constant 0 : i32
    %dma_wait3A_181 = arith.constant 0 : i32
    %dma_wait3A_182 = tpu.memref_slice %arg9[%dma_wait3A_180, %dma_wait3A_181] : memref<10240x32xf32, #tpu.memory_space<vmem_shared>> -> memref<10240x32xf32, #tpu.memory_space<vmem_shared>>
    tpu.wait_indirect_dma semaphore(%arg14 : memref<!tpu.dma_semaphore, #tpu.memory_space<semaphore_mem>>) src(%dma_wait3A_176 : memref<80x32xf32, #tpu.memory_space<vmem>>) dst(%dma_wait3A_182 : memref<10240x32xf32, #tpu.memory_space<vmem_shared>>)
    %dma_start3A_183 = arith.constant 124 : i32
    %dma_start3A_184 = arith.constant 0 : i32
    %dma_start3A_185 = arith.constant 0 : i32
    %dma_start3A_186 = arith.constant 0 : i32
    %dma_start3A_187 = tpu.memref_slice %arg8[%dma_start3A_184, %dma_start3A_185, %dma_start3A_186] : memref<4x80x32xf32, #tpu.memory_space<vmem>> -> memref<1x80x32xf32, #tpu.memory_space<vmem>>
    %dma_start3A_188 = tpu.memref_squeeze %dma_start3A_187 : memref<1x80x32xf32, #tpu.memory_space<vmem>> -> memref<80x32xf32, #tpu.memory_space<vmem>>
    %dma_start3A_189 = arith.constant 0 : i32
    %dma_start3A_190 = tpu.memref_slice %arg6[%dma_start3A_183, %dma_start3A_189] : memref<125x80xi32, #tpu.memory_space<vmem>> -> memref<1x80xi32, #tpu.memory_space<vmem>>
    %dma_start3A_191 = tpu.memref_squeeze %dma_start3A_190 : memref<1x80xi32, #tpu.memory_space<vmem>> -> memref<80xi32, #tpu.memory_space<vmem>>
    %dma_start3A_192 = arith.constant 0 : i32
    %dma_start3A_193 = arith.constant 0 : i32
    %dma_start3A_194 = tpu.memref_slice %arg2[%dma_start3A_192, %dma_start3A_193] : memref<10000x32xf32, #tpu.memory_space<hbm>> -> memref<10000x32xf32, #tpu.memory_space<hbm>>
    tpu.enqueue_indirect_dma source(%dma_start3A_194 : memref<10000x32xf32, #tpu.memory_space<hbm>>) target(%dma_start3A_188 : memref<80x32xf32, #tpu.memory_space<vmem>>) offsets(%dma_start3A_191 : memref<80xi32, #tpu.memory_space<vmem>>) semaphore(%arg10 : memref<!tpu.dma_semaphore, #tpu.memory_space<semaphore_mem>>)
    %dma_wait3A_195 = arith.constant 123 : i32
    %dma_wait3A_196 = arith.constant 3 : i32
    %dma_wait3A_197 = arith.constant 0 : i32
    %dma_wait3A_198 = arith.constant 0 : i32
    %dma_wait3A_199 = tpu.memref_slice %arg8[%dma_wait3A_196, %dma_wait3A_197, %dma_wait3A_198] : memref<4x80x32xf32, #tpu.memory_space<vmem>> -> memref<1x80x32xf32, #tpu.memory_space<vmem>>
    %dma_wait3A_200 = tpu.memref_squeeze %dma_wait3A_199 : memref<1x80x32xf32, #tpu.memory_space<vmem>> -> memref<80x32xf32, #tpu.memory_space<vmem>>
    %dma_wait3A_201 = arith.constant 0 : i32
    %dma_wait3A_202 = tpu.memref_slice %arg6[%dma_wait3A_195, %dma_wait3A_201] : memref<125x80xi32, #tpu.memory_space<vmem>> -> memref<1x80xi32, #tpu.memory_space<vmem>>
    %dma_wait3A_203 = tpu.memref_squeeze %dma_wait3A_202 : memref<1x80xi32, #tpu.memory_space<vmem>> -> memref<80xi32, #tpu.memory_space<vmem>>
    %dma_wait3A_204 = arith.constant 0 : i32
    %dma_wait3A_205 = arith.constant 0 : i32
    %dma_wait3A_206 = tpu.memref_slice %arg2[%dma_wait3A_204, %dma_wait3A_205] : memref<10000x32xf32, #tpu.memory_space<hbm>> -> memref<10000x32xf32, #tpu.memory_space<hbm>>
    tpu.wait_indirect_dma semaphore(%arg13 : memref<!tpu.dma_semaphore, #tpu.memory_space<semaphore_mem>>) src(%dma_wait3A_206 : memref<10000x32xf32, #tpu.memory_space<hbm>>) dst(%dma_wait3A_200 : memref<80x32xf32, #tpu.memory_space<vmem>>)
    %dma_start3A_207 = arith.constant 3 : i32
    %dma_start3A_208 = arith.constant 123 : i32
    %dma_start3A_209 = arith.constant 0 : i32
    %dma_start3A_210 = arith.constant 0 : i32
    %dma_start3A_211 = tpu.memref_slice %arg8[%dma_start3A_207, %dma_start3A_209, %dma_start3A_210] : memref<4x80x32xf32, #tpu.memory_space<vmem>> -> memref<1x80x32xf32, #tpu.memory_space<vmem>>
    %dma_start3A_212 = tpu.memref_squeeze %dma_start3A_211 : memref<1x80x32xf32, #tpu.memory_space<vmem>> -> memref<80x32xf32, #tpu.memory_space<vmem>>
    %dma_start3A_213 = arith.constant 0 : i32
    %dma_start3A_214 = tpu.memref_slice %arg7[%dma_start3A_208, %dma_start3A_213] : memref<125x80xi32, #tpu.memory_space<vmem>> -> memref<1x80xi32, #tpu.memory_space<vmem>>
    %dma_start3A_215 = tpu.memref_squeeze %dma_start3A_214 : memref<1x80xi32, #tpu.memory_space<vmem>> -> memref<80xi32, #tpu.memory_space<vmem>>
    %dma_start3A_216 = arith.constant 0 : i32
    %dma_start3A_217 = arith.constant 0 : i32
    %dma_start3A_218 = tpu.memref_slice %arg9[%dma_start3A_216, %dma_start3A_217] : memref<10240x32xf32, #tpu.memory_space<vmem_shared>> -> memref<10240x32xf32, #tpu.memory_space<vmem_shared>>
    tpu.enqueue_indirect_dma source(%dma_start3A_212 : memref<80x32xf32, #tpu.memory_space<vmem>>) target(%dma_start3A_218 : memref<10240x32xf32, #tpu.memory_space<vmem_shared>>) offsets(%dma_start3A_215 : memref<80xi32, #tpu.memory_space<vmem>>) semaphore(%arg17 : memref<!tpu.dma_semaphore, #tpu.memory_space<semaphore_mem>>) {add = true}
    %dma_wait3A_219 = arith.constant 1 : i32
    %dma_wait3A_220 = arith.constant 121 : i32
    %dma_wait3A_221 = arith.constant 0 : i32
    %dma_wait3A_222 = arith.constant 0 : i32
    %dma_wait3A_223 = tpu.memref_slice %arg8[%dma_wait3A_219, %dma_wait3A_221, %dma_wait3A_222] : memref<4x80x32xf32, #tpu.memory_space<vmem>> -> memref<1x80x32xf32, #tpu.memory_space<vmem>>
    %dma_wait3A_224 = tpu.memref_squeeze %dma_wait3A_223 : memref<1x80x32xf32, #tpu.memory_space<vmem>> -> memref<80x32xf32, #tpu.memory_space<vmem>>
    %dma_wait3A_225 = arith.constant 0 : i32
    %dma_wait3A_226 = tpu.memref_slice %arg7[%dma_wait3A_220, %dma_wait3A_225] : memref<125x80xi32, #tpu.memory_space<vmem>> -> memref<1x80xi32, #tpu.memory_space<vmem>>
    %dma_wait3A_227 = tpu.memref_squeeze %dma_wait3A_226 : memref<1x80xi32, #tpu.memory_space<vmem>> -> memref<80xi32, #tpu.memory_space<vmem>>
    %dma_wait3A_228 = arith.constant 0 : i32
    %dma_wait3A_229 = arith.constant 0 : i32
    %dma_wait3A_230 = tpu.memref_slice %arg9[%dma_wait3A_228, %dma_wait3A_229] : memref<10240x32xf32, #tpu.memory_space<vmem_shared>> -> memref<10240x32xf32, #tpu.memory_space<vmem_shared>>
    tpu.wait_indirect_dma semaphore(%arg15 : memref<!tpu.dma_semaphore, #tpu.memory_space<semaphore_mem>>) src(%dma_wait3A_224 : memref<80x32xf32, #tpu.memory_space<vmem>>) dst(%dma_wait3A_230 : memref<10240x32xf32, #tpu.memory_space<vmem_shared>>)
    %dma_wait3A_231 = arith.constant 124 : i32
    %dma_wait3A_232 = arith.constant 0 : i32
    %dma_wait3A_233 = arith.constant 0 : i32
    %dma_wait3A_234 = arith.constant 0 : i32
    %dma_wait3A_235 = tpu.memref_slice %arg8[%dma_wait3A_232, %dma_wait3A_233, %dma_wait3A_234] : memref<4x80x32xf32, #tpu.memory_space<vmem>> -> memref<1x80x32xf32, #tpu.memory_space<vmem>>
    %dma_wait3A_236 = tpu.memref_squeeze %dma_wait3A_235 : memref<1x80x32xf32, #tpu.memory_space<vmem>> -> memref<80x32xf32, #tpu.memory_space<vmem>>
    %dma_wait3A_237 = arith.constant 0 : i32
    %dma_wait3A_238 = tpu.memref_slice %arg6[%dma_wait3A_231, %dma_wait3A_237] : memref<125x80xi32, #tpu.memory_space<vmem>> -> memref<1x80xi32, #tpu.memory_space<vmem>>
    %dma_wait3A_239 = tpu.memref_squeeze %dma_wait3A_238 : memref<1x80xi32, #tpu.memory_space<vmem>> -> memref<80xi32, #tpu.memory_space<vmem>>
    %dma_wait3A_240 = arith.constant 0 : i32
    %dma_wait3A_241 = arith.constant 0 : i32
    %dma_wait3A_242 = tpu.memref_slice %arg2[%dma_wait3A_240, %dma_wait3A_241] : memref<10000x32xf32, #tpu.memory_space<hbm>> -> memref<10000x32xf32, #tpu.memory_space<hbm>>
    tpu.wait_indirect_dma semaphore(%arg10 : memref<!tpu.dma_semaphore, #tpu.memory_space<semaphore_mem>>) src(%dma_wait3A_242 : memref<10000x32xf32, #tpu.memory_space<hbm>>) dst(%dma_wait3A_236 : memref<80x32xf32, #tpu.memory_space<vmem>>)
    %dma_start3A_243 = arith.constant 0 : i32
    %dma_start3A_244 = arith.constant 124 : i32
    %dma_start3A_245 = arith.constant 0 : i32
    %dma_start3A_246 = arith.constant 0 : i32
    %dma_start3A_247 = tpu.memref_slice %arg8[%dma_start3A_243, %dma_start3A_245, %dma_start3A_246] : memref<4x80x32xf32, #tpu.memory_space<vmem>> -> memref<1x80x32xf32, #tpu.memory_space<vmem>>
    %dma_start3A_248 = tpu.memref_squeeze %dma_start3A_247 : memref<1x80x32xf32, #tpu.memory_space<vmem>> -> memref<80x32xf32, #tpu.memory_space<vmem>>
    %dma_start3A_249 = arith.constant 0 : i32
    %dma_start3A_250 = tpu.memref_slice %arg7[%dma_start3A_244, %dma_start3A_249] : memref<125x80xi32, #tpu.memory_space<vmem>> -> memref<1x80xi32, #tpu.memory_space<vmem>>
    %dma_start3A_251 = tpu.memref_squeeze %dma_start3A_250 : memref<1x80xi32, #tpu.memory_space<vmem>> -> memref<80xi32, #tpu.memory_space<vmem>>
    %dma_start3A_252 = arith.constant 0 : i32
    %dma_start3A_253 = arith.constant 0 : i32
    %dma_start3A_254 = tpu.memref_slice %arg9[%dma_start3A_252, %dma_start3A_253] : memref<10240x32xf32, #tpu.memory_space<vmem_shared>> -> memref<10240x32xf32, #tpu.memory_space<vmem_shared>>
    tpu.enqueue_indirect_dma source(%dma_start3A_248 : memref<80x32xf32, #tpu.memory_space<vmem>>) target(%dma_start3A_254 : memref<10240x32xf32, #tpu.memory_space<vmem_shared>>) offsets(%dma_start3A_251 : memref<80xi32, #tpu.memory_space<vmem>>) semaphore(%arg14 : memref<!tpu.dma_semaphore, #tpu.memory_space<semaphore_mem>>) {add = true}
    %dma_wait3A_255 = arith.constant 2 : i32
    %dma_wait3A_256 = arith.constant 122 : i32
    %dma_wait3A_257 = arith.constant 0 : i32
    %dma_wait3A_258 = arith.constant 0 : i32
    %dma_wait3A_259 = tpu.memref_slice %arg8[%dma_wait3A_255, %dma_wait3A_257, %dma_wait3A_258] : memref<4x80x32xf32, #tpu.memory_space<vmem>> -> memref<1x80x32xf32, #tpu.memory_space<vmem>>
    %dma_wait3A_260 = tpu.memref_squeeze %dma_wait3A_259 : memref<1x80x32xf32, #tpu.memory_space<vmem>> -> memref<80x32xf32, #tpu.memory_space<vmem>>
    %dma_wait3A_261 = arith.constant 0 : i32
    %dma_wait3A_262 = tpu.memref_slice %arg7[%dma_wait3A_256, %dma_wait3A_261] : memref<125x80xi32, #tpu.memory_space<vmem>> -> memref<1x80xi32, #tpu.memory_space<vmem>>
    %dma_wait3A_263 = tpu.memref_squeeze %dma_wait3A_262 : memref<1x80xi32, #tpu.memory_space<vmem>> -> memref<80xi32, #tpu.memory_space<vmem>>
    %dma_wait3A_264 = arith.constant 0 : i32
    %dma_wait3A_265 = arith.constant 0 : i32
    %dma_wait3A_266 = tpu.memref_slice %arg9[%dma_wait3A_264, %dma_wait3A_265] : memref<10240x32xf32, #tpu.memory_space<vmem_shared>> -> memref<10240x32xf32, #tpu.memory_space<vmem_shared>>
    tpu.wait_indirect_dma semaphore(%arg16 : memref<!tpu.dma_semaphore, #tpu.memory_space<semaphore_mem>>) src(%dma_wait3A_260 : memref<80x32xf32, #tpu.memory_space<vmem>>) dst(%dma_wait3A_266 : memref<10240x32xf32, #tpu.memory_space<vmem_shared>>)
    %dma_wait3A_267 = arith.constant 3 : i32
    %dma_wait3A_268 = arith.constant 123 : i32
    %dma_wait3A_269 = arith.constant 0 : i32
    %dma_wait3A_270 = arith.constant 0 : i32
    %dma_wait3A_271 = tpu.memref_slice %arg8[%dma_wait3A_267, %dma_wait3A_269, %dma_wait3A_270] : memref<4x80x32xf32, #tpu.memory_space<vmem>> -> memref<1x80x32xf32, #tpu.memory_space<vmem>>
    %dma_wait3A_272 = tpu.memref_squeeze %dma_wait3A_271 : memref<1x80x32xf32, #tpu.memory_space<vmem>> -> memref<80x32xf32, #tpu.memory_space<vmem>>
    %dma_wait3A_273 = arith.constant 0 : i32
    %dma_wait3A_274 = tpu.memref_slice %arg7[%dma_wait3A_268, %dma_wait3A_273] : memref<125x80xi32, #tpu.memory_space<vmem>> -> memref<1x80xi32, #tpu.memory_space<vmem>>
    %dma_wait3A_275 = tpu.memref_squeeze %dma_wait3A_274 : memref<1x80xi32, #tpu.memory_space<vmem>> -> memref<80xi32, #tpu.memory_space<vmem>>
    %dma_wait3A_276 = arith.constant 0 : i32
    %dma_wait3A_277 = arith.constant 0 : i32
    %dma_wait3A_278 = tpu.memref_slice %arg9[%dma_wait3A_276, %dma_wait3A_277] : memref<10240x32xf32, #tpu.memory_space<vmem_shared>> -> memref<10240x32xf32, #tpu.memory_space<vmem_shared>>
    tpu.wait_indirect_dma semaphore(%arg17 : memref<!tpu.dma_semaphore, #tpu.memory_space<semaphore_mem>>) src(%dma_wait3A_272 : memref<80x32xf32, #tpu.memory_space<vmem>>) dst(%dma_wait3A_278 : memref<10240x32xf32, #tpu.memory_space<vmem_shared>>)
    %dma_wait3A_279 = arith.constant 0 : i32
    %dma_wait3A_280 = arith.constant 124 : i32
    %dma_wait3A_281 = arith.constant 0 : i32
    %dma_wait3A_282 = arith.constant 0 : i32
    %dma_wait3A_283 = tpu.memref_slice %arg8[%dma_wait3A_279, %dma_wait3A_281, %dma_wait3A_282] : memref<4x80x32xf32, #tpu.memory_space<vmem>> -> memref<1x80x32xf32, #tpu.memory_space<vmem>>
    %dma_wait3A_284 = tpu.memref_squeeze %dma_wait3A_283 : memref<1x80x32xf32, #tpu.memory_space<vmem>> -> memref<80x32xf32, #tpu.memory_space<vmem>>
    %dma_wait3A_285 = arith.constant 0 : i32
    %dma_wait3A_286 = tpu.memref_slice %arg7[%dma_wait3A_280, %dma_wait3A_285] : memref<125x80xi32, #tpu.memory_space<vmem>> -> memref<1x80xi32, #tpu.memory_space<vmem>>
    %dma_wait3A_287 = tpu.memref_squeeze %dma_wait3A_286 : memref<1x80xi32, #tpu.memory_space<vmem>> -> memref<80xi32, #tpu.memory_space<vmem>>
    %dma_wait3A_288 = arith.constant 0 : i32
    %dma_wait3A_289 = arith.constant 0 : i32
    %dma_wait3A_290 = tpu.memref_slice %arg9[%dma_wait3A_288, %dma_wait3A_289] : memref<10240x32xf32, #tpu.memory_space<vmem_shared>> -> memref<10240x32xf32, #tpu.memory_space<vmem_shared>>
    tpu.wait_indirect_dma semaphore(%arg14 : memref<!tpu.dma_semaphore, #tpu.memory_space<semaphore_mem>>) src(%dma_wait3A_284 : memref<80x32xf32, #tpu.memory_space<vmem>>) dst(%dma_wait3A_290 : memref<10240x32xf32, #tpu.memory_space<vmem_shared>>)
    %barrier3A_291 = arith.constant 0 : index
    tpu.barrier barrier_id(%barrier3A_291)
    %mul3A_292 = arith.constant 640 : i32
    %mul3A_293 = arith.muli %arg1, %mul3A_292 : i32
    %mul3A_294 = arith.constant 640 : i32
    %mul3A_295 = arith.muli %arg1, %mul3A_294 : i32
    "tpu.region"() ({
      %run_scoped3A = tpu.sem_alloc : memref<!tpu.dma_semaphore, #tpu.memory_space<semaphore_mem>>
      %dma_start3A_296 = arith.constant 0 : i32
      %dma_start3A_297 = tpu.memref_slice %arg5[%arg0, %mul3A_295, %dma_start3A_296] : memref<2x10240x32xf32, #tpu.memory_space<hbm>> -> memref<1x640x32xf32, #tpu.memory_space<hbm>>
      %dma_start3A_298 = tpu.memref_squeeze %dma_start3A_297 : memref<1x640x32xf32, #tpu.memory_space<hbm>> -> memref<640x32xf32, #tpu.memory_space<hbm>>
      %dma_start3A_299 = arith.constant 0 : i32
      %dma_start3A_300 = tpu.memref_slice %arg9[%mul3A_293, %dma_start3A_299] : memref<10240x32xf32, #tpu.memory_space<vmem_shared>> -> memref<640x32xf32, #tpu.memory_space<vmem_shared>>
      tpu.enqueue_dma source(%dma_start3A_300 : memref<640x32xf32, #tpu.memory_space<vmem_shared>>) target(%dma_start3A_298 : memref<640x32xf32, #tpu.memory_space<hbm>>) target_semaphore(%run_scoped3A : memref<!tpu.dma_semaphore, #tpu.memory_space<semaphore_mem>>)
      %dma_wait3A_301 = arith.constant 0 : i32
      %dma_wait3A_302 = tpu.memref_slice %arg5[%arg0, %mul3A_295, %dma_wait3A_301] : memref<2x10240x32xf32, #tpu.memory_space<hbm>> -> memref<1x640x32xf32, #tpu.memory_space<hbm>>
      %dma_wait3A_303 = tpu.memref_squeeze %dma_wait3A_302 : memref<1x640x32xf32, #tpu.memory_space<hbm>> -> memref<640x32xf32, #tpu.memory_space<hbm>>
      %dma_wait3A_304 = arith.constant 0 : i32
      %dma_wait3A_305 = tpu.memref_slice %arg9[%mul3A_293, %dma_wait3A_304] : memref<10240x32xf32, #tpu.memory_space<vmem_shared>> -> memref<640x32xf32, #tpu.memory_space<vmem_shared>>
      tpu.wait_dma2 semaphore(%run_scoped3A : memref<!tpu.dma_semaphore, #tpu.memory_space<semaphore_mem>>) src(%dma_wait3A_305 : memref<640x32xf32, #tpu.memory_space<vmem_shared>>) dst(%dma_wait3A_303 : memref<640x32xf32, #tpu.memory_space<hbm>>)
      tpu.yield
    }) : () -> ()
    return
  }
}

#map = affine_map<(d0, d1) -> (0, 0, 0, 0)>
#map1 = affine_map<(d0, d1) -> (0, 0)>
#map2 = affine_map<(d0, d1) -> (0, 0, 0)>
module attributes {stable_mosaic.version = 14 : i64} {
  func.func @sc_degree(%arg0: i32, %arg1: i32, %arg2: memref<2x32x125x80xi32, #tpu.memory_space<hbm>>, %arg3: memref<10240x16xf32, #tpu.memory_space<hbm>>, %arg4: memref<2x10240x16xf32, #tpu.memory_space<hbm>>, %arg5: memref<125x80xi32, #tpu.memory_space<vmem>>, %arg6: memref<80x16xf32, #tpu.memory_space<vmem>>, %arg7: memref<10240x16xf32, #tpu.memory_space<vmem_shared>>, %arg8: memref<!tpu.dma_semaphore, #tpu.memory_space<semaphore_mem>>) attributes {dimension_semantics = [#tpu.dimension_semantics<core_parallel>, #tpu.dimension_semantics<subcore_parallel>], iteration_bounds = array<i64: 2, 16>, scalar_prefetch = 0 : i64, scratch_operands = 4 : i64, tpu.core_type = #tpu.core_type<sc_vector_subcore>, window_params = [{transform_indices = #map}, {transform_indices = #map1}, {transform_indices = #map2}]} {
    %mul3A = arith.constant 16 : i32
    %mul3A_0 = arith.muli %arg0, %mul3A : i32
    %add3A = arith.addi %mul3A_0, %arg1 : i32
    %mul3A_1 = arith.constant 640 : i32
    %mul3A_2 = arith.muli %arg1, %mul3A_1 : i32
    %mul3A_3 = arith.constant 640 : i32
    %mul3A_4 = arith.muli %arg1, %mul3A_3 : i32
    %dma_start3A = arith.constant 0 : i32
    %dma_start3A_5 = tpu.memref_slice %arg7[%mul3A_4, %dma_start3A] : memref<10240x16xf32, #tpu.memory_space<vmem_shared>> -> memref<640x16xf32, #tpu.memory_space<vmem_shared>>
    %dma_start3A_6 = arith.constant 0 : i32
    %dma_start3A_7 = tpu.memref_slice %arg3[%mul3A_2, %dma_start3A_6] : memref<10240x16xf32, #tpu.memory_space<hbm>> -> memref<640x16xf32, #tpu.memory_space<hbm>>
    tpu.enqueue_dma source(%dma_start3A_7 : memref<640x16xf32, #tpu.memory_space<hbm>>) target(%dma_start3A_5 : memref<640x16xf32, #tpu.memory_space<vmem_shared>>) target_semaphore(%arg8 : memref<!tpu.dma_semaphore, #tpu.memory_space<semaphore_mem>>)
    %dma_start3A_8 = arith.constant 1 : i32
    %dma_start3A_9 = arith.constant 0 : i32
    %dma_start3A_10 = arith.constant 0 : i32
    %dma_start3A_11 = tpu.memref_slice %arg2[%dma_start3A_8, %add3A, %dma_start3A_9, %dma_start3A_10] : memref<2x32x125x80xi32, #tpu.memory_space<hbm>> -> memref<1x1x125x80xi32, #tpu.memory_space<hbm>>
    %dma_start3A_12 = tpu.memref_squeeze %dma_start3A_11 : memref<1x1x125x80xi32, #tpu.memory_space<hbm>> -> memref<125x80xi32, #tpu.memory_space<hbm>>
    %dma_start3A_13 = arith.constant 0 : i32
    %dma_start3A_14 = arith.constant 0 : i32
    %dma_start3A_15 = tpu.memref_slice %arg2[%dma_start3A_8, %add3A, %dma_start3A_13, %dma_start3A_14] : memref<2x32x125x80xi32, #tpu.memory_space<hbm>> -> memref<1x1x125x80xi32, #tpu.memory_space<hbm>>
    %dma_start3A_16 = tpu.memref_squeeze %dma_start3A_15 : memref<1x1x125x80xi32, #tpu.memory_space<hbm>> -> memref<125x80xi32, #tpu.memory_space<hbm>>
    tpu.enqueue_dma source(%dma_start3A_16 : memref<125x80xi32, #tpu.memory_space<hbm>>) target(%arg5 : memref<125x80xi32, #tpu.memory_space<vmem>>) target_semaphore(%arg8 : memref<!tpu.dma_semaphore, #tpu.memory_space<semaphore_mem>>)
    %dma_wait3A = arith.constant 0 : i32
    %dma_wait3A_17 = tpu.memref_slice %arg7[%mul3A_4, %dma_wait3A] : memref<10240x16xf32, #tpu.memory_space<vmem_shared>> -> memref<640x16xf32, #tpu.memory_space<vmem_shared>>
    %dma_wait3A_18 = arith.constant 0 : i32
    %dma_wait3A_19 = tpu.memref_slice %arg3[%mul3A_2, %dma_wait3A_18] : memref<10240x16xf32, #tpu.memory_space<hbm>> -> memref<640x16xf32, #tpu.memory_space<hbm>>
    tpu.wait_dma2 semaphore(%arg8 : memref<!tpu.dma_semaphore, #tpu.memory_space<semaphore_mem>>) src(%dma_wait3A_19 : memref<640x16xf32, #tpu.memory_space<hbm>>) dst(%dma_wait3A_17 : memref<640x16xf32, #tpu.memory_space<vmem_shared>>)
    %dma_wait3A_20 = arith.constant 1 : i32
    %dma_wait3A_21 = arith.constant 0 : i32
    %dma_wait3A_22 = arith.constant 0 : i32
    %dma_wait3A_23 = tpu.memref_slice %arg2[%dma_wait3A_20, %add3A, %dma_wait3A_21, %dma_wait3A_22] : memref<2x32x125x80xi32, #tpu.memory_space<hbm>> -> memref<1x1x125x80xi32, #tpu.memory_space<hbm>>
    %dma_wait3A_24 = tpu.memref_squeeze %dma_wait3A_23 : memref<1x1x125x80xi32, #tpu.memory_space<hbm>> -> memref<125x80xi32, #tpu.memory_space<hbm>>
    %dma_wait3A_25 = arith.constant 0 : i32
    %dma_wait3A_26 = arith.constant 0 : i32
    %dma_wait3A_27 = tpu.memref_slice %arg2[%dma_wait3A_20, %add3A, %dma_wait3A_25, %dma_wait3A_26] : memref<2x32x125x80xi32, #tpu.memory_space<hbm>> -> memref<1x1x125x80xi32, #tpu.memory_space<hbm>>
    %dma_wait3A_28 = tpu.memref_squeeze %dma_wait3A_27 : memref<1x1x125x80xi32, #tpu.memory_space<hbm>> -> memref<125x80xi32, #tpu.memory_space<hbm>>
    tpu.wait_dma2 semaphore(%arg8 : memref<!tpu.dma_semaphore, #tpu.memory_space<semaphore_mem>>) src(%dma_wait3A_28 : memref<125x80xi32, #tpu.memory_space<hbm>>) dst(%arg5 : memref<125x80xi32, #tpu.memory_space<vmem>>)
    %scan3A = arith.constant 0 : i32
    %broadcast_in_dim3A = arith.constant 1.000000e+00 : f32
    %broadcast_in_dim3A_29 = vector.broadcast %broadcast_in_dim3A : f32 to vector<16x16xf32>
    %mul3A_30 = arith.constant 16 : i32
    %mul3A_31 = arith.muli %scan3A, %mul3A_30 : i32
    %swap3A = arith.index_cast %mul3A_31 : i32 to index
    %swap3A_32 = arith.constant 0 : index
    %swap3A_33 = tpu.vector_load %arg6[%swap3A, %swap3A_32] {strides = array<i32>} : memref<80x16xf32, #tpu.memory_space<vmem>>, vector<16x16xf32>,
    %swap3A_34 = vector.shape_cast %swap3A_33 : vector<16x16xf32> to vector<16x16xf32>
    %swap3A_35 = vector.shape_cast %broadcast_in_dim3A_29 : vector<16x16xf32> to vector<16x16xf32>
    tpu.vector_store %arg6[%swap3A, %swap3A_32], %swap3A_35 {strides = array<i32>} : memref<80x16xf32, #tpu.memory_space<vmem>>, vector<16x16xf32>,
    %scan3A_36 = arith.constant 1 : i32
    %broadcast_in_dim3A_37 = arith.constant 1.000000e+00 : f32
    %broadcast_in_dim3A_38 = vector.broadcast %broadcast_in_dim3A_37 : f32 to vector<16x16xf32>
    %mul3A_39 = arith.constant 16 : i32
    %mul3A_40 = arith.muli %scan3A_36, %mul3A_39 : i32
    %swap3A_41 = arith.index_cast %mul3A_40 : i32 to index
    %swap3A_42 = arith.constant 0 : index
    %swap3A_43 = tpu.vector_load %arg6[%swap3A_41, %swap3A_42] {strides = array<i32>} : memref<80x16xf32, #tpu.memory_space<vmem>>, vector<16x16xf32>,
    %swap3A_44 = vector.shape_cast %swap3A_43 : vector<16x16xf32> to vector<16x16xf32>
    %swap3A_45 = vector.shape_cast %broadcast_in_dim3A_38 : vector<16x16xf32> to vector<16x16xf32>
    tpu.vector_store %arg6[%swap3A_41, %swap3A_42], %swap3A_45 {strides = array<i32>} : memref<80x16xf32, #tpu.memory_space<vmem>>, vector<16x16xf32>,
    %scan3A_46 = arith.constant 2 : i32
    %broadcast_in_dim3A_47 = arith.constant 1.000000e+00 : f32
    %broadcast_in_dim3A_48 = vector.broadcast %broadcast_in_dim3A_47 : f32 to vector<16x16xf32>
    %mul3A_49 = arith.constant 16 : i32
    %mul3A_50 = arith.muli %scan3A_46, %mul3A_49 : i32
    %swap3A_51 = arith.index_cast %mul3A_50 : i32 to index
    %swap3A_52 = arith.constant 0 : index
    %swap3A_53 = tpu.vector_load %arg6[%swap3A_51, %swap3A_52] {strides = array<i32>} : memref<80x16xf32, #tpu.memory_space<vmem>>, vector<16x16xf32>,
    %swap3A_54 = vector.shape_cast %swap3A_53 : vector<16x16xf32> to vector<16x16xf32>
    %swap3A_55 = vector.shape_cast %broadcast_in_dim3A_48 : vector<16x16xf32> to vector<16x16xf32>
    tpu.vector_store %arg6[%swap3A_51, %swap3A_52], %swap3A_55 {strides = array<i32>} : memref<80x16xf32, #tpu.memory_space<vmem>>, vector<16x16xf32>,
    %scan3A_56 = arith.constant 3 : i32
    %broadcast_in_dim3A_57 = arith.constant 1.000000e+00 : f32
    %broadcast_in_dim3A_58 = vector.broadcast %broadcast_in_dim3A_57 : f32 to vector<16x16xf32>
    %mul3A_59 = arith.constant 16 : i32
    %mul3A_60 = arith.muli %scan3A_56, %mul3A_59 : i32
    %swap3A_61 = arith.index_cast %mul3A_60 : i32 to index
    %swap3A_62 = arith.constant 0 : index
    %swap3A_63 = tpu.vector_load %arg6[%swap3A_61, %swap3A_62] {strides = array<i32>} : memref<80x16xf32, #tpu.memory_space<vmem>>, vector<16x16xf32>,
    %swap3A_64 = vector.shape_cast %swap3A_63 : vector<16x16xf32> to vector<16x16xf32>
    %swap3A_65 = vector.shape_cast %broadcast_in_dim3A_58 : vector<16x16xf32> to vector<16x16xf32>
    tpu.vector_store %arg6[%swap3A_61, %swap3A_62], %swap3A_65 {strides = array<i32>} : memref<80x16xf32, #tpu.memory_space<vmem>>, vector<16x16xf32>,
    %scan3A_66 = arith.constant 4 : i32
    %broadcast_in_dim3A_67 = arith.constant 1.000000e+00 : f32
    %broadcast_in_dim3A_68 = vector.broadcast %broadcast_in_dim3A_67 : f32 to vector<16x16xf32>
    %mul3A_69 = arith.constant 16 : i32
    %mul3A_70 = arith.muli %scan3A_66, %mul3A_69 : i32
    %swap3A_71 = arith.index_cast %mul3A_70 : i32 to index
    %swap3A_72 = arith.constant 0 : index
    %swap3A_73 = tpu.vector_load %arg6[%swap3A_71, %swap3A_72] {strides = array<i32>} : memref<80x16xf32, #tpu.memory_space<vmem>>, vector<16x16xf32>,
    %swap3A_74 = vector.shape_cast %swap3A_73 : vector<16x16xf32> to vector<16x16xf32>
    %swap3A_75 = vector.shape_cast %broadcast_in_dim3A_68 : vector<16x16xf32> to vector<16x16xf32>
    tpu.vector_store %arg6[%swap3A_71, %swap3A_72], %swap3A_75 {strides = array<i32>} : memref<80x16xf32, #tpu.memory_space<vmem>>, vector<16x16xf32>,
    %scan3A_76 = arith.constant 5 : i32
    %barrier3A = arith.constant 0 : index
    tpu.barrier barrier_id(%barrier3A)
    %scan3A_77 = arith.constant 0 : i32
    %scan3A_78 = arith.constant 125 : i32
    %scan3A_79 = arith.addi %scan3A_77, %scan3A_78 : i32
    %scan3A_80 = arith.constant 1 : i32
    scf.for %scan3A_92 = %scan3A_77 to %scan3A_79 step %scan3A_80  : i32 {
      %dma_start3A_93 = arith.constant 0 : i32
      %dma_start3A_94 = tpu.memref_slice %arg5[%scan3A_92, %dma_start3A_93] : memref<125x80xi32, #tpu.memory_space<vmem>> -> memref<1x80xi32, #tpu.memory_space<vmem>>
      %dma_start3A_95 = tpu.memref_squeeze %dma_start3A_94 : memref<1x80xi32, #tpu.memory_space<vmem>> -> memref<80xi32, #tpu.memory_space<vmem>>
      %dma_start3A_96 = arith.constant 0 : i32
      %dma_start3A_97 = arith.constant 0 : i32
      %dma_start3A_98 = tpu.memref_slice %arg7[%dma_start3A_96, %dma_start3A_97] : memref<10240x16xf32, #tpu.memory_space<vmem_shared>> -> memref<10240x16xf32, #tpu.memory_space<vmem_shared>>
      tpu.enqueue_indirect_dma source(%arg6 : memref<80x16xf32, #tpu.memory_space<vmem>>) target(%dma_start3A_98 : memref<10240x16xf32, #tpu.memory_space<vmem_shared>>) offsets(%dma_start3A_95 : memref<80xi32, #tpu.memory_space<vmem>>) semaphore(%arg8 : memref<!tpu.dma_semaphore, #tpu.memory_space<semaphore_mem>>) {add = true}
    }
    %scan3A_81 = arith.constant 125 : i32
    %scan3A_82 = arith.constant 0 : i32
    %scan3A_83 = arith.constant 125 : i32
    %scan3A_84 = arith.addi %scan3A_82, %scan3A_83 : i32
    %scan3A_85 = arith.constant 1 : i32
    scf.for %scan3A_92 = %scan3A_82 to %scan3A_84 step %scan3A_85  : i32 {
      %dma_wait3A_93 = arith.constant 0 : i32
      %dma_wait3A_94 = tpu.memref_slice %arg5[%scan3A_92, %dma_wait3A_93] : memref<125x80xi32, #tpu.memory_space<vmem>> -> memref<1x80xi32, #tpu.memory_space<vmem>>
      %dma_wait3A_95 = tpu.memref_squeeze %dma_wait3A_94 : memref<1x80xi32, #tpu.memory_space<vmem>> -> memref<80xi32, #tpu.memory_space<vmem>>
      %dma_wait3A_96 = arith.constant 0 : i32
      %dma_wait3A_97 = arith.constant 0 : i32
      %dma_wait3A_98 = tpu.memref_slice %arg7[%dma_wait3A_96, %dma_wait3A_97] : memref<10240x16xf32, #tpu.memory_space<vmem_shared>> -> memref<10240x16xf32, #tpu.memory_space<vmem_shared>>
      tpu.wait_indirect_dma semaphore(%arg8 : memref<!tpu.dma_semaphore, #tpu.memory_space<semaphore_mem>>) src(%arg6 : memref<80x16xf32, #tpu.memory_space<vmem>>) dst(%dma_wait3A_98 : memref<10240x16xf32, #tpu.memory_space<vmem_shared>>)
    }
    %scan3A_86 = arith.constant 125 : i32
    %barrier3A_87 = arith.constant 0 : index
    tpu.barrier barrier_id(%barrier3A_87)
    %mul3A_88 = arith.constant 640 : i32
    %mul3A_89 = arith.muli %arg1, %mul3A_88 : i32
    %mul3A_90 = arith.constant 640 : i32
    %mul3A_91 = arith.muli %arg1, %mul3A_90 : i32
    "tpu.region"() ({
      %run_scoped3A = tpu.sem_alloc : memref<!tpu.dma_semaphore, #tpu.memory_space<semaphore_mem>>
      %dma_start3A_92 = arith.constant 0 : i32
      %dma_start3A_93 = tpu.memref_slice %arg4[%arg0, %mul3A_91, %dma_start3A_92] : memref<2x10240x16xf32, #tpu.memory_space<hbm>> -> memref<1x640x16xf32, #tpu.memory_space<hbm>>
      %dma_start3A_94 = tpu.memref_squeeze %dma_start3A_93 : memref<1x640x16xf32, #tpu.memory_space<hbm>> -> memref<640x16xf32, #tpu.memory_space<hbm>>
      %dma_start3A_95 = arith.constant 0 : i32
      %dma_start3A_96 = tpu.memref_slice %arg7[%mul3A_89, %dma_start3A_95] : memref<10240x16xf32, #tpu.memory_space<vmem_shared>> -> memref<640x16xf32, #tpu.memory_space<vmem_shared>>
      tpu.enqueue_dma source(%dma_start3A_96 : memref<640x16xf32, #tpu.memory_space<vmem_shared>>) target(%dma_start3A_94 : memref<640x16xf32, #tpu.memory_space<hbm>>) target_semaphore(%run_scoped3A : memref<!tpu.dma_semaphore, #tpu.memory_space<semaphore_mem>>)
      %dma_wait3A_97 = arith.constant 0 : i32
      %dma_wait3A_98 = tpu.memref_slice %arg4[%arg0, %mul3A_91, %dma_wait3A_97] : memref<2x10240x16xf32, #tpu.memory_space<hbm>> -> memref<1x640x16xf32, #tpu.memory_space<hbm>>
      %dma_wait3A_99 = tpu.memref_squeeze %dma_wait3A_98 : memref<1x640x16xf32, #tpu.memory_space<hbm>> -> memref<640x16xf32, #tpu.memory_space<hbm>>
      %dma_wait3A_100 = arith.constant 0 : i32
      %dma_wait3A_101 = tpu.memref_slice %arg7[%mul3A_89, %dma_wait3A_100] : memref<10240x16xf32, #tpu.memory_space<vmem_shared>> -> memref<640x16xf32, #tpu.memory_space<vmem_shared>>
      tpu.wait_dma2 semaphore(%run_scoped3A : memref<!tpu.dma_semaphore, #tpu.memory_space<semaphore_mem>>) src(%dma_wait3A_101 : memref<640x16xf32, #tpu.memory_space<vmem_shared>>) dst(%dma_wait3A_99 : memref<640x16xf32, #tpu.memory_space<hbm>>)
      tpu.yield
    }) : () -> ()
    return
  }
}

#map = affine_map<(d0, d1) -> (0, 0)>
#map1 = affine_map<(d0, d1) -> (0, 0, 0, 0)>
#map2 = affine_map<(d0, d1) -> (0, 0, 0)>
module attributes {stable_mosaic.version = 14 : i64} {
  func.func @sc_scatter(%arg0: i32, %arg1: i32, %arg2: memref<10000x64xf32, #tpu.memory_space<hbm>>, %arg3: memref<2x32x125x80xi32, #tpu.memory_space<hbm>>, %arg4: memref<10240x64xf32, #tpu.memory_space<hbm>>, %arg5: memref<2x10240x64xf32, #tpu.memory_space<hbm>>, %arg6: memref<125x80xi32, #tpu.memory_space<vmem>>, %arg7: memref<125x80xi32, #tpu.memory_space<vmem>>, %arg8: memref<4x80x64xf32, #tpu.memory_space<vmem>>, %arg9: memref<10240x64xf32, #tpu.memory_space<vmem_shared>>, %arg10: memref<!tpu.dma_semaphore, #tpu.memory_space<semaphore_mem>>, %arg11: memref<!tpu.dma_semaphore, #tpu.memory_space<semaphore_mem>>, %arg12: memref<!tpu.dma_semaphore, #tpu.memory_space<semaphore_mem>>, %arg13: memref<!tpu.dma_semaphore, #tpu.memory_space<semaphore_mem>>, %arg14: memref<!tpu.dma_semaphore, #tpu.memory_space<semaphore_mem>>, %arg15: memref<!tpu.dma_semaphore, #tpu.memory_space<semaphore_mem>>, %arg16: memref<!tpu.dma_semaphore, #tpu.memory_space<semaphore_mem>>, %arg17: memref<!tpu.dma_semaphore, #tpu.memory_space<semaphore_mem>>) attributes {dimension_semantics = [#tpu.dimension_semantics<core_parallel>, #tpu.dimension_semantics<subcore_parallel>], iteration_bounds = array<i64: 2, 16>, scalar_prefetch = 0 : i64, scratch_operands = 12 : i64, tpu.core_type = #tpu.core_type<sc_vector_subcore>, window_params = [{transform_indices = #map}, {transform_indices = #map1}, {transform_indices = #map}, {transform_indices = #map2}]} {
    %mul3A = arith.constant 16 : i32
    %mul3A_0 = arith.muli %arg0, %mul3A : i32
    %add3A = arith.addi %mul3A_0, %arg1 : i32
    %mul3A_1 = arith.constant 640 : i32
    %mul3A_2 = arith.muli %arg1, %mul3A_1 : i32
    %mul3A_3 = arith.constant 640 : i32
    %mul3A_4 = arith.muli %arg1, %mul3A_3 : i32
    %dma_start3A = arith.constant 0 : i32
    %dma_start3A_5 = tpu.memref_slice %arg9[%mul3A_4, %dma_start3A] : memref<10240x64xf32, #tpu.memory_space<vmem_shared>> -> memref<640x64xf32, #tpu.memory_space<vmem_shared>>
    %dma_start3A_6 = arith.constant 0 : i32
    %dma_start3A_7 = tpu.memref_slice %arg4[%mul3A_2, %dma_start3A_6] : memref<10240x64xf32, #tpu.memory_space<hbm>> -> memref<640x64xf32, #tpu.memory_space<hbm>>
    tpu.enqueue_dma source(%dma_start3A_7 : memref<640x64xf32, #tpu.memory_space<hbm>>) target(%dma_start3A_5 : memref<640x64xf32, #tpu.memory_space<vmem_shared>>) target_semaphore(%arg13 : memref<!tpu.dma_semaphore, #tpu.memory_space<semaphore_mem>>)
    %dma_start3A_8 = arith.constant 0 : i32
    %dma_start3A_9 = arith.constant 0 : i32
    %dma_start3A_10 = arith.constant 0 : i32
    %dma_start3A_11 = tpu.memref_slice %arg3[%dma_start3A_8, %add3A, %dma_start3A_9, %dma_start3A_10] : memref<2x32x125x80xi32, #tpu.memory_space<hbm>> -> memref<1x1x125x80xi32, #tpu.memory_space<hbm>>
    %dma_start3A_12 = tpu.memref_squeeze %dma_start3A_11 : memref<1x1x125x80xi32, #tpu.memory_space<hbm>> -> memref<125x80xi32, #tpu.memory_space<hbm>>
    %dma_start3A_13 = arith.constant 0 : i32
    %dma_start3A_14 = arith.constant 0 : i32
    %dma_start3A_15 = tpu.memref_slice %arg3[%dma_start3A_8, %add3A, %dma_start3A_13, %dma_start3A_14] : memref<2x32x125x80xi32, #tpu.memory_space<hbm>> -> memref<1x1x125x80xi32, #tpu.memory_space<hbm>>
    %dma_start3A_16 = tpu.memref_squeeze %dma_start3A_15 : memref<1x1x125x80xi32, #tpu.memory_space<hbm>> -> memref<125x80xi32, #tpu.memory_space<hbm>>
    tpu.enqueue_dma source(%dma_start3A_16 : memref<125x80xi32, #tpu.memory_space<hbm>>) target(%arg6 : memref<125x80xi32, #tpu.memory_space<vmem>>) target_semaphore(%arg13 : memref<!tpu.dma_semaphore, #tpu.memory_space<semaphore_mem>>)
    %dma_start3A_17 = arith.constant 1 : i32
    %dma_start3A_18 = arith.constant 0 : i32
    %dma_start3A_19 = arith.constant 0 : i32
    %dma_start3A_20 = tpu.memref_slice %arg3[%dma_start3A_17, %add3A, %dma_start3A_18, %dma_start3A_19] : memref<2x32x125x80xi32, #tpu.memory_space<hbm>> -> memref<1x1x125x80xi32, #tpu.memory_space<hbm>>
    %dma_start3A_21 = tpu.memref_squeeze %dma_start3A_20 : memref<1x1x125x80xi32, #tpu.memory_space<hbm>> -> memref<125x80xi32, #tpu.memory_space<hbm>>
    %dma_start3A_22 = arith.constant 0 : i32
    %dma_start3A_23 = arith.constant 0 : i32
    %dma_start3A_24 = tpu.memref_slice %arg3[%dma_start3A_17, %add3A, %dma_start3A_22, %dma_start3A_23] : memref<2x32x125x80xi32, #tpu.memory_space<hbm>> -> memref<1x1x125x80xi32, #tpu.memory_space<hbm>>
    %dma_start3A_25 = tpu.memref_squeeze %dma_start3A_24 : memref<1x1x125x80xi32, #tpu.memory_space<hbm>> -> memref<125x80xi32, #tpu.memory_space<hbm>>
    tpu.enqueue_dma source(%dma_start3A_25 : memref<125x80xi32, #tpu.memory_space<hbm>>) target(%arg7 : memref<125x80xi32, #tpu.memory_space<vmem>>) target_semaphore(%arg13 : memref<!tpu.dma_semaphore, #tpu.memory_space<semaphore_mem>>)
    %dma_wait3A = arith.constant 0 : i32
    %dma_wait3A_26 = tpu.memref_slice %arg9[%mul3A_4, %dma_wait3A] : memref<10240x64xf32, #tpu.memory_space<vmem_shared>> -> memref<640x64xf32, #tpu.memory_space<vmem_shared>>
    %dma_wait3A_27 = arith.constant 0 : i32
    %dma_wait3A_28 = tpu.memref_slice %arg4[%mul3A_2, %dma_wait3A_27] : memref<10240x64xf32, #tpu.memory_space<hbm>> -> memref<640x64xf32, #tpu.memory_space<hbm>>
    tpu.wait_dma2 semaphore(%arg13 : memref<!tpu.dma_semaphore, #tpu.memory_space<semaphore_mem>>) src(%dma_wait3A_28 : memref<640x64xf32, #tpu.memory_space<hbm>>) dst(%dma_wait3A_26 : memref<640x64xf32, #tpu.memory_space<vmem_shared>>)
    %dma_wait3A_29 = arith.constant 0 : i32
    %dma_wait3A_30 = arith.constant 0 : i32
    %dma_wait3A_31 = arith.constant 0 : i32
    %dma_wait3A_32 = tpu.memref_slice %arg3[%dma_wait3A_29, %add3A, %dma_wait3A_30, %dma_wait3A_31] : memref<2x32x125x80xi32, #tpu.memory_space<hbm>> -> memref<1x1x125x80xi32, #tpu.memory_space<hbm>>
    %dma_wait3A_33 = tpu.memref_squeeze %dma_wait3A_32 : memref<1x1x125x80xi32, #tpu.memory_space<hbm>> -> memref<125x80xi32, #tpu.memory_space<hbm>>
    %dma_wait3A_34 = arith.constant 0 : i32
    %dma_wait3A_35 = arith.constant 0 : i32
    %dma_wait3A_36 = tpu.memref_slice %arg3[%dma_wait3A_29, %add3A, %dma_wait3A_34, %dma_wait3A_35] : memref<2x32x125x80xi32, #tpu.memory_space<hbm>> -> memref<1x1x125x80xi32, #tpu.memory_space<hbm>>
    %dma_wait3A_37 = tpu.memref_squeeze %dma_wait3A_36 : memref<1x1x125x80xi32, #tpu.memory_space<hbm>> -> memref<125x80xi32, #tpu.memory_space<hbm>>
    tpu.wait_dma2 semaphore(%arg13 : memref<!tpu.dma_semaphore, #tpu.memory_space<semaphore_mem>>) src(%dma_wait3A_37 : memref<125x80xi32, #tpu.memory_space<hbm>>) dst(%arg6 : memref<125x80xi32, #tpu.memory_space<vmem>>)
    %dma_wait3A_38 = arith.constant 1 : i32
    %dma_wait3A_39 = arith.constant 0 : i32
    %dma_wait3A_40 = arith.constant 0 : i32
    %dma_wait3A_41 = tpu.memref_slice %arg3[%dma_wait3A_38, %add3A, %dma_wait3A_39, %dma_wait3A_40] : memref<2x32x125x80xi32, #tpu.memory_space<hbm>> -> memref<1x1x125x80xi32, #tpu.memory_space<hbm>>
    %dma_wait3A_42 = tpu.memref_squeeze %dma_wait3A_41 : memref<1x1x125x80xi32, #tpu.memory_space<hbm>> -> memref<125x80xi32, #tpu.memory_space<hbm>>
    %dma_wait3A_43 = arith.constant 0 : i32
    %dma_wait3A_44 = arith.constant 0 : i32
    %dma_wait3A_45 = tpu.memref_slice %arg3[%dma_wait3A_38, %add3A, %dma_wait3A_43, %dma_wait3A_44] : memref<2x32x125x80xi32, #tpu.memory_space<hbm>> -> memref<1x1x125x80xi32, #tpu.memory_space<hbm>>
    %dma_wait3A_46 = tpu.memref_squeeze %dma_wait3A_45 : memref<1x1x125x80xi32, #tpu.memory_space<hbm>> -> memref<125x80xi32, #tpu.memory_space<hbm>>
    tpu.wait_dma2 semaphore(%arg13 : memref<!tpu.dma_semaphore, #tpu.memory_space<semaphore_mem>>) src(%dma_wait3A_46 : memref<125x80xi32, #tpu.memory_space<hbm>>) dst(%arg7 : memref<125x80xi32, #tpu.memory_space<vmem>>)
    %barrier3A = arith.constant 0 : index
    tpu.barrier barrier_id(%barrier3A)
    %dma_start3A_47 = arith.constant 0 : i32
    %dma_start3A_48 = arith.constant 0 : i32
    %dma_start3A_49 = arith.constant 0 : i32
    %dma_start3A_50 = arith.constant 0 : i32
    %dma_start3A_51 = tpu.memref_slice %arg8[%dma_start3A_48, %dma_start3A_49, %dma_start3A_50] : memref<4x80x64xf32, #tpu.memory_space<vmem>> -> memref<1x80x64xf32, #tpu.memory_space<vmem>>
    %dma_start3A_52 = tpu.memref_squeeze %dma_start3A_51 : memref<1x80x64xf32, #tpu.memory_space<vmem>> -> memref<80x64xf32, #tpu.memory_space<vmem>>
    %dma_start3A_53 = arith.constant 0 : i32
    %dma_start3A_54 = tpu.memref_slice %arg6[%dma_start3A_47, %dma_start3A_53] : memref<125x80xi32, #tpu.memory_space<vmem>> -> memref<1x80xi32, #tpu.memory_space<vmem>>
    %dma_start3A_55 = tpu.memref_squeeze %dma_start3A_54 : memref<1x80xi32, #tpu.memory_space<vmem>> -> memref<80xi32, #tpu.memory_space<vmem>>
    %dma_start3A_56 = arith.constant 0 : i32
    %dma_start3A_57 = arith.constant 0 : i32
    %dma_start3A_58 = tpu.memref_slice %arg2[%dma_start3A_56, %dma_start3A_57] : memref<10000x64xf32, #tpu.memory_space<hbm>> -> memref<10000x64xf32, #tpu.memory_space<hbm>>
    tpu.enqueue_indirect_dma source(%dma_start3A_58 : memref<10000x64xf32, #tpu.memory_space<hbm>>) target(%dma_start3A_52 : memref<80x64xf32, #tpu.memory_space<vmem>>) offsets(%dma_start3A_55 : memref<80xi32, #tpu.memory_space<vmem>>) semaphore(%arg10 : memref<!tpu.dma_semaphore, #tpu.memory_space<semaphore_mem>>)
    %dma_start3A_59 = arith.constant 1 : i32
    %dma_start3A_60 = arith.constant 1 : i32
    %dma_start3A_61 = arith.constant 0 : i32
    %dma_start3A_62 = arith.constant 0 : i32
    %dma_start3A_63 = tpu.memref_slice %arg8[%dma_start3A_60, %dma_start3A_61, %dma_start3A_62] : memref<4x80x64xf32, #tpu.memory_space<vmem>> -> memref<1x80x64xf32, #tpu.memory_space<vmem>>
    %dma_start3A_64 = tpu.memref_squeeze %dma_start3A_63 : memref<1x80x64xf32, #tpu.memory_space<vmem>> -> memref<80x64xf32, #tpu.memory_space<vmem>>
    %dma_start3A_65 = arith.constant 0 : i32
    %dma_start3A_66 = tpu.memref_slice %arg6[%dma_start3A_59, %dma_start3A_65] : memref<125x80xi32, #tpu.memory_space<vmem>> -> memref<1x80xi32, #tpu.memory_space<vmem>>
    %dma_start3A_67 = tpu.memref_squeeze %dma_start3A_66 : memref<1x80xi32, #tpu.memory_space<vmem>> -> memref<80xi32, #tpu.memory_space<vmem>>
    %dma_start3A_68 = arith.constant 0 : i32
    %dma_start3A_69 = arith.constant 0 : i32
    %dma_start3A_70 = tpu.memref_slice %arg2[%dma_start3A_68, %dma_start3A_69] : memref<10000x64xf32, #tpu.memory_space<hbm>> -> memref<10000x64xf32, #tpu.memory_space<hbm>>
    tpu.enqueue_indirect_dma source(%dma_start3A_70 : memref<10000x64xf32, #tpu.memory_space<hbm>>) target(%dma_start3A_64 : memref<80x64xf32, #tpu.memory_space<vmem>>) offsets(%dma_start3A_67 : memref<80xi32, #tpu.memory_space<vmem>>) semaphore(%arg11 : memref<!tpu.dma_semaphore, #tpu.memory_space<semaphore_mem>>)
    %dma_wait3A_71 = arith.constant 0 : i32
    %dma_wait3A_72 = arith.constant 0 : i32
    %dma_wait3A_73 = arith.constant 0 : i32
    %dma_wait3A_74 = arith.constant 0 : i32
    %dma_wait3A_75 = tpu.memref_slice %arg8[%dma_wait3A_72, %dma_wait3A_73, %dma_wait3A_74] : memref<4x80x64xf32, #tpu.memory_space<vmem>> -> memref<1x80x64xf32, #tpu.memory_space<vmem>>
    %dma_wait3A_76 = tpu.memref_squeeze %dma_wait3A_75 : memref<1x80x64xf32, #tpu.memory_space<vmem>> -> memref<80x64xf32, #tpu.memory_space<vmem>>
    %dma_wait3A_77 = arith.constant 0 : i32
    %dma_wait3A_78 = tpu.memref_slice %arg6[%dma_wait3A_71, %dma_wait3A_77] : memref<125x80xi32, #tpu.memory_space<vmem>> -> memref<1x80xi32, #tpu.memory_space<vmem>>
    %dma_wait3A_79 = tpu.memref_squeeze %dma_wait3A_78 : memref<1x80xi32, #tpu.memory_space<vmem>> -> memref<80xi32, #tpu.memory_space<vmem>>
    %dma_wait3A_80 = arith.constant 0 : i32
    %dma_wait3A_81 = arith.constant 0 : i32
    %dma_wait3A_82 = tpu.memref_slice %arg2[%dma_wait3A_80, %dma_wait3A_81] : memref<10000x64xf32, #tpu.memory_space<hbm>> -> memref<10000x64xf32, #tpu.memory_space<hbm>>
    tpu.wait_indirect_dma semaphore(%arg10 : memref<!tpu.dma_semaphore, #tpu.memory_space<semaphore_mem>>) src(%dma_wait3A_82 : memref<10000x64xf32, #tpu.memory_space<hbm>>) dst(%dma_wait3A_76 : memref<80x64xf32, #tpu.memory_space<vmem>>)
    %dma_start3A_83 = arith.constant 0 : i32
    %dma_start3A_84 = arith.constant 0 : i32
    %dma_start3A_85 = arith.constant 0 : i32
    %dma_start3A_86 = arith.constant 0 : i32
    %dma_start3A_87 = tpu.memref_slice %arg8[%dma_start3A_83, %dma_start3A_85, %dma_start3A_86] : memref<4x80x64xf32, #tpu.memory_space<vmem>> -> memref<1x80x64xf32, #tpu.memory_space<vmem>>
    %dma_start3A_88 = tpu.memref_squeeze %dma_start3A_87 : memref<1x80x64xf32, #tpu.memory_space<vmem>> -> memref<80x64xf32, #tpu.memory_space<vmem>>
    %dma_start3A_89 = arith.constant 0 : i32
    %dma_start3A_90 = tpu.memref_slice %arg7[%dma_start3A_84, %dma_start3A_89] : memref<125x80xi32, #tpu.memory_space<vmem>> -> memref<1x80xi32, #tpu.memory_space<vmem>>
    %dma_start3A_91 = tpu.memref_squeeze %dma_start3A_90 : memref<1x80xi32, #tpu.memory_space<vmem>> -> memref<80xi32, #tpu.memory_space<vmem>>
    %dma_start3A_92 = arith.constant 0 : i32
    %dma_start3A_93 = arith.constant 0 : i32
    %dma_start3A_94 = tpu.memref_slice %arg9[%dma_start3A_92, %dma_start3A_93] : memref<10240x64xf32, #tpu.memory_space<vmem_shared>> -> memref<10240x64xf32, #tpu.memory_space<vmem_shared>>
    tpu.enqueue_indirect_dma source(%dma_start3A_88 : memref<80x64xf32, #tpu.memory_space<vmem>>) target(%dma_start3A_94 : memref<10240x64xf32, #tpu.memory_space<vmem_shared>>) offsets(%dma_start3A_91 : memref<80xi32, #tpu.memory_space<vmem>>) semaphore(%arg14 : memref<!tpu.dma_semaphore, #tpu.memory_space<semaphore_mem>>) {add = true}
    %dma_start3A_95 = arith.constant 2 : i32
    %dma_start3A_96 = arith.constant 2 : i32
    %dma_start3A_97 = arith.constant 0 : i32
    %dma_start3A_98 = arith.constant 0 : i32
    %dma_start3A_99 = tpu.memref_slice %arg8[%dma_start3A_96, %dma_start3A_97, %dma_start3A_98] : memref<4x80x64xf32, #tpu.memory_space<vmem>> -> memref<1x80x64xf32, #tpu.memory_space<vmem>>
    %dma_start3A_100 = tpu.memref_squeeze %dma_start3A_99 : memref<1x80x64xf32, #tpu.memory_space<vmem>> -> memref<80x64xf32, #tpu.memory_space<vmem>>
    %dma_start3A_101 = arith.constant 0 : i32
    %dma_start3A_102 = tpu.memref_slice %arg6[%dma_start3A_95, %dma_start3A_101] : memref<125x80xi32, #tpu.memory_space<vmem>> -> memref<1x80xi32, #tpu.memory_space<vmem>>
    %dma_start3A_103 = tpu.memref_squeeze %dma_start3A_102 : memref<1x80xi32, #tpu.memory_space<vmem>> -> memref<80xi32, #tpu.memory_space<vmem>>
    %dma_start3A_104 = arith.constant 0 : i32
    %dma_start3A_105 = arith.constant 0 : i32
    %dma_start3A_106 = tpu.memref_slice %arg2[%dma_start3A_104, %dma_start3A_105] : memref<10000x64xf32, #tpu.memory_space<hbm>> -> memref<10000x64xf32, #tpu.memory_space<hbm>>
    tpu.enqueue_indirect_dma source(%dma_start3A_106 : memref<10000x64xf32, #tpu.memory_space<hbm>>) target(%dma_start3A_100 : memref<80x64xf32, #tpu.memory_space<vmem>>) offsets(%dma_start3A_103 : memref<80xi32, #tpu.memory_space<vmem>>) semaphore(%arg12 : memref<!tpu.dma_semaphore, #tpu.memory_space<semaphore_mem>>)
    %dma_wait3A_107 = arith.constant 1 : i32
    %dma_wait3A_108 = arith.constant 1 : i32
    %dma_wait3A_109 = arith.constant 0 : i32
    %dma_wait3A_110 = arith.constant 0 : i32
    %dma_wait3A_111 = tpu.memref_slice %arg8[%dma_wait3A_108, %dma_wait3A_109, %dma_wait3A_110] : memref<4x80x64xf32, #tpu.memory_space<vmem>> -> memref<1x80x64xf32, #tpu.memory_space<vmem>>
    %dma_wait3A_112 = tpu.memref_squeeze %dma_wait3A_111 : memref<1x80x64xf32, #tpu.memory_space<vmem>> -> memref<80x64xf32, #tpu.memory_space<vmem>>
    %dma_wait3A_113 = arith.constant 0 : i32
    %dma_wait3A_114 = tpu.memref_slice %arg6[%dma_wait3A_107, %dma_wait3A_113] : memref<125x80xi32, #tpu.memory_space<vmem>> -> memref<1x80xi32, #tpu.memory_space<vmem>>
    %dma_wait3A_115 = tpu.memref_squeeze %dma_wait3A_114 : memref<1x80xi32, #tpu.memory_space<vmem>> -> memref<80xi32, #tpu.memory_space<vmem>>
    %dma_wait3A_116 = arith.constant 0 : i32
    %dma_wait3A_117 = arith.constant 0 : i32
    %dma_wait3A_118 = tpu.memref_slice %arg2[%dma_wait3A_116, %dma_wait3A_117] : memref<10000x64xf32, #tpu.memory_space<hbm>> -> memref<10000x64xf32, #tpu.memory_space<hbm>>
    tpu.wait_indirect_dma semaphore(%arg11 : memref<!tpu.dma_semaphore, #tpu.memory_space<semaphore_mem>>) src(%dma_wait3A_118 : memref<10000x64xf32, #tpu.memory_space<hbm>>) dst(%dma_wait3A_112 : memref<80x64xf32, #tpu.memory_space<vmem>>)
    %dma_start3A_119 = arith.constant 1 : i32
    %dma_start3A_120 = arith.constant 1 : i32
    %dma_start3A_121 = arith.constant 0 : i32
    %dma_start3A_122 = arith.constant 0 : i32
    %dma_start3A_123 = tpu.memref_slice %arg8[%dma_start3A_119, %dma_start3A_121, %dma_start3A_122] : memref<4x80x64xf32, #tpu.memory_space<vmem>> -> memref<1x80x64xf32, #tpu.memory_space<vmem>>
    %dma_start3A_124 = tpu.memref_squeeze %dma_start3A_123 : memref<1x80x64xf32, #tpu.memory_space<vmem>> -> memref<80x64xf32, #tpu.memory_space<vmem>>
    %dma_start3A_125 = arith.constant 0 : i32
    %dma_start3A_126 = tpu.memref_slice %arg7[%dma_start3A_120, %dma_start3A_125] : memref<125x80xi32, #tpu.memory_space<vmem>> -> memref<1x80xi32, #tpu.memory_space<vmem>>
    %dma_start3A_127 = tpu.memref_squeeze %dma_start3A_126 : memref<1x80xi32, #tpu.memory_space<vmem>> -> memref<80xi32, #tpu.memory_space<vmem>>
    %dma_start3A_128 = arith.constant 0 : i32
    %dma_start3A_129 = arith.constant 0 : i32
    %dma_start3A_130 = tpu.memref_slice %arg9[%dma_start3A_128, %dma_start3A_129] : memref<10240x64xf32, #tpu.memory_space<vmem_shared>> -> memref<10240x64xf32, #tpu.memory_space<vmem_shared>>
    tpu.enqueue_indirect_dma source(%dma_start3A_124 : memref<80x64xf32, #tpu.memory_space<vmem>>) target(%dma_start3A_130 : memref<10240x64xf32, #tpu.memory_space<vmem_shared>>) offsets(%dma_start3A_127 : memref<80xi32, #tpu.memory_space<vmem>>) semaphore(%arg15 : memref<!tpu.dma_semaphore, #tpu.memory_space<semaphore_mem>>) {add = true}
    %dma_start3A_131 = arith.constant 3 : i32
    %dma_start3A_132 = arith.constant 3 : i32
    %dma_start3A_133 = arith.constant 0 : i32
    %dma_start3A_134 = arith.constant 0 : i32
    %dma_start3A_135 = tpu.memref_slice %arg8[%dma_start3A_132, %dma_start3A_133, %dma_start3A_134] : memref<4x80x64xf32, #tpu.memory_space<vmem>> -> memref<1x80x64xf32, #tpu.memory_space<vmem>>
    %dma_start3A_136 = tpu.memref_squeeze %dma_start3A_135 : memref<1x80x64xf32, #tpu.memory_space<vmem>> -> memref<80x64xf32, #tpu.memory_space<vmem>>
    %dma_start3A_137 = arith.constant 0 : i32
    %dma_start3A_138 = tpu.memref_slice %arg6[%dma_start3A_131, %dma_start3A_137] : memref<125x80xi32, #tpu.memory_space<vmem>> -> memref<1x80xi32, #tpu.memory_space<vmem>>
    %dma_start3A_139 = tpu.memref_squeeze %dma_start3A_138 : memref<1x80xi32, #tpu.memory_space<vmem>> -> memref<80xi32, #tpu.memory_space<vmem>>
    %dma_start3A_140 = arith.constant 0 : i32
    %dma_start3A_141 = arith.constant 0 : i32
    %dma_start3A_142 = tpu.memref_slice %arg2[%dma_start3A_140, %dma_start3A_141] : memref<10000x64xf32, #tpu.memory_space<hbm>> -> memref<10000x64xf32, #tpu.memory_space<hbm>>
    tpu.enqueue_indirect_dma source(%dma_start3A_142 : memref<10000x64xf32, #tpu.memory_space<hbm>>) target(%dma_start3A_136 : memref<80x64xf32, #tpu.memory_space<vmem>>) offsets(%dma_start3A_139 : memref<80xi32, #tpu.memory_space<vmem>>) semaphore(%arg13 : memref<!tpu.dma_semaphore, #tpu.memory_space<semaphore_mem>>)
    %scan3A = arith.constant 0 : i32
    %scan3A_143 = arith.constant 30 : i32
    %scan3A_144 = arith.addi %scan3A, %scan3A_143 : i32
    %scan3A_145 = arith.constant 1 : i32
    scf.for %scan3A_296 = %scan3A to %scan3A_144 step %scan3A_145  : i32 {
      %mul3A_297 = arith.constant 4 : i32
      %mul3A_298 = arith.muli %mul3A_297, %scan3A_296 : i32
      %add3A_299 = arith.constant 2 : i32
      %add3A_300 = arith.addi %mul3A_298, %add3A_299 : i32
      %add3A_301 = arith.constant 0 : i32
      %add3A_302 = arith.addi %add3A_300, %add3A_301 : i32
      %dma_wait3A_303 = arith.constant 2 : i32
      %dma_wait3A_304 = arith.constant 0 : i32
      %dma_wait3A_305 = arith.constant 0 : i32
      %dma_wait3A_306 = tpu.memref_slice %arg8[%dma_wait3A_303, %dma_wait3A_304, %dma_wait3A_305] : memref<4x80x64xf32, #tpu.memory_space<vmem>> -> memref<1x80x64xf32, #tpu.memory_space<vmem>>
      %dma_wait3A_307 = tpu.memref_squeeze %dma_wait3A_306 : memref<1x80x64xf32, #tpu.memory_space<vmem>> -> memref<80x64xf32, #tpu.memory_space<vmem>>
      %dma_wait3A_308 = arith.constant 0 : i32
      %dma_wait3A_309 = tpu.memref_slice %arg6[%add3A_302, %dma_wait3A_308] : memref<125x80xi32, #tpu.memory_space<vmem>> -> memref<1x80xi32, #tpu.memory_space<vmem>>
      %dma_wait3A_310 = tpu.memref_squeeze %dma_wait3A_309 : memref<1x80xi32, #tpu.memory_space<vmem>> -> memref<80xi32, #tpu.memory_space<vmem>>
      %dma_wait3A_311 = arith.constant 0 : i32
      %dma_wait3A_312 = arith.constant 0 : i32
      %dma_wait3A_313 = tpu.memref_slice %arg2[%dma_wait3A_311, %dma_wait3A_312] : memref<10000x64xf32, #tpu.memory_space<hbm>> -> memref<10000x64xf32, #tpu.memory_space<hbm>>
      tpu.wait_indirect_dma semaphore(%arg12 : memref<!tpu.dma_semaphore, #tpu.memory_space<semaphore_mem>>) src(%dma_wait3A_313 : memref<10000x64xf32, #tpu.memory_space<hbm>>) dst(%dma_wait3A_307 : memref<80x64xf32, #tpu.memory_space<vmem>>)
      %dma_start3A_314 = arith.constant 2 : i32
      %dma_start3A_315 = arith.constant 0 : i32
      %dma_start3A_316 = arith.constant 0 : i32
      %dma_start3A_317 = tpu.memref_slice %arg8[%dma_start3A_314, %dma_start3A_315, %dma_start3A_316] : memref<4x80x64xf32, #tpu.memory_space<vmem>> -> memref<1x80x64xf32, #tpu.memory_space<vmem>>
      %dma_start3A_318 = tpu.memref_squeeze %dma_start3A_317 : memref<1x80x64xf32, #tpu.memory_space<vmem>> -> memref<80x64xf32, #tpu.memory_space<vmem>>
      %dma_start3A_319 = arith.constant 0 : i32
      %dma_start3A_320 = tpu.memref_slice %arg7[%add3A_302, %dma_start3A_319] : memref<125x80xi32, #tpu.memory_space<vmem>> -> memref<1x80xi32, #tpu.memory_space<vmem>>
      %dma_start3A_321 = tpu.memref_squeeze %dma_start3A_320 : memref<1x80xi32, #tpu.memory_space<vmem>> -> memref<80xi32, #tpu.memory_space<vmem>>
      %dma_start3A_322 = arith.constant 0 : i32
      %dma_start3A_323 = arith.constant 0 : i32
      %dma_start3A_324 = tpu.memref_slice %arg9[%dma_start3A_322, %dma_start3A_323] : memref<10240x64xf32, #tpu.memory_space<vmem_shared>> -> memref<10240x64xf32, #tpu.memory_space<vmem_shared>>
      tpu.enqueue_indirect_dma source(%dma_start3A_318 : memref<80x64xf32, #tpu.memory_space<vmem>>) target(%dma_start3A_324 : memref<10240x64xf32, #tpu.memory_space<vmem_shared>>) offsets(%dma_start3A_321 : memref<80xi32, #tpu.memory_space<vmem>>) semaphore(%arg16 : memref<!tpu.dma_semaphore, #tpu.memory_space<semaphore_mem>>) {add = true}
      %sub3A = arith.constant 2 : i32
      %sub3A_325 = arith.subi %add3A_302, %sub3A : i32
      %dma_wait3A_326 = arith.constant 0 : i32
      %dma_wait3A_327 = arith.constant 0 : i32
      %dma_wait3A_328 = arith.constant 0 : i32
      %dma_wait3A_329 = tpu.memref_slice %arg8[%dma_wait3A_326, %dma_wait3A_327, %dma_wait3A_328] : memref<4x80x64xf32, #tpu.memory_space<vmem>> -> memref<1x80x64xf32, #tpu.memory_space<vmem>>
      %dma_wait3A_330 = tpu.memref_squeeze %dma_wait3A_329 : memref<1x80x64xf32, #tpu.memory_space<vmem>> -> memref<80x64xf32, #tpu.memory_space<vmem>>
      %dma_wait3A_331 = arith.constant 0 : i32
      %dma_wait3A_332 = tpu.memref_slice %arg7[%sub3A_325, %dma_wait3A_331] : memref<125x80xi32, #tpu.memory_space<vmem>> -> memref<1x80xi32, #tpu.memory_space<vmem>>
      %dma_wait3A_333 = tpu.memref_squeeze %dma_wait3A_332 : memref<1x80xi32, #tpu.memory_space<vmem>> -> memref<80xi32, #tpu.memory_space<vmem>>
      %dma_wait3A_334 = arith.constant 0 : i32
      %dma_wait3A_335 = arith.constant 0 : i32
      %dma_wait3A_336 = tpu.memref_slice %arg9[%dma_wait3A_334, %dma_wait3A_335] : memref<10240x64xf32, #tpu.memory_space<vmem_shared>> -> memref<10240x64xf32, #tpu.memory_space<vmem_shared>>
      tpu.wait_indirect_dma semaphore(%arg14 : memref<!tpu.dma_semaphore, #tpu.memory_space<semaphore_mem>>) src(%dma_wait3A_330 : memref<80x64xf32, #tpu.memory_space<vmem>>) dst(%dma_wait3A_336 : memref<10240x64xf32, #tpu.memory_space<vmem_shared>>)
      %add3A_337 = arith.constant 2 : i32
      %add3A_338 = arith.addi %add3A_302, %add3A_337 : i32
      %lt3A = arith.constant 125 : i32
      %lt3A_339 = arith.cmpi slt, %add3A_338, %lt3A : i32
      %convert_element_type3A = arith.extui %lt3A_339 : i1 to i32
      %cond3A = arith.constant 0 : i32
      %cond3A_340 = arith.cmpi ne, %convert_element_type3A, %cond3A : i32
      scf.if %cond3A_340 {
        %add3A_485 = arith.constant 2 : i32
        %add3A_486 = arith.addi %add3A_302, %add3A_485 : i32
        %dma_start3A_487 = arith.constant 0 : i32
        %dma_start3A_488 = arith.constant 0 : i32
        %dma_start3A_489 = arith.constant 0 : i32
        %dma_start3A_490 = tpu.memref_slice %arg8[%dma_start3A_487, %dma_start3A_488, %dma_start3A_489] : memref<4x80x64xf32, #tpu.memory_space<vmem>> -> memref<1x80x64xf32, #tpu.memory_space<vmem>>
        %dma_start3A_491 = tpu.memref_squeeze %dma_start3A_490 : memref<1x80x64xf32, #tpu.memory_space<vmem>> -> memref<80x64xf32, #tpu.memory_space<vmem>>
        %dma_start3A_492 = arith.constant 0 : i32
        %dma_start3A_493 = tpu.memref_slice %arg6[%add3A_486, %dma_start3A_492] : memref<125x80xi32, #tpu.memory_space<vmem>> -> memref<1x80xi32, #tpu.memory_space<vmem>>
        %dma_start3A_494 = tpu.memref_squeeze %dma_start3A_493 : memref<1x80xi32, #tpu.memory_space<vmem>> -> memref<80xi32, #tpu.memory_space<vmem>>
        %dma_start3A_495 = arith.constant 0 : i32
        %dma_start3A_496 = arith.constant 0 : i32
        %dma_start3A_497 = tpu.memref_slice %arg2[%dma_start3A_495, %dma_start3A_496] : memref<10000x64xf32, #tpu.memory_space<hbm>> -> memref<10000x64xf32, #tpu.memory_space<hbm>>
        tpu.enqueue_indirect_dma source(%dma_start3A_497 : memref<10000x64xf32, #tpu.memory_space<hbm>>) target(%dma_start3A_491 : memref<80x64xf32, #tpu.memory_space<vmem>>) offsets(%dma_start3A_494 : memref<80xi32, #tpu.memory_space<vmem>>) semaphore(%arg10 : memref<!tpu.dma_semaphore, #tpu.memory_space<semaphore_mem>>)
      } else {
      }
      %mul3A_341 = arith.constant 4 : i32
      %mul3A_342 = arith.muli %mul3A_341, %scan3A_296 : i32
      %add3A_343 = arith.constant 2 : i32
      %add3A_344 = arith.addi %mul3A_342, %add3A_343 : i32
      %add3A_345 = arith.constant 1 : i32
      %add3A_346 = arith.addi %add3A_344, %add3A_345 : i32
      %dma_wait3A_347 = arith.constant 3 : i32
      %dma_wait3A_348 = arith.constant 0 : i32
      %dma_wait3A_349 = arith.constant 0 : i32
      %dma_wait3A_350 = tpu.memref_slice %arg8[%dma_wait3A_347, %dma_wait3A_348, %dma_wait3A_349] : memref<4x80x64xf32, #tpu.memory_space<vmem>> -> memref<1x80x64xf32, #tpu.memory_space<vmem>>
      %dma_wait3A_351 = tpu.memref_squeeze %dma_wait3A_350 : memref<1x80x64xf32, #tpu.memory_space<vmem>> -> memref<80x64xf32, #tpu.memory_space<vmem>>
      %dma_wait3A_352 = arith.constant 0 : i32
      %dma_wait3A_353 = tpu.memref_slice %arg6[%add3A_346, %dma_wait3A_352] : memref<125x80xi32, #tpu.memory_space<vmem>> -> memref<1x80xi32, #tpu.memory_space<vmem>>
      %dma_wait3A_354 = tpu.memref_squeeze %dma_wait3A_353 : memref<1x80xi32, #tpu.memory_space<vmem>> -> memref<80xi32, #tpu.memory_space<vmem>>
      %dma_wait3A_355 = arith.constant 0 : i32
      %dma_wait3A_356 = arith.constant 0 : i32
      %dma_wait3A_357 = tpu.memref_slice %arg2[%dma_wait3A_355, %dma_wait3A_356] : memref<10000x64xf32, #tpu.memory_space<hbm>> -> memref<10000x64xf32, #tpu.memory_space<hbm>>
      tpu.wait_indirect_dma semaphore(%arg13 : memref<!tpu.dma_semaphore, #tpu.memory_space<semaphore_mem>>) src(%dma_wait3A_357 : memref<10000x64xf32, #tpu.memory_space<hbm>>) dst(%dma_wait3A_351 : memref<80x64xf32, #tpu.memory_space<vmem>>)
      %dma_start3A_358 = arith.constant 3 : i32
      %dma_start3A_359 = arith.constant 0 : i32
      %dma_start3A_360 = arith.constant 0 : i32
      %dma_start3A_361 = tpu.memref_slice %arg8[%dma_start3A_358, %dma_start3A_359, %dma_start3A_360] : memref<4x80x64xf32, #tpu.memory_space<vmem>> -> memref<1x80x64xf32, #tpu.memory_space<vmem>>
      %dma_start3A_362 = tpu.memref_squeeze %dma_start3A_361 : memref<1x80x64xf32, #tpu.memory_space<vmem>> -> memref<80x64xf32, #tpu.memory_space<vmem>>
      %dma_start3A_363 = arith.constant 0 : i32
      %dma_start3A_364 = tpu.memref_slice %arg7[%add3A_346, %dma_start3A_363] : memref<125x80xi32, #tpu.memory_space<vmem>> -> memref<1x80xi32, #tpu.memory_space<vmem>>
      %dma_start3A_365 = tpu.memref_squeeze %dma_start3A_364 : memref<1x80xi32, #tpu.memory_space<vmem>> -> memref<80xi32, #tpu.memory_space<vmem>>
      %dma_start3A_366 = arith.constant 0 : i32
      %dma_start3A_367 = arith.constant 0 : i32
      %dma_start3A_368 = tpu.memref_slice %arg9[%dma_start3A_366, %dma_start3A_367] : memref<10240x64xf32, #tpu.memory_space<vmem_shared>> -> memref<10240x64xf32, #tpu.memory_space<vmem_shared>>
      tpu.enqueue_indirect_dma source(%dma_start3A_362 : memref<80x64xf32, #tpu.memory_space<vmem>>) target(%dma_start3A_368 : memref<10240x64xf32, #tpu.memory_space<vmem_shared>>) offsets(%dma_start3A_365 : memref<80xi32, #tpu.memory_space<vmem>>) semaphore(%arg17 : memref<!tpu.dma_semaphore, #tpu.memory_space<semaphore_mem>>) {add = true}
      %sub3A_369 = arith.constant 2 : i32
      %sub3A_370 = arith.subi %add3A_346, %sub3A_369 : i32
      %dma_wait3A_371 = arith.constant 1 : i32
      %dma_wait3A_372 = arith.constant 0 : i32
      %dma_wait3A_373 = arith.constant 0 : i32
      %dma_wait3A_374 = tpu.memref_slice %arg8[%dma_wait3A_371, %dma_wait3A_372, %dma_wait3A_373] : memref<4x80x64xf32, #tpu.memory_space<vmem>> -> memref<1x80x64xf32, #tpu.memory_space<vmem>>
      %dma_wait3A_375 = tpu.memref_squeeze %dma_wait3A_374 : memref<1x80x64xf32, #tpu.memory_space<vmem>> -> memref<80x64xf32, #tpu.memory_space<vmem>>
      %dma_wait3A_376 = arith.constant 0 : i32
      %dma_wait3A_377 = tpu.memref_slice %arg7[%sub3A_370, %dma_wait3A_376] : memref<125x80xi32, #tpu.memory_space<vmem>> -> memref<1x80xi32, #tpu.memory_space<vmem>>
      %dma_wait3A_378 = tpu.memref_squeeze %dma_wait3A_377 : memref<1x80xi32, #tpu.memory_space<vmem>> -> memref<80xi32, #tpu.memory_space<vmem>>
      %dma_wait3A_379 = arith.constant 0 : i32
      %dma_wait3A_380 = arith.constant 0 : i32
      %dma_wait3A_381 = tpu.memref_slice %arg9[%dma_wait3A_379, %dma_wait3A_380] : memref<10240x64xf32, #tpu.memory_space<vmem_shared>> -> memref<10240x64xf32, #tpu.memory_space<vmem_shared>>
      tpu.wait_indirect_dma semaphore(%arg15 : memref<!tpu.dma_semaphore, #tpu.memory_space<semaphore_mem>>) src(%dma_wait3A_375 : memref<80x64xf32, #tpu.memory_space<vmem>>) dst(%dma_wait3A_381 : memref<10240x64xf32, #tpu.memory_space<vmem_shared>>)
      %add3A_382 = arith.constant 2 : i32
      %add3A_383 = arith.addi %add3A_346, %add3A_382 : i32
      %lt3A_384 = arith.constant 125 : i32
      %lt3A_385 = arith.cmpi slt, %add3A_383, %lt3A_384 : i32
      %convert_element_type3A_386 = arith.extui %lt3A_385 : i1 to i32
      %cond3A_387 = arith.constant 0 : i32
      %cond3A_388 = arith.cmpi ne, %convert_element_type3A_386, %cond3A_387 : i32
      scf.if %cond3A_388 {
        %add3A_485 = arith.constant 2 : i32
        %add3A_486 = arith.addi %add3A_346, %add3A_485 : i32
        %dma_start3A_487 = arith.constant 1 : i32
        %dma_start3A_488 = arith.constant 0 : i32
        %dma_start3A_489 = arith.constant 0 : i32
        %dma_start3A_490 = tpu.memref_slice %arg8[%dma_start3A_487, %dma_start3A_488, %dma_start3A_489] : memref<4x80x64xf32, #tpu.memory_space<vmem>> -> memref<1x80x64xf32, #tpu.memory_space<vmem>>
        %dma_start3A_491 = tpu.memref_squeeze %dma_start3A_490 : memref<1x80x64xf32, #tpu.memory_space<vmem>> -> memref<80x64xf32, #tpu.memory_space<vmem>>
        %dma_start3A_492 = arith.constant 0 : i32
        %dma_start3A_493 = tpu.memref_slice %arg6[%add3A_486, %dma_start3A_492] : memref<125x80xi32, #tpu.memory_space<vmem>> -> memref<1x80xi32, #tpu.memory_space<vmem>>
        %dma_start3A_494 = tpu.memref_squeeze %dma_start3A_493 : memref<1x80xi32, #tpu.memory_space<vmem>> -> memref<80xi32, #tpu.memory_space<vmem>>
        %dma_start3A_495 = arith.constant 0 : i32
        %dma_start3A_496 = arith.constant 0 : i32
        %dma_start3A_497 = tpu.memref_slice %arg2[%dma_start3A_495, %dma_start3A_496] : memref<10000x64xf32, #tpu.memory_space<hbm>> -> memref<10000x64xf32, #tpu.memory_space<hbm>>
        tpu.enqueue_indirect_dma source(%dma_start3A_497 : memref<10000x64xf32, #tpu.memory_space<hbm>>) target(%dma_start3A_491 : memref<80x64xf32, #tpu.memory_space<vmem>>) offsets(%dma_start3A_494 : memref<80xi32, #tpu.memory_space<vmem>>) semaphore(%arg11 : memref<!tpu.dma_semaphore, #tpu.memory_space<semaphore_mem>>)
      } else {
      }
      %mul3A_389 = arith.constant 4 : i32
      %mul3A_390 = arith.muli %mul3A_389, %scan3A_296 : i32
      %add3A_391 = arith.constant 2 : i32
      %add3A_392 = arith.addi %mul3A_390, %add3A_391 : i32
      %add3A_393 = arith.constant 2 : i32
      %add3A_394 = arith.addi %add3A_392, %add3A_393 : i32
      %dma_wait3A_395 = arith.constant 0 : i32
      %dma_wait3A_396 = arith.constant 0 : i32
      %dma_wait3A_397 = arith.constant 0 : i32
      %dma_wait3A_398 = tpu.memref_slice %arg8[%dma_wait3A_395, %dma_wait3A_396, %dma_wait3A_397] : memref<4x80x64xf32, #tpu.memory_space<vmem>> -> memref<1x80x64xf32, #tpu.memory_space<vmem>>
      %dma_wait3A_399 = tpu.memref_squeeze %dma_wait3A_398 : memref<1x80x64xf32, #tpu.memory_space<vmem>> -> memref<80x64xf32, #tpu.memory_space<vmem>>
      %dma_wait3A_400 = arith.constant 0 : i32
      %dma_wait3A_401 = tpu.memref_slice %arg6[%add3A_394, %dma_wait3A_400] : memref<125x80xi32, #tpu.memory_space<vmem>> -> memref<1x80xi32, #tpu.memory_space<vmem>>
      %dma_wait3A_402 = tpu.memref_squeeze %dma_wait3A_401 : memref<1x80xi32, #tpu.memory_space<vmem>> -> memref<80xi32, #tpu.memory_space<vmem>>
      %dma_wait3A_403 = arith.constant 0 : i32
      %dma_wait3A_404 = arith.constant 0 : i32
      %dma_wait3A_405 = tpu.memref_slice %arg2[%dma_wait3A_403, %dma_wait3A_404] : memref<10000x64xf32, #tpu.memory_space<hbm>> -> memref<10000x64xf32, #tpu.memory_space<hbm>>
      tpu.wait_indirect_dma semaphore(%arg10 : memref<!tpu.dma_semaphore, #tpu.memory_space<semaphore_mem>>) src(%dma_wait3A_405 : memref<10000x64xf32, #tpu.memory_space<hbm>>) dst(%dma_wait3A_399 : memref<80x64xf32, #tpu.memory_space<vmem>>)
      %dma_start3A_406 = arith.constant 0 : i32
      %dma_start3A_407 = arith.constant 0 : i32
      %dma_start3A_408 = arith.constant 0 : i32
      %dma_start3A_409 = tpu.memref_slice %arg8[%dma_start3A_406, %dma_start3A_407, %dma_start3A_408] : memref<4x80x64xf32, #tpu.memory_space<vmem>> -> memref<1x80x64xf32, #tpu.memory_space<vmem>>
      %dma_start3A_410 = tpu.memref_squeeze %dma_start3A_409 : memref<1x80x64xf32, #tpu.memory_space<vmem>> -> memref<80x64xf32, #tpu.memory_space<vmem>>
      %dma_start3A_411 = arith.constant 0 : i32
      %dma_start3A_412 = tpu.memref_slice %arg7[%add3A_394, %dma_start3A_411] : memref<125x80xi32, #tpu.memory_space<vmem>> -> memref<1x80xi32, #tpu.memory_space<vmem>>
      %dma_start3A_413 = tpu.memref_squeeze %dma_start3A_412 : memref<1x80xi32, #tpu.memory_space<vmem>> -> memref<80xi32, #tpu.memory_space<vmem>>
      %dma_start3A_414 = arith.constant 0 : i32
      %dma_start3A_415 = arith.constant 0 : i32
      %dma_start3A_416 = tpu.memref_slice %arg9[%dma_start3A_414, %dma_start3A_415] : memref<10240x64xf32, #tpu.memory_space<vmem_shared>> -> memref<10240x64xf32, #tpu.memory_space<vmem_shared>>
      tpu.enqueue_indirect_dma source(%dma_start3A_410 : memref<80x64xf32, #tpu.memory_space<vmem>>) target(%dma_start3A_416 : memref<10240x64xf32, #tpu.memory_space<vmem_shared>>) offsets(%dma_start3A_413 : memref<80xi32, #tpu.memory_space<vmem>>) semaphore(%arg14 : memref<!tpu.dma_semaphore, #tpu.memory_space<semaphore_mem>>) {add = true}
      %sub3A_417 = arith.constant 2 : i32
      %sub3A_418 = arith.subi %add3A_394, %sub3A_417 : i32
      %dma_wait3A_419 = arith.constant 2 : i32
      %dma_wait3A_420 = arith.constant 0 : i32
      %dma_wait3A_421 = arith.constant 0 : i32
      %dma_wait3A_422 = tpu.memref_slice %arg8[%dma_wait3A_419, %dma_wait3A_420, %dma_wait3A_421] : memref<4x80x64xf32, #tpu.memory_space<vmem>> -> memref<1x80x64xf32, #tpu.memory_space<vmem>>
      %dma_wait3A_423 = tpu.memref_squeeze %dma_wait3A_422 : memref<1x80x64xf32, #tpu.memory_space<vmem>> -> memref<80x64xf32, #tpu.memory_space<vmem>>
      %dma_wait3A_424 = arith.constant 0 : i32
      %dma_wait3A_425 = tpu.memref_slice %arg7[%sub3A_418, %dma_wait3A_424] : memref<125x80xi32, #tpu.memory_space<vmem>> -> memref<1x80xi32, #tpu.memory_space<vmem>>
      %dma_wait3A_426 = tpu.memref_squeeze %dma_wait3A_425 : memref<1x80xi32, #tpu.memory_space<vmem>> -> memref<80xi32, #tpu.memory_space<vmem>>
      %dma_wait3A_427 = arith.constant 0 : i32
      %dma_wait3A_428 = arith.constant 0 : i32
      %dma_wait3A_429 = tpu.memref_slice %arg9[%dma_wait3A_427, %dma_wait3A_428] : memref<10240x64xf32, #tpu.memory_space<vmem_shared>> -> memref<10240x64xf32, #tpu.memory_space<vmem_shared>>
      tpu.wait_indirect_dma semaphore(%arg16 : memref<!tpu.dma_semaphore, #tpu.memory_space<semaphore_mem>>) src(%dma_wait3A_423 : memref<80x64xf32, #tpu.memory_space<vmem>>) dst(%dma_wait3A_429 : memref<10240x64xf32, #tpu.memory_space<vmem_shared>>)
      %add3A_430 = arith.constant 2 : i32
      %add3A_431 = arith.addi %add3A_394, %add3A_430 : i32
      %lt3A_432 = arith.constant 125 : i32
      %lt3A_433 = arith.cmpi slt, %add3A_431, %lt3A_432 : i32
      %convert_element_type3A_434 = arith.extui %lt3A_433 : i1 to i32
      %cond3A_435 = arith.constant 0 : i32
      %cond3A_436 = arith.cmpi ne, %convert_element_type3A_434, %cond3A_435 : i32
      scf.if %cond3A_436 {
        %add3A_485 = arith.constant 2 : i32
        %add3A_486 = arith.addi %add3A_394, %add3A_485 : i32
        %dma_start3A_487 = arith.constant 2 : i32
        %dma_start3A_488 = arith.constant 0 : i32
        %dma_start3A_489 = arith.constant 0 : i32
        %dma_start3A_490 = tpu.memref_slice %arg8[%dma_start3A_487, %dma_start3A_488, %dma_start3A_489] : memref<4x80x64xf32, #tpu.memory_space<vmem>> -> memref<1x80x64xf32, #tpu.memory_space<vmem>>
        %dma_start3A_491 = tpu.memref_squeeze %dma_start3A_490 : memref<1x80x64xf32, #tpu.memory_space<vmem>> -> memref<80x64xf32, #tpu.memory_space<vmem>>
        %dma_start3A_492 = arith.constant 0 : i32
        %dma_start3A_493 = tpu.memref_slice %arg6[%add3A_486, %dma_start3A_492] : memref<125x80xi32, #tpu.memory_space<vmem>> -> memref<1x80xi32, #tpu.memory_space<vmem>>
        %dma_start3A_494 = tpu.memref_squeeze %dma_start3A_493 : memref<1x80xi32, #tpu.memory_space<vmem>> -> memref<80xi32, #tpu.memory_space<vmem>>
        %dma_start3A_495 = arith.constant 0 : i32
        %dma_start3A_496 = arith.constant 0 : i32
        %dma_start3A_497 = tpu.memref_slice %arg2[%dma_start3A_495, %dma_start3A_496] : memref<10000x64xf32, #tpu.memory_space<hbm>> -> memref<10000x64xf32, #tpu.memory_space<hbm>>
        tpu.enqueue_indirect_dma source(%dma_start3A_497 : memref<10000x64xf32, #tpu.memory_space<hbm>>) target(%dma_start3A_491 : memref<80x64xf32, #tpu.memory_space<vmem>>) offsets(%dma_start3A_494 : memref<80xi32, #tpu.memory_space<vmem>>) semaphore(%arg12 : memref<!tpu.dma_semaphore, #tpu.memory_space<semaphore_mem>>)
      } else {
      }
      %mul3A_437 = arith.constant 4 : i32
      %mul3A_438 = arith.muli %mul3A_437, %scan3A_296 : i32
      %add3A_439 = arith.constant 2 : i32
      %add3A_440 = arith.addi %mul3A_438, %add3A_439 : i32
      %add3A_441 = arith.constant 3 : i32
      %add3A_442 = arith.addi %add3A_440, %add3A_441 : i32
      %dma_wait3A_443 = arith.constant 1 : i32
      %dma_wait3A_444 = arith.constant 0 : i32
      %dma_wait3A_445 = arith.constant 0 : i32
      %dma_wait3A_446 = tpu.memref_slice %arg8[%dma_wait3A_443, %dma_wait3A_444, %dma_wait3A_445] : memref<4x80x64xf32, #tpu.memory_space<vmem>> -> memref<1x80x64xf32, #tpu.memory_space<vmem>>
      %dma_wait3A_447 = tpu.memref_squeeze %dma_wait3A_446 : memref<1x80x64xf32, #tpu.memory_space<vmem>> -> memref<80x64xf32, #tpu.memory_space<vmem>>
      %dma_wait3A_448 = arith.constant 0 : i32
      %dma_wait3A_449 = tpu.memref_slice %arg6[%add3A_442, %dma_wait3A_448] : memref<125x80xi32, #tpu.memory_space<vmem>> -> memref<1x80xi32, #tpu.memory_space<vmem>>
      %dma_wait3A_450 = tpu.memref_squeeze %dma_wait3A_449 : memref<1x80xi32, #tpu.memory_space<vmem>> -> memref<80xi32, #tpu.memory_space<vmem>>
      %dma_wait3A_451 = arith.constant 0 : i32
      %dma_wait3A_452 = arith.constant 0 : i32
      %dma_wait3A_453 = tpu.memref_slice %arg2[%dma_wait3A_451, %dma_wait3A_452] : memref<10000x64xf32, #tpu.memory_space<hbm>> -> memref<10000x64xf32, #tpu.memory_space<hbm>>
      tpu.wait_indirect_dma semaphore(%arg11 : memref<!tpu.dma_semaphore, #tpu.memory_space<semaphore_mem>>) src(%dma_wait3A_453 : memref<10000x64xf32, #tpu.memory_space<hbm>>) dst(%dma_wait3A_447 : memref<80x64xf32, #tpu.memory_space<vmem>>)
      %dma_start3A_454 = arith.constant 1 : i32
      %dma_start3A_455 = arith.constant 0 : i32
      %dma_start3A_456 = arith.constant 0 : i32
      %dma_start3A_457 = tpu.memref_slice %arg8[%dma_start3A_454, %dma_start3A_455, %dma_start3A_456] : memref<4x80x64xf32, #tpu.memory_space<vmem>> -> memref<1x80x64xf32, #tpu.memory_space<vmem>>
      %dma_start3A_458 = tpu.memref_squeeze %dma_start3A_457 : memref<1x80x64xf32, #tpu.memory_space<vmem>> -> memref<80x64xf32, #tpu.memory_space<vmem>>
      %dma_start3A_459 = arith.constant 0 : i32
      %dma_start3A_460 = tpu.memref_slice %arg7[%add3A_442, %dma_start3A_459] : memref<125x80xi32, #tpu.memory_space<vmem>> -> memref<1x80xi32, #tpu.memory_space<vmem>>
      %dma_start3A_461 = tpu.memref_squeeze %dma_start3A_460 : memref<1x80xi32, #tpu.memory_space<vmem>> -> memref<80xi32, #tpu.memory_space<vmem>>
      %dma_start3A_462 = arith.constant 0 : i32
      %dma_start3A_463 = arith.constant 0 : i32
      %dma_start3A_464 = tpu.memref_slice %arg9[%dma_start3A_462, %dma_start3A_463] : memref<10240x64xf32, #tpu.memory_space<vmem_shared>> -> memref<10240x64xf32, #tpu.memory_space<vmem_shared>>
      tpu.enqueue_indirect_dma source(%dma_start3A_458 : memref<80x64xf32, #tpu.memory_space<vmem>>) target(%dma_start3A_464 : memref<10240x64xf32, #tpu.memory_space<vmem_shared>>) offsets(%dma_start3A_461 : memref<80xi32, #tpu.memory_space<vmem>>) semaphore(%arg15 : memref<!tpu.dma_semaphore, #tpu.memory_space<semaphore_mem>>) {add = true}
      %sub3A_465 = arith.constant 2 : i32
      %sub3A_466 = arith.subi %add3A_442, %sub3A_465 : i32
      %dma_wait3A_467 = arith.constant 3 : i32
      %dma_wait3A_468 = arith.constant 0 : i32
      %dma_wait3A_469 = arith.constant 0 : i32
      %dma_wait3A_470 = tpu.memref_slice %arg8[%dma_wait3A_467, %dma_wait3A_468, %dma_wait3A_469] : memref<4x80x64xf32, #tpu.memory_space<vmem>> -> memref<1x80x64xf32, #tpu.memory_space<vmem>>
      %dma_wait3A_471 = tpu.memref_squeeze %dma_wait3A_470 : memref<1x80x64xf32, #tpu.memory_space<vmem>> -> memref<80x64xf32, #tpu.memory_space<vmem>>
      %dma_wait3A_472 = arith.constant 0 : i32
      %dma_wait3A_473 = tpu.memref_slice %arg7[%sub3A_466, %dma_wait3A_472] : memref<125x80xi32, #tpu.memory_space<vmem>> -> memref<1x80xi32, #tpu.memory_space<vmem>>
      %dma_wait3A_474 = tpu.memref_squeeze %dma_wait3A_473 : memref<1x80xi32, #tpu.memory_space<vmem>> -> memref<80xi32, #tpu.memory_space<vmem>>
      %dma_wait3A_475 = arith.constant 0 : i32
      %dma_wait3A_476 = arith.constant 0 : i32
      %dma_wait3A_477 = tpu.memref_slice %arg9[%dma_wait3A_475, %dma_wait3A_476] : memref<10240x64xf32, #tpu.memory_space<vmem_shared>> -> memref<10240x64xf32, #tpu.memory_space<vmem_shared>>
      tpu.wait_indirect_dma semaphore(%arg17 : memref<!tpu.dma_semaphore, #tpu.memory_space<semaphore_mem>>) src(%dma_wait3A_471 : memref<80x64xf32, #tpu.memory_space<vmem>>) dst(%dma_wait3A_477 : memref<10240x64xf32, #tpu.memory_space<vmem_shared>>)
      %add3A_478 = arith.constant 2 : i32
      %add3A_479 = arith.addi %add3A_442, %add3A_478 : i32
      %lt3A_480 = arith.constant 125 : i32
      %lt3A_481 = arith.cmpi slt, %add3A_479, %lt3A_480 : i32
      %convert_element_type3A_482 = arith.extui %lt3A_481 : i1 to i32
      %cond3A_483 = arith.constant 0 : i32
      %cond3A_484 = arith.cmpi ne, %convert_element_type3A_482, %cond3A_483 : i32
      scf.if %cond3A_484 {
        %add3A_485 = arith.constant 2 : i32
        %add3A_486 = arith.addi %add3A_442, %add3A_485 : i32
        %dma_start3A_487 = arith.constant 3 : i32
        %dma_start3A_488 = arith.constant 0 : i32
        %dma_start3A_489 = arith.constant 0 : i32
        %dma_start3A_490 = tpu.memref_slice %arg8[%dma_start3A_487, %dma_start3A_488, %dma_start3A_489] : memref<4x80x64xf32, #tpu.memory_space<vmem>> -> memref<1x80x64xf32, #tpu.memory_space<vmem>>
        %dma_start3A_491 = tpu.memref_squeeze %dma_start3A_490 : memref<1x80x64xf32, #tpu.memory_space<vmem>> -> memref<80x64xf32, #tpu.memory_space<vmem>>
        %dma_start3A_492 = arith.constant 0 : i32
        %dma_start3A_493 = tpu.memref_slice %arg6[%add3A_486, %dma_start3A_492] : memref<125x80xi32, #tpu.memory_space<vmem>> -> memref<1x80xi32, #tpu.memory_space<vmem>>
        %dma_start3A_494 = tpu.memref_squeeze %dma_start3A_493 : memref<1x80xi32, #tpu.memory_space<vmem>> -> memref<80xi32, #tpu.memory_space<vmem>>
        %dma_start3A_495 = arith.constant 0 : i32
        %dma_start3A_496 = arith.constant 0 : i32
        %dma_start3A_497 = tpu.memref_slice %arg2[%dma_start3A_495, %dma_start3A_496] : memref<10000x64xf32, #tpu.memory_space<hbm>> -> memref<10000x64xf32, #tpu.memory_space<hbm>>
        tpu.enqueue_indirect_dma source(%dma_start3A_497 : memref<10000x64xf32, #tpu.memory_space<hbm>>) target(%dma_start3A_491 : memref<80x64xf32, #tpu.memory_space<vmem>>) offsets(%dma_start3A_494 : memref<80xi32, #tpu.memory_space<vmem>>) semaphore(%arg13 : memref<!tpu.dma_semaphore, #tpu.memory_space<semaphore_mem>>)
      } else {
      }
    }
    %scan3A_146 = arith.constant 30 : i32
    %dma_wait3A_147 = arith.constant 122 : i32
    %dma_wait3A_148 = arith.constant 2 : i32
    %dma_wait3A_149 = arith.constant 0 : i32
    %dma_wait3A_150 = arith.constant 0 : i32
    %dma_wait3A_151 = tpu.memref_slice %arg8[%dma_wait3A_148, %dma_wait3A_149, %dma_wait3A_150] : memref<4x80x64xf32, #tpu.memory_space<vmem>> -> memref<1x80x64xf32, #tpu.memory_space<vmem>>
    %dma_wait3A_152 = tpu.memref_squeeze %dma_wait3A_151 : memref<1x80x64xf32, #tpu.memory_space<vmem>> -> memref<80x64xf32, #tpu.memory_space<vmem>>
    %dma_wait3A_153 = arith.constant 0 : i32
    %dma_wait3A_154 = tpu.memref_slice %arg6[%dma_wait3A_147, %dma_wait3A_153] : memref<125x80xi32, #tpu.memory_space<vmem>> -> memref<1x80xi32, #tpu.memory_space<vmem>>
    %dma_wait3A_155 = tpu.memref_squeeze %dma_wait3A_154 : memref<1x80xi32, #tpu.memory_space<vmem>> -> memref<80xi32, #tpu.memory_space<vmem>>
    %dma_wait3A_156 = arith.constant 0 : i32
    %dma_wait3A_157 = arith.constant 0 : i32
    %dma_wait3A_158 = tpu.memref_slice %arg2[%dma_wait3A_156, %dma_wait3A_157] : memref<10000x64xf32, #tpu.memory_space<hbm>> -> memref<10000x64xf32, #tpu.memory_space<hbm>>
    tpu.wait_indirect_dma semaphore(%arg12 : memref<!tpu.dma_semaphore, #tpu.memory_space<semaphore_mem>>) src(%dma_wait3A_158 : memref<10000x64xf32, #tpu.memory_space<hbm>>) dst(%dma_wait3A_152 : memref<80x64xf32, #tpu.memory_space<vmem>>)
    %dma_start3A_159 = arith.constant 2 : i32
    %dma_start3A_160 = arith.constant 122 : i32
    %dma_start3A_161 = arith.constant 0 : i32
    %dma_start3A_162 = arith.constant 0 : i32
    %dma_start3A_163 = tpu.memref_slice %arg8[%dma_start3A_159, %dma_start3A_161, %dma_start3A_162] : memref<4x80x64xf32, #tpu.memory_space<vmem>> -> memref<1x80x64xf32, #tpu.memory_space<vmem>>
    %dma_start3A_164 = tpu.memref_squeeze %dma_start3A_163 : memref<1x80x64xf32, #tpu.memory_space<vmem>> -> memref<80x64xf32, #tpu.memory_space<vmem>>
    %dma_start3A_165 = arith.constant 0 : i32
    %dma_start3A_166 = tpu.memref_slice %arg7[%dma_start3A_160, %dma_start3A_165] : memref<125x80xi32, #tpu.memory_space<vmem>> -> memref<1x80xi32, #tpu.memory_space<vmem>>
    %dma_start3A_167 = tpu.memref_squeeze %dma_start3A_166 : memref<1x80xi32, #tpu.memory_space<vmem>> -> memref<80xi32, #tpu.memory_space<vmem>>
    %dma_start3A_168 = arith.constant 0 : i32
    %dma_start3A_169 = arith.constant 0 : i32
    %dma_start3A_170 = tpu.memref_slice %arg9[%dma_start3A_168, %dma_start3A_169] : memref<10240x64xf32, #tpu.memory_space<vmem_shared>> -> memref<10240x64xf32, #tpu.memory_space<vmem_shared>>
    tpu.enqueue_indirect_dma source(%dma_start3A_164 : memref<80x64xf32, #tpu.memory_space<vmem>>) target(%dma_start3A_170 : memref<10240x64xf32, #tpu.memory_space<vmem_shared>>) offsets(%dma_start3A_167 : memref<80xi32, #tpu.memory_space<vmem>>) semaphore(%arg16 : memref<!tpu.dma_semaphore, #tpu.memory_space<semaphore_mem>>) {add = true}
    %dma_wait3A_171 = arith.constant 0 : i32
    %dma_wait3A_172 = arith.constant 120 : i32
    %dma_wait3A_173 = arith.constant 0 : i32
    %dma_wait3A_174 = arith.constant 0 : i32
    %dma_wait3A_175 = tpu.memref_slice %arg8[%dma_wait3A_171, %dma_wait3A_173, %dma_wait3A_174] : memref<4x80x64xf32, #tpu.memory_space<vmem>> -> memref<1x80x64xf32, #tpu.memory_space<vmem>>
    %dma_wait3A_176 = tpu.memref_squeeze %dma_wait3A_175 : memref<1x80x64xf32, #tpu.memory_space<vmem>> -> memref<80x64xf32, #tpu.memory_space<vmem>>
    %dma_wait3A_177 = arith.constant 0 : i32
    %dma_wait3A_178 = tpu.memref_slice %arg7[%dma_wait3A_172, %dma_wait3A_177] : memref<125x80xi32, #tpu.memory_space<vmem>> -> memref<1x80xi32, #tpu.memory_space<vmem>>
    %dma_wait3A_179 = tpu.memref_squeeze %dma_wait3A_178 : memref<1x80xi32, #tpu.memory_space<vmem>> -> memref<80xi32, #tpu.memory_space<vmem>>
    %dma_wait3A_180 = arith.constant 0 : i32
    %dma_wait3A_181 = arith.constant 0 : i32
    %dma_wait3A_182 = tpu.memref_slice %arg9[%dma_wait3A_180, %dma_wait3A_181] : memref<10240x64xf32, #tpu.memory_space<vmem_shared>> -> memref<10240x64xf32, #tpu.memory_space<vmem_shared>>
    tpu.wait_indirect_dma semaphore(%arg14 : memref<!tpu.dma_semaphore, #tpu.memory_space<semaphore_mem>>) src(%dma_wait3A_176 : memref<80x64xf32, #tpu.memory_space<vmem>>) dst(%dma_wait3A_182 : memref<10240x64xf32, #tpu.memory_space<vmem_shared>>)
    %dma_start3A_183 = arith.constant 124 : i32
    %dma_start3A_184 = arith.constant 0 : i32
    %dma_start3A_185 = arith.constant 0 : i32
    %dma_start3A_186 = arith.constant 0 : i32
    %dma_start3A_187 = tpu.memref_slice %arg8[%dma_start3A_184, %dma_start3A_185, %dma_start3A_186] : memref<4x80x64xf32, #tpu.memory_space<vmem>> -> memref<1x80x64xf32, #tpu.memory_space<vmem>>
    %dma_start3A_188 = tpu.memref_squeeze %dma_start3A_187 : memref<1x80x64xf32, #tpu.memory_space<vmem>> -> memref<80x64xf32, #tpu.memory_space<vmem>>
    %dma_start3A_189 = arith.constant 0 : i32
    %dma_start3A_190 = tpu.memref_slice %arg6[%dma_start3A_183, %dma_start3A_189] : memref<125x80xi32, #tpu.memory_space<vmem>> -> memref<1x80xi32, #tpu.memory_space<vmem>>
    %dma_start3A_191 = tpu.memref_squeeze %dma_start3A_190 : memref<1x80xi32, #tpu.memory_space<vmem>> -> memref<80xi32, #tpu.memory_space<vmem>>
    %dma_start3A_192 = arith.constant 0 : i32
    %dma_start3A_193 = arith.constant 0 : i32
    %dma_start3A_194 = tpu.memref_slice %arg2[%dma_start3A_192, %dma_start3A_193] : memref<10000x64xf32, #tpu.memory_space<hbm>> -> memref<10000x64xf32, #tpu.memory_space<hbm>>
    tpu.enqueue_indirect_dma source(%dma_start3A_194 : memref<10000x64xf32, #tpu.memory_space<hbm>>) target(%dma_start3A_188 : memref<80x64xf32, #tpu.memory_space<vmem>>) offsets(%dma_start3A_191 : memref<80xi32, #tpu.memory_space<vmem>>) semaphore(%arg10 : memref<!tpu.dma_semaphore, #tpu.memory_space<semaphore_mem>>)
    %dma_wait3A_195 = arith.constant 123 : i32
    %dma_wait3A_196 = arith.constant 3 : i32
    %dma_wait3A_197 = arith.constant 0 : i32
    %dma_wait3A_198 = arith.constant 0 : i32
    %dma_wait3A_199 = tpu.memref_slice %arg8[%dma_wait3A_196, %dma_wait3A_197, %dma_wait3A_198] : memref<4x80x64xf32, #tpu.memory_space<vmem>> -> memref<1x80x64xf32, #tpu.memory_space<vmem>>
    %dma_wait3A_200 = tpu.memref_squeeze %dma_wait3A_199 : memref<1x80x64xf32, #tpu.memory_space<vmem>> -> memref<80x64xf32, #tpu.memory_space<vmem>>
    %dma_wait3A_201 = arith.constant 0 : i32
    %dma_wait3A_202 = tpu.memref_slice %arg6[%dma_wait3A_195, %dma_wait3A_201] : memref<125x80xi32, #tpu.memory_space<vmem>> -> memref<1x80xi32, #tpu.memory_space<vmem>>
    %dma_wait3A_203 = tpu.memref_squeeze %dma_wait3A_202 : memref<1x80xi32, #tpu.memory_space<vmem>> -> memref<80xi32, #tpu.memory_space<vmem>>
    %dma_wait3A_204 = arith.constant 0 : i32
    %dma_wait3A_205 = arith.constant 0 : i32
    %dma_wait3A_206 = tpu.memref_slice %arg2[%dma_wait3A_204, %dma_wait3A_205] : memref<10000x64xf32, #tpu.memory_space<hbm>> -> memref<10000x64xf32, #tpu.memory_space<hbm>>
    tpu.wait_indirect_dma semaphore(%arg13 : memref<!tpu.dma_semaphore, #tpu.memory_space<semaphore_mem>>) src(%dma_wait3A_206 : memref<10000x64xf32, #tpu.memory_space<hbm>>) dst(%dma_wait3A_200 : memref<80x64xf32, #tpu.memory_space<vmem>>)
    %dma_start3A_207 = arith.constant 3 : i32
    %dma_start3A_208 = arith.constant 123 : i32
    %dma_start3A_209 = arith.constant 0 : i32
    %dma_start3A_210 = arith.constant 0 : i32
    %dma_start3A_211 = tpu.memref_slice %arg8[%dma_start3A_207, %dma_start3A_209, %dma_start3A_210] : memref<4x80x64xf32, #tpu.memory_space<vmem>> -> memref<1x80x64xf32, #tpu.memory_space<vmem>>
    %dma_start3A_212 = tpu.memref_squeeze %dma_start3A_211 : memref<1x80x64xf32, #tpu.memory_space<vmem>> -> memref<80x64xf32, #tpu.memory_space<vmem>>
    %dma_start3A_213 = arith.constant 0 : i32
    %dma_start3A_214 = tpu.memref_slice %arg7[%dma_start3A_208, %dma_start3A_213] : memref<125x80xi32, #tpu.memory_space<vmem>> -> memref<1x80xi32, #tpu.memory_space<vmem>>
    %dma_start3A_215 = tpu.memref_squeeze %dma_start3A_214 : memref<1x80xi32, #tpu.memory_space<vmem>> -> memref<80xi32, #tpu.memory_space<vmem>>
    %dma_start3A_216 = arith.constant 0 : i32
    %dma_start3A_217 = arith.constant 0 : i32
    %dma_start3A_218 = tpu.memref_slice %arg9[%dma_start3A_216, %dma_start3A_217] : memref<10240x64xf32, #tpu.memory_space<vmem_shared>> -> memref<10240x64xf32, #tpu.memory_space<vmem_shared>>
    tpu.enqueue_indirect_dma source(%dma_start3A_212 : memref<80x64xf32, #tpu.memory_space<vmem>>) target(%dma_start3A_218 : memref<10240x64xf32, #tpu.memory_space<vmem_shared>>) offsets(%dma_start3A_215 : memref<80xi32, #tpu.memory_space<vmem>>) semaphore(%arg17 : memref<!tpu.dma_semaphore, #tpu.memory_space<semaphore_mem>>) {add = true}
    %dma_wait3A_219 = arith.constant 1 : i32
    %dma_wait3A_220 = arith.constant 121 : i32
    %dma_wait3A_221 = arith.constant 0 : i32
    %dma_wait3A_222 = arith.constant 0 : i32
    %dma_wait3A_223 = tpu.memref_slice %arg8[%dma_wait3A_219, %dma_wait3A_221, %dma_wait3A_222] : memref<4x80x64xf32, #tpu.memory_space<vmem>> -> memref<1x80x64xf32, #tpu.memory_space<vmem>>
    %dma_wait3A_224 = tpu.memref_squeeze %dma_wait3A_223 : memref<1x80x64xf32, #tpu.memory_space<vmem>> -> memref<80x64xf32, #tpu.memory_space<vmem>>
    %dma_wait3A_225 = arith.constant 0 : i32
    %dma_wait3A_226 = tpu.memref_slice %arg7[%dma_wait3A_220, %dma_wait3A_225] : memref<125x80xi32, #tpu.memory_space<vmem>> -> memref<1x80xi32, #tpu.memory_space<vmem>>
    %dma_wait3A_227 = tpu.memref_squeeze %dma_wait3A_226 : memref<1x80xi32, #tpu.memory_space<vmem>> -> memref<80xi32, #tpu.memory_space<vmem>>
    %dma_wait3A_228 = arith.constant 0 : i32
    %dma_wait3A_229 = arith.constant 0 : i32
    %dma_wait3A_230 = tpu.memref_slice %arg9[%dma_wait3A_228, %dma_wait3A_229] : memref<10240x64xf32, #tpu.memory_space<vmem_shared>> -> memref<10240x64xf32, #tpu.memory_space<vmem_shared>>
    tpu.wait_indirect_dma semaphore(%arg15 : memref<!tpu.dma_semaphore, #tpu.memory_space<semaphore_mem>>) src(%dma_wait3A_224 : memref<80x64xf32, #tpu.memory_space<vmem>>) dst(%dma_wait3A_230 : memref<10240x64xf32, #tpu.memory_space<vmem_shared>>)
    %dma_wait3A_231 = arith.constant 124 : i32
    %dma_wait3A_232 = arith.constant 0 : i32
    %dma_wait3A_233 = arith.constant 0 : i32
    %dma_wait3A_234 = arith.constant 0 : i32
    %dma_wait3A_235 = tpu.memref_slice %arg8[%dma_wait3A_232, %dma_wait3A_233, %dma_wait3A_234] : memref<4x80x64xf32, #tpu.memory_space<vmem>> -> memref<1x80x64xf32, #tpu.memory_space<vmem>>
    %dma_wait3A_236 = tpu.memref_squeeze %dma_wait3A_235 : memref<1x80x64xf32, #tpu.memory_space<vmem>> -> memref<80x64xf32, #tpu.memory_space<vmem>>
    %dma_wait3A_237 = arith.constant 0 : i32
    %dma_wait3A_238 = tpu.memref_slice %arg6[%dma_wait3A_231, %dma_wait3A_237] : memref<125x80xi32, #tpu.memory_space<vmem>> -> memref<1x80xi32, #tpu.memory_space<vmem>>
    %dma_wait3A_239 = tpu.memref_squeeze %dma_wait3A_238 : memref<1x80xi32, #tpu.memory_space<vmem>> -> memref<80xi32, #tpu.memory_space<vmem>>
    %dma_wait3A_240 = arith.constant 0 : i32
    %dma_wait3A_241 = arith.constant 0 : i32
    %dma_wait3A_242 = tpu.memref_slice %arg2[%dma_wait3A_240, %dma_wait3A_241] : memref<10000x64xf32, #tpu.memory_space<hbm>> -> memref<10000x64xf32, #tpu.memory_space<hbm>>
    tpu.wait_indirect_dma semaphore(%arg10 : memref<!tpu.dma_semaphore, #tpu.memory_space<semaphore_mem>>) src(%dma_wait3A_242 : memref<10000x64xf32, #tpu.memory_space<hbm>>) dst(%dma_wait3A_236 : memref<80x64xf32, #tpu.memory_space<vmem>>)
    %dma_start3A_243 = arith.constant 0 : i32
    %dma_start3A_244 = arith.constant 124 : i32
    %dma_start3A_245 = arith.constant 0 : i32
    %dma_start3A_246 = arith.constant 0 : i32
    %dma_start3A_247 = tpu.memref_slice %arg8[%dma_start3A_243, %dma_start3A_245, %dma_start3A_246] : memref<4x80x64xf32, #tpu.memory_space<vmem>> -> memref<1x80x64xf32, #tpu.memory_space<vmem>>
    %dma_start3A_248 = tpu.memref_squeeze %dma_start3A_247 : memref<1x80x64xf32, #tpu.memory_space<vmem>> -> memref<80x64xf32, #tpu.memory_space<vmem>>
    %dma_start3A_249 = arith.constant 0 : i32
    %dma_start3A_250 = tpu.memref_slice %arg7[%dma_start3A_244, %dma_start3A_249] : memref<125x80xi32, #tpu.memory_space<vmem>> -> memref<1x80xi32, #tpu.memory_space<vmem>>
    %dma_start3A_251 = tpu.memref_squeeze %dma_start3A_250 : memref<1x80xi32, #tpu.memory_space<vmem>> -> memref<80xi32, #tpu.memory_space<vmem>>
    %dma_start3A_252 = arith.constant 0 : i32
    %dma_start3A_253 = arith.constant 0 : i32
    %dma_start3A_254 = tpu.memref_slice %arg9[%dma_start3A_252, %dma_start3A_253] : memref<10240x64xf32, #tpu.memory_space<vmem_shared>> -> memref<10240x64xf32, #tpu.memory_space<vmem_shared>>
    tpu.enqueue_indirect_dma source(%dma_start3A_248 : memref<80x64xf32, #tpu.memory_space<vmem>>) target(%dma_start3A_254 : memref<10240x64xf32, #tpu.memory_space<vmem_shared>>) offsets(%dma_start3A_251 : memref<80xi32, #tpu.memory_space<vmem>>) semaphore(%arg14 : memref<!tpu.dma_semaphore, #tpu.memory_space<semaphore_mem>>) {add = true}
    %dma_wait3A_255 = arith.constant 2 : i32
    %dma_wait3A_256 = arith.constant 122 : i32
    %dma_wait3A_257 = arith.constant 0 : i32
    %dma_wait3A_258 = arith.constant 0 : i32
    %dma_wait3A_259 = tpu.memref_slice %arg8[%dma_wait3A_255, %dma_wait3A_257, %dma_wait3A_258] : memref<4x80x64xf32, #tpu.memory_space<vmem>> -> memref<1x80x64xf32, #tpu.memory_space<vmem>>
    %dma_wait3A_260 = tpu.memref_squeeze %dma_wait3A_259 : memref<1x80x64xf32, #tpu.memory_space<vmem>> -> memref<80x64xf32, #tpu.memory_space<vmem>>
    %dma_wait3A_261 = arith.constant 0 : i32
    %dma_wait3A_262 = tpu.memref_slice %arg7[%dma_wait3A_256, %dma_wait3A_261] : memref<125x80xi32, #tpu.memory_space<vmem>> -> memref<1x80xi32, #tpu.memory_space<vmem>>
    %dma_wait3A_263 = tpu.memref_squeeze %dma_wait3A_262 : memref<1x80xi32, #tpu.memory_space<vmem>> -> memref<80xi32, #tpu.memory_space<vmem>>
    %dma_wait3A_264 = arith.constant 0 : i32
    %dma_wait3A_265 = arith.constant 0 : i32
    %dma_wait3A_266 = tpu.memref_slice %arg9[%dma_wait3A_264, %dma_wait3A_265] : memref<10240x64xf32, #tpu.memory_space<vmem_shared>> -> memref<10240x64xf32, #tpu.memory_space<vmem_shared>>
    tpu.wait_indirect_dma semaphore(%arg16 : memref<!tpu.dma_semaphore, #tpu.memory_space<semaphore_mem>>) src(%dma_wait3A_260 : memref<80x64xf32, #tpu.memory_space<vmem>>) dst(%dma_wait3A_266 : memref<10240x64xf32, #tpu.memory_space<vmem_shared>>)
    %dma_wait3A_267 = arith.constant 3 : i32
    %dma_wait3A_268 = arith.constant 123 : i32
    %dma_wait3A_269 = arith.constant 0 : i32
    %dma_wait3A_270 = arith.constant 0 : i32
    %dma_wait3A_271 = tpu.memref_slice %arg8[%dma_wait3A_267, %dma_wait3A_269, %dma_wait3A_270] : memref<4x80x64xf32, #tpu.memory_space<vmem>> -> memref<1x80x64xf32, #tpu.memory_space<vmem>>
    %dma_wait3A_272 = tpu.memref_squeeze %dma_wait3A_271 : memref<1x80x64xf32, #tpu.memory_space<vmem>> -> memref<80x64xf32, #tpu.memory_space<vmem>>
    %dma_wait3A_273 = arith.constant 0 : i32
    %dma_wait3A_274 = tpu.memref_slice %arg7[%dma_wait3A_268, %dma_wait3A_273] : memref<125x80xi32, #tpu.memory_space<vmem>> -> memref<1x80xi32, #tpu.memory_space<vmem>>
    %dma_wait3A_275 = tpu.memref_squeeze %dma_wait3A_274 : memref<1x80xi32, #tpu.memory_space<vmem>> -> memref<80xi32, #tpu.memory_space<vmem>>
    %dma_wait3A_276 = arith.constant 0 : i32
    %dma_wait3A_277 = arith.constant 0 : i32
    %dma_wait3A_278 = tpu.memref_slice %arg9[%dma_wait3A_276, %dma_wait3A_277] : memref<10240x64xf32, #tpu.memory_space<vmem_shared>> -> memref<10240x64xf32, #tpu.memory_space<vmem_shared>>
    tpu.wait_indirect_dma semaphore(%arg17 : memref<!tpu.dma_semaphore, #tpu.memory_space<semaphore_mem>>) src(%dma_wait3A_272 : memref<80x64xf32, #tpu.memory_space<vmem>>) dst(%dma_wait3A_278 : memref<10240x64xf32, #tpu.memory_space<vmem_shared>>)
    %dma_wait3A_279 = arith.constant 0 : i32
    %dma_wait3A_280 = arith.constant 124 : i32
    %dma_wait3A_281 = arith.constant 0 : i32
    %dma_wait3A_282 = arith.constant 0 : i32
    %dma_wait3A_283 = tpu.memref_slice %arg8[%dma_wait3A_279, %dma_wait3A_281, %dma_wait3A_282] : memref<4x80x64xf32, #tpu.memory_space<vmem>> -> memref<1x80x64xf32, #tpu.memory_space<vmem>>
    %dma_wait3A_284 = tpu.memref_squeeze %dma_wait3A_283 : memref<1x80x64xf32, #tpu.memory_space<vmem>> -> memref<80x64xf32, #tpu.memory_space<vmem>>
    %dma_wait3A_285 = arith.constant 0 : i32
    %dma_wait3A_286 = tpu.memref_slice %arg7[%dma_wait3A_280, %dma_wait3A_285] : memref<125x80xi32, #tpu.memory_space<vmem>> -> memref<1x80xi32, #tpu.memory_space<vmem>>
    %dma_wait3A_287 = tpu.memref_squeeze %dma_wait3A_286 : memref<1x80xi32, #tpu.memory_space<vmem>> -> memref<80xi32, #tpu.memory_space<vmem>>
    %dma_wait3A_288 = arith.constant 0 : i32
    %dma_wait3A_289 = arith.constant 0 : i32
    %dma_wait3A_290 = tpu.memref_slice %arg9[%dma_wait3A_288, %dma_wait3A_289] : memref<10240x64xf32, #tpu.memory_space<vmem_shared>> -> memref<10240x64xf32, #tpu.memory_space<vmem_shared>>
    tpu.wait_indirect_dma semaphore(%arg14 : memref<!tpu.dma_semaphore, #tpu.memory_space<semaphore_mem>>) src(%dma_wait3A_284 : memref<80x64xf32, #tpu.memory_space<vmem>>) dst(%dma_wait3A_290 : memref<10240x64xf32, #tpu.memory_space<vmem_shared>>)
    %barrier3A_291 = arith.constant 0 : index
    tpu.barrier barrier_id(%barrier3A_291)
    %mul3A_292 = arith.constant 640 : i32
    %mul3A_293 = arith.muli %arg1, %mul3A_292 : i32
    %mul3A_294 = arith.constant 640 : i32
    %mul3A_295 = arith.muli %arg1, %mul3A_294 : i32
    "tpu.region"() ({
      %run_scoped3A = tpu.sem_alloc : memref<!tpu.dma_semaphore, #tpu.memory_space<semaphore_mem>>
      %dma_start3A_296 = arith.constant 0 : i32
      %dma_start3A_297 = tpu.memref_slice %arg5[%arg0, %mul3A_295, %dma_start3A_296] : memref<2x10240x64xf32, #tpu.memory_space<hbm>> -> memref<1x640x64xf32, #tpu.memory_space<hbm>>
      %dma_start3A_298 = tpu.memref_squeeze %dma_start3A_297 : memref<1x640x64xf32, #tpu.memory_space<hbm>> -> memref<640x64xf32, #tpu.memory_space<hbm>>
      %dma_start3A_299 = arith.constant 0 : i32
      %dma_start3A_300 = tpu.memref_slice %arg9[%mul3A_293, %dma_start3A_299] : memref<10240x64xf32, #tpu.memory_space<vmem_shared>> -> memref<640x64xf32, #tpu.memory_space<vmem_shared>>
      tpu.enqueue_dma source(%dma_start3A_300 : memref<640x64xf32, #tpu.memory_space<vmem_shared>>) target(%dma_start3A_298 : memref<640x64xf32, #tpu.memory_space<hbm>>) target_semaphore(%run_scoped3A : memref<!tpu.dma_semaphore, #tpu.memory_space<semaphore_mem>>)
      %dma_wait3A_301 = arith.constant 0 : i32
      %dma_wait3A_302 = tpu.memref_slice %arg5[%arg0, %mul3A_295, %dma_wait3A_301] : memref<2x10240x64xf32, #tpu.memory_space<hbm>> -> memref<1x640x64xf32, #tpu.memory_space<hbm>>
      %dma_wait3A_303 = tpu.memref_squeeze %dma_wait3A_302 : memref<1x640x64xf32, #tpu.memory_space<hbm>> -> memref<640x64xf32, #tpu.memory_space<hbm>>
      %dma_wait3A_304 = arith.constant 0 : i32
      %dma_wait3A_305 = tpu.memref_slice %arg9[%mul3A_293, %dma_wait3A_304] : memref<10240x64xf32, #tpu.memory_space<vmem_shared>> -> memref<640x64xf32, #tpu.memory_space<vmem_shared>>
      tpu.wait_dma2 semaphore(%run_scoped3A : memref<!tpu.dma_semaphore, #tpu.memory_space<semaphore_mem>>) src(%dma_wait3A_305 : memref<640x64xf32, #tpu.memory_space<vmem_shared>>) dst(%dma_wait3A_303 : memref<640x64xf32, #tpu.memory_space<hbm>>)
      tpu.yield
    }) : () -> ()
    return
  }
}

module attributes {stable_mosaic.version = 14 : i64} {
  func.func @_tc_h0_body(%arg0: i32, %arg1: memref<2000x128xf32, #tpu.memory_space<vmem>>, %arg2: memref<128x64xf32, #tpu.memory_space<vmem>>, %arg3: memref<2000x64xf32, #tpu.memory_space<vmem>>) attributes {dimension_semantics = [#tpu.dimension_semantics<arbitrary>], iteration_bounds = array<i64: 5>, scalar_prefetch = 0 : i64, scratch_operands = 0 : i64, tpu.core_type = #tpu.core_type<tc>, window_params = [{transform_indices = @transform_0, window_bounds = array<i64: 2000, 128>}, {pipeline_mode = #tpu.pipeline_mode<synchronous>, transform_indices = @transform_1, window_bounds = array<i64: 128, 64>}, {transform_indices = @transform_2, window_bounds = array<i64: 2000, 64>}]} {
    %get3A = arith.constant 0 : index
    %get3A_0 = arith.constant 0 : index
    %get3A_1 = vector.load %arg1[%get3A, %get3A_0] : memref<2000x128xf32, #tpu.memory_space<vmem>>, vector<2000x128xf32>
    %get3A_2 = arith.constant 0 : index
    %get3A_3 = arith.constant 0 : index
    %get3A_4 = vector.load %arg2[%get3A_2, %get3A_3] : memref<128x64xf32, #tpu.memory_space<vmem>>, vector<128x64xf32>
    %dot_general3A = arith.constant dense<0.000000e+00> : vector<2000x64xf32>
    %dot_general3A_5 = tpu.matmul %get3A_1, %get3A_4, %dot_general3A {dimension_numbers = #tpu.dot_dimension_numbers<[1], [0], [0], [1], [0, 0, 1, 1], [], []>, transpose_lhs_hint = false} : vector<2000x128xf32>, vector<128x64xf32>, vector<2000x64xf32> -> vector<2000x64xf32>
    %swap3A = arith.constant 0 : index
    %swap3A_6 = arith.constant 0 : index
    %swap3A_7 = vector.load %arg3[%swap3A, %swap3A_6] : memref<2000x64xf32, #tpu.memory_space<vmem>>, vector<2000x64xf32>
    tpu.vector_store %arg3[%swap3A, %swap3A_6], %dot_general3A_5 {strides = array<i32>} : memref<2000x64xf32, #tpu.memory_space<vmem>>, vector<2000x64xf32>,
    return
  }
  func.func @transform_0(%arg0: i32) -> (i32, i32) {
    %c0_i32 = arith.constant 0 : i32
    %c0_i32_0 = arith.constant 0 : i32
    return %arg0, %c0_i32 : i32, i32
  }
  func.func @transform_1(%arg0: i32) -> (i32, i32) {
    %c0_i32 = arith.constant 0 : i32
    %c0_i32_0 = arith.constant 0 : i32
    %c0_i32_1 = arith.constant 0 : i32
    return %c0_i32, %c0_i32_0 : i32, i32
  }
  func.func @transform_2(%arg0: i32) -> (i32, i32) {
    %c0_i32 = arith.constant 0 : i32
    %c0_i32_0 = arith.constant 0 : i32
    return %arg0, %c0_i32 : i32, i32
  }
}

module attributes {stable_mosaic.version = 14 : i64} {
  func.func @_tc_scale_body(%arg0: i32, %arg1: memref<2000x64xf32, #tpu.memory_space<vmem>>, %arg2: memref<2000x16xf32, #tpu.memory_space<vmem>>, %arg3: memref<2000x64xf32, #tpu.memory_space<vmem>>) attributes {dimension_semantics = [#tpu.dimension_semantics<arbitrary>], iteration_bounds = array<i64: 5>, scalar_prefetch = 0 : i64, scratch_operands = 0 : i64, tpu.core_type = #tpu.core_type<tc>, window_params = [{transform_indices = @transform_0, window_bounds = array<i64: 2000, 64>}, {transform_indices = @transform_1, window_bounds = array<i64: 2000, 16>}, {transform_indices = @transform_2, window_bounds = array<i64: 2000, 64>}]} {
    %get3A = arith.constant 0 : index
    %get3A_0 = arith.constant 0 : index
    %get3A_1 = vector.load %arg1[%get3A, %get3A_0] : memref<2000x64xf32, #tpu.memory_space<vmem>>, vector<2000x64xf32>
    %get3A_2 = arith.constant 0 : index
    %get3A_3 = arith.constant 0 : index
    %get3A_4 = vector.load %arg2[%get3A_2, %get3A_3] : memref<2000x16xf32, #tpu.memory_space<vmem>>, vector<2000x16xf32>
    %slice3A = vector.extract_strided_slice %get3A_4 {offsets = [0, 0], sizes = [2000, 1], strides = [1, 1]} : vector<2000x16xf32> to vector<2000x1xf32>
    %add3A = arith.constant 1.000000e+00 : f32
    %add3A_5 = vector.broadcast %add3A : f32 to vector<2000x1xf32>
    %add3A_6 = arith.addf %slice3A, %add3A_5 : vector<2000x1xf32>
    %rsqrt3A = math.rsqrt %add3A_6 : vector<2000x1xf32>
    %mul3A = vector.broadcast %rsqrt3A : vector<2000x1xf32> to vector<2000x64xf32>
    %mul3A_7 = arith.mulf %get3A_1, %mul3A : vector<2000x64xf32>
    %swap3A = arith.constant 0 : index
    %swap3A_8 = arith.constant 0 : index
    %swap3A_9 = vector.load %arg3[%swap3A, %swap3A_8] : memref<2000x64xf32, #tpu.memory_space<vmem>>, vector<2000x64xf32>
    tpu.vector_store %arg3[%swap3A, %swap3A_8], %mul3A_7 {strides = array<i32>} : memref<2000x64xf32, #tpu.memory_space<vmem>>, vector<2000x64xf32>,
    return
  }
  func.func @transform_0(%arg0: i32) -> (i32, i32) {
    %c0_i32 = arith.constant 0 : i32
    %c0_i32_0 = arith.constant 0 : i32
    return %arg0, %c0_i32 : i32, i32
  }
  func.func @transform_1(%arg0: i32) -> (i32, i32) {
    %c0_i32 = arith.constant 0 : i32
    %c0_i32_0 = arith.constant 0 : i32
    return %arg0, %c0_i32 : i32, i32
  }
  func.func @transform_2(%arg0: i32) -> (i32, i32) {
    %c0_i32 = arith.constant 0 : i32
    %c0_i32_0 = arith.constant 0 : i32
    return %arg0, %c0_i32 : i32, i32
  }
}

module attributes {stable_mosaic.version = 14 : i64} {
  func.func @_tc_mid_body(%arg0: i32, %arg1: memref<2000x64xf32, #tpu.memory_space<vmem>>, %arg2: memref<2000x16xf32, #tpu.memory_space<vmem>>, %arg3: memref<1x64xf32, #tpu.memory_space<vmem>>, %arg4: memref<1x64xf32, #tpu.memory_space<vmem>>, %arg5: memref<1x64xf32, #tpu.memory_space<vmem>>, %arg6: memref<64x32xf32, #tpu.memory_space<vmem>>, %arg7: memref<2000x32xf32, #tpu.memory_space<vmem>>) attributes {dimension_semantics = [#tpu.dimension_semantics<arbitrary>], iteration_bounds = array<i64: 5>, scalar_prefetch = 0 : i64, scratch_operands = 0 : i64, tpu.core_type = #tpu.core_type<tc>, window_params = [{transform_indices = @transform_0, window_bounds = array<i64: 2000, 64>}, {transform_indices = @transform_1, window_bounds = array<i64: 2000, 16>}, {pipeline_mode = #tpu.pipeline_mode<synchronous>, transform_indices = @transform_2, window_bounds = array<i64: 1, 64>}, {pipeline_mode = #tpu.pipeline_mode<synchronous>, transform_indices = @transform_3, window_bounds = array<i64: 1, 64>}, {pipeline_mode = #tpu.pipeline_mode<synchronous>, transform_indices = @transform_4, window_bounds = array<i64: 1, 64>}, {pipeline_mode = #tpu.pipeline_mode<synchronous>, transform_indices = @transform_5, window_bounds = array<i64: 64, 32>}, {transform_indices = @transform_6, window_bounds = array<i64: 2000, 32>}]} {
    %get3A = arith.constant 0 : index
    %get3A_0 = arith.constant 0 : index
    %get3A_1 = vector.load %arg2[%get3A, %get3A_0] : memref<2000x16xf32, #tpu.memory_space<vmem>>, vector<2000x16xf32>
    %slice3A = vector.extract_strided_slice %get3A_1 {offsets = [0, 0], sizes = [2000, 1], strides = [1, 1]} : vector<2000x16xf32> to vector<2000x1xf32>
    %add3A = arith.constant 1.000000e+00 : f32
    %add3A_2 = vector.broadcast %add3A : f32 to vector<2000x1xf32>
    %add3A_3 = arith.addf %slice3A, %add3A_2 : vector<2000x1xf32>
    %rsqrt3A = math.rsqrt %add3A_3 : vector<2000x1xf32>
    %get3A_4 = arith.constant 0 : index
    %get3A_5 = arith.constant 0 : index
    %get3A_6 = vector.load %arg1[%get3A_4, %get3A_5] : memref<2000x64xf32, #tpu.memory_space<vmem>>, vector<2000x64xf32>
    %mul3A = vector.broadcast %rsqrt3A : vector<2000x1xf32> to vector<2000x64xf32>
    %mul3A_7 = arith.mulf %get3A_6, %mul3A : vector<2000x64xf32>
    %get3A_8 = arith.constant 0 : index
    %get3A_9 = arith.constant 0 : index
    %get3A_10 = vector.load %arg3[%get3A_8, %get3A_9] : memref<1x64xf32, #tpu.memory_space<vmem>>, vector<1x64xf32>
    %add3A_11 = vector.broadcast %get3A_10 : vector<1x64xf32> to vector<2000x64xf32>
    %add3A_12 = arith.addf %mul3A_7, %add3A_11 : vector<2000x64xf32>
    %max3A = arith.constant 0.000000e+00 : f32
    %max3A_13 = vector.broadcast %max3A : f32 to vector<2000x64xf32>
    %max3A_14 = arith.maximumf %add3A_12, %max3A_13 : vector<2000x64xf32>
    %reduce_sum3A = arith.constant dense<0.000000e+00> : vector<2000xf32>
    %reduce_sum3A_15 = vector.multi_reduction <add>, %max3A_14, %reduce_sum3A [1] : vector<2000x64xf32> to vector<2000xf32>
    %broadcast_in_dim3A = vector.shape_cast %reduce_sum3A_15 : vector<2000xf32> to vector<2000x1xf32>
    %div3A = arith.constant 6.400000e+01 : f32
    %div3A_16 = vector.broadcast %div3A : f32 to vector<2000x1xf32>
    %div3A_17 = arith.divf %broadcast_in_dim3A, %div3A_16 : vector<2000x1xf32>
    %sub3A = vector.broadcast %div3A_17 : vector<2000x1xf32> to vector<2000x64xf32>
    %sub3A_18 = arith.subf %max3A_14, %sub3A : vector<2000x64xf32>
    %integer_pow3A = arith.mulf %sub3A_18, %sub3A_18 : vector<2000x64xf32>
    %reduce_sum3A_19 = arith.constant dense<0.000000e+00> : vector<2000xf32>
    %reduce_sum3A_20 = vector.multi_reduction <add>, %integer_pow3A, %reduce_sum3A_19 [1] : vector<2000x64xf32> to vector<2000xf32>
    %broadcast_in_dim3A_21 = vector.shape_cast %reduce_sum3A_20 : vector<2000xf32> to vector<2000x1xf32>
    %div3A_22 = arith.constant 6.400000e+01 : f32
    %div3A_23 = vector.broadcast %div3A_22 : f32 to vector<2000x1xf32>
    %div3A_24 = arith.divf %broadcast_in_dim3A_21, %div3A_23 : vector<2000x1xf32>
    %sub3A_25 = vector.broadcast %div3A_17 : vector<2000x1xf32> to vector<2000x64xf32>
    %sub3A_26 = arith.subf %max3A_14, %sub3A_25 : vector<2000x64xf32>
    %add3A_27 = arith.constant 9.99999974E-6 : f32
    %add3A_28 = vector.broadcast %add3A_27 : f32 to vector<2000x1xf32>
    %add3A_29 = arith.addf %div3A_24, %add3A_28 : vector<2000x1xf32>
    %rsqrt3A_30 = math.rsqrt %add3A_29 : vector<2000x1xf32>
    %mul3A_31 = vector.broadcast %rsqrt3A_30 : vector<2000x1xf32> to vector<2000x64xf32>
    %mul3A_32 = arith.mulf %sub3A_26, %mul3A_31 : vector<2000x64xf32>
    %get3A_33 = arith.constant 0 : index
    %get3A_34 = arith.constant 0 : index
    %get3A_35 = vector.load %arg4[%get3A_33, %get3A_34] : memref<1x64xf32, #tpu.memory_space<vmem>>, vector<1x64xf32>
    %mul3A_36 = vector.broadcast %get3A_35 : vector<1x64xf32> to vector<2000x64xf32>
    %mul3A_37 = arith.mulf %mul3A_32, %mul3A_36 : vector<2000x64xf32>
    %get3A_38 = arith.constant 0 : index
    %get3A_39 = arith.constant 0 : index
    %get3A_40 = vector.load %arg5[%get3A_38, %get3A_39] : memref<1x64xf32, #tpu.memory_space<vmem>>, vector<1x64xf32>
    %add3A_41 = vector.broadcast %get3A_40 : vector<1x64xf32> to vector<2000x64xf32>
    %add3A_42 = arith.addf %mul3A_37, %add3A_41 : vector<2000x64xf32>
    %get3A_43 = arith.constant 0 : index
    %get3A_44 = arith.constant 0 : index
    %get3A_45 = vector.load %arg6[%get3A_43, %get3A_44] : memref<64x32xf32, #tpu.memory_space<vmem>>, vector<64x32xf32>
    %dot_general3A = arith.constant dense<0.000000e+00> : vector<2000x32xf32>
    %dot_general3A_46 = tpu.matmul %add3A_42, %get3A_45, %dot_general3A {dimension_numbers = #tpu.dot_dimension_numbers<[1], [0], [0], [1], [0, 0, 1, 1], [], []>, transpose_lhs_hint = false} : vector<2000x64xf32>, vector<64x32xf32>, vector<2000x32xf32> -> vector<2000x32xf32>
    %mul3A_47 = vector.broadcast %rsqrt3A : vector<2000x1xf32> to vector<2000x32xf32>
    %mul3A_48 = arith.mulf %dot_general3A_46, %mul3A_47 : vector<2000x32xf32>
    %swap3A = arith.constant 0 : index
    %swap3A_49 = arith.constant 0 : index
    %swap3A_50 = vector.load %arg7[%swap3A, %swap3A_49] : memref<2000x32xf32, #tpu.memory_space<vmem>>, vector<2000x32xf32>
    tpu.vector_store %arg7[%swap3A, %swap3A_49], %mul3A_48 {strides = array<i32>} : memref<2000x32xf32, #tpu.memory_space<vmem>>, vector<2000x32xf32>,
    return
  }
  func.func @transform_0(%arg0: i32) -> (i32, i32) {
    %c0_i32 = arith.constant 0 : i32
    %c0_i32_0 = arith.constant 0 : i32
    return %arg0, %c0_i32 : i32, i32
  }
  func.func @transform_1(%arg0: i32) -> (i32, i32) {
    %c0_i32 = arith.constant 0 : i32
    %c0_i32_0 = arith.constant 0 : i32
    return %arg0, %c0_i32 : i32, i32
  }
  func.func @transform_2(%arg0: i32) -> (i32, i32) {
    %c0_i32 = arith.constant 0 : i32
    %c0_i32_0 = arith.constant 0 : i32
    %c0_i32_1 = arith.constant 0 : i32
    return %c0_i32, %c0_i32_0 : i32, i32
  }
  func.func @transform_3(%arg0: i32) -> (i32, i32) {
    %c0_i32 = arith.constant 0 : i32
    %c0_i32_0 = arith.constant 0 : i32
    %c0_i32_1 = arith.constant 0 : i32
    return %c0_i32, %c0_i32_0 : i32, i32
  }
  func.func @transform_4(%arg0: i32) -> (i32, i32) {
    %c0_i32 = arith.constant 0 : i32
    %c0_i32_0 = arith.constant 0 : i32
    %c0_i32_1 = arith.constant 0 : i32
    return %c0_i32, %c0_i32_0 : i32, i32
  }
  func.func @transform_5(%arg0: i32) -> (i32, i32) {
    %c0_i32 = arith.constant 0 : i32
    %c0_i32_0 = arith.constant 0 : i32
    %c0_i32_1 = arith.constant 0 : i32
    return %c0_i32, %c0_i32_0 : i32, i32
  }
  func.func @transform_6(%arg0: i32) -> (i32, i32) {
    %c0_i32 = arith.constant 0 : i32
    %c0_i32_0 = arith.constant 0 : i32
    return %arg0, %c0_i32 : i32, i32
  }
}

module attributes {stable_mosaic.version = 14 : i64} {
  func.func @_tc_final_body(%arg0: i32, %arg1: memref<2000x32xf32, #tpu.memory_space<vmem>>, %arg2: memref<2000x16xf32, #tpu.memory_space<vmem>>, %arg3: memref<1x32xf32, #tpu.memory_space<vmem>>, %arg4: memref<1x32xf32, #tpu.memory_space<vmem>>, %arg5: memref<1x32xf32, #tpu.memory_space<vmem>>, %arg6: memref<32x64xf32, #tpu.memory_space<vmem>>, %arg7: memref<1x64xf32, #tpu.memory_space<vmem>>, %arg8: memref<64x128xf32, #tpu.memory_space<vmem>>, %arg9: memref<1x128xf32, #tpu.memory_space<vmem>>, %arg10: memref<2000x32xf32, #tpu.memory_space<vmem>>, %arg11: memref<2000x128xf32, #tpu.memory_space<vmem>>) attributes {dimension_semantics = [#tpu.dimension_semantics<arbitrary>], iteration_bounds = array<i64: 5>, scalar_prefetch = 0 : i64, scratch_operands = 0 : i64, tpu.core_type = #tpu.core_type<tc>, window_params = [{transform_indices = @transform_0, window_bounds = array<i64: 2000, 32>}, {transform_indices = @transform_1, window_bounds = array<i64: 2000, 16>}, {pipeline_mode = #tpu.pipeline_mode<synchronous>, transform_indices = @transform_2, window_bounds = array<i64: 1, 32>}, {pipeline_mode = #tpu.pipeline_mode<synchronous>, transform_indices = @transform_3, window_bounds = array<i64: 1, 32>}, {pipeline_mode = #tpu.pipeline_mode<synchronous>, transform_indices = @transform_4, window_bounds = array<i64: 1, 32>}, {pipeline_mode = #tpu.pipeline_mode<synchronous>, transform_indices = @transform_5, window_bounds = array<i64: 32, 64>}, {pipeline_mode = #tpu.pipeline_mode<synchronous>, transform_indices = @transform_6, window_bounds = array<i64: 1, 64>}, {pipeline_mode = #tpu.pipeline_mode<synchronous>, transform_indices = @transform_7, window_bounds = array<i64: 64, 128>}, {pipeline_mode = #tpu.pipeline_mode<synchronous>, transform_indices = @transform_8, window_bounds = array<i64: 1, 128>}, {transform_indices = @transform_9, window_bounds = array<i64: 2000, 32>}, {transform_indices = @transform_10, window_bounds = array<i64: 2000, 128>}]} {
    %get3A = arith.constant 0 : index
    %get3A_0 = arith.constant 0 : index
    %get3A_1 = vector.load %arg2[%get3A, %get3A_0] : memref<2000x16xf32, #tpu.memory_space<vmem>>, vector<2000x16xf32>
    %slice3A = vector.extract_strided_slice %get3A_1 {offsets = [0, 0], sizes = [2000, 1], strides = [1, 1]} : vector<2000x16xf32> to vector<2000x1xf32>
    %add3A = arith.constant 1.000000e+00 : f32
    %add3A_2 = vector.broadcast %add3A : f32 to vector<2000x1xf32>
    %add3A_3 = arith.addf %slice3A, %add3A_2 : vector<2000x1xf32>
    %rsqrt3A = math.rsqrt %add3A_3 : vector<2000x1xf32>
    %get3A_4 = arith.constant 0 : index
    %get3A_5 = arith.constant 0 : index
    %get3A_6 = vector.load %arg1[%get3A_4, %get3A_5] : memref<2000x32xf32, #tpu.memory_space<vmem>>, vector<2000x32xf32>
    %mul3A = vector.broadcast %rsqrt3A : vector<2000x1xf32> to vector<2000x32xf32>
    %mul3A_7 = arith.mulf %get3A_6, %mul3A : vector<2000x32xf32>
    %get3A_8 = arith.constant 0 : index
    %get3A_9 = arith.constant 0 : index
    %get3A_10 = vector.load %arg3[%get3A_8, %get3A_9] : memref<1x32xf32, #tpu.memory_space<vmem>>, vector<1x32xf32>
    %add3A_11 = vector.broadcast %get3A_10 : vector<1x32xf32> to vector<2000x32xf32>
    %add3A_12 = arith.addf %mul3A_7, %add3A_11 : vector<2000x32xf32>
    %max3A = arith.constant 0.000000e+00 : f32
    %max3A_13 = vector.broadcast %max3A : f32 to vector<2000x32xf32>
    %max3A_14 = arith.maximumf %add3A_12, %max3A_13 : vector<2000x32xf32>
    %reduce_sum3A = arith.constant dense<0.000000e+00> : vector<2000xf32>
    %reduce_sum3A_15 = vector.multi_reduction <add>, %max3A_14, %reduce_sum3A [1] : vector<2000x32xf32> to vector<2000xf32>
    %broadcast_in_dim3A = vector.shape_cast %reduce_sum3A_15 : vector<2000xf32> to vector<2000x1xf32>
    %div3A = arith.constant 3.200000e+01 : f32
    %div3A_16 = vector.broadcast %div3A : f32 to vector<2000x1xf32>
    %div3A_17 = arith.divf %broadcast_in_dim3A, %div3A_16 : vector<2000x1xf32>
    %sub3A = vector.broadcast %div3A_17 : vector<2000x1xf32> to vector<2000x32xf32>
    %sub3A_18 = arith.subf %max3A_14, %sub3A : vector<2000x32xf32>
    %integer_pow3A = arith.mulf %sub3A_18, %sub3A_18 : vector<2000x32xf32>
    %reduce_sum3A_19 = arith.constant dense<0.000000e+00> : vector<2000xf32>
    %reduce_sum3A_20 = vector.multi_reduction <add>, %integer_pow3A, %reduce_sum3A_19 [1] : vector<2000x32xf32> to vector<2000xf32>
    %broadcast_in_dim3A_21 = vector.shape_cast %reduce_sum3A_20 : vector<2000xf32> to vector<2000x1xf32>
    %div3A_22 = arith.constant 3.200000e+01 : f32
    %div3A_23 = vector.broadcast %div3A_22 : f32 to vector<2000x1xf32>
    %div3A_24 = arith.divf %broadcast_in_dim3A_21, %div3A_23 : vector<2000x1xf32>
    %sub3A_25 = vector.broadcast %div3A_17 : vector<2000x1xf32> to vector<2000x32xf32>
    %sub3A_26 = arith.subf %max3A_14, %sub3A_25 : vector<2000x32xf32>
    %add3A_27 = arith.constant 9.99999974E-6 : f32
    %add3A_28 = vector.broadcast %add3A_27 : f32 to vector<2000x1xf32>
    %add3A_29 = arith.addf %div3A_24, %add3A_28 : vector<2000x1xf32>
    %rsqrt3A_30 = math.rsqrt %add3A_29 : vector<2000x1xf32>
    %mul3A_31 = vector.broadcast %rsqrt3A_30 : vector<2000x1xf32> to vector<2000x32xf32>
    %mul3A_32 = arith.mulf %sub3A_26, %mul3A_31 : vector<2000x32xf32>
    %get3A_33 = arith.constant 0 : index
    %get3A_34 = arith.constant 0 : index
    %get3A_35 = vector.load %arg4[%get3A_33, %get3A_34] : memref<1x32xf32, #tpu.memory_space<vmem>>, vector<1x32xf32>
    %mul3A_36 = vector.broadcast %get3A_35 : vector<1x32xf32> to vector<2000x32xf32>
    %mul3A_37 = arith.mulf %mul3A_32, %mul3A_36 : vector<2000x32xf32>
    %get3A_38 = arith.constant 0 : index
    %get3A_39 = arith.constant 0 : index
    %get3A_40 = vector.load %arg5[%get3A_38, %get3A_39] : memref<1x32xf32, #tpu.memory_space<vmem>>, vector<1x32xf32>
    %add3A_41 = vector.broadcast %get3A_40 : vector<1x32xf32> to vector<2000x32xf32>
    %add3A_42 = arith.addf %mul3A_37, %add3A_41 : vector<2000x32xf32>
    %swap3A = arith.constant 0 : index
    %swap3A_43 = arith.constant 0 : index
    %swap3A_44 = vector.load %arg10[%swap3A, %swap3A_43] : memref<2000x32xf32, #tpu.memory_space<vmem>>, vector<2000x32xf32>
    tpu.vector_store %arg10[%swap3A, %swap3A_43], %add3A_42 {strides = array<i32>} : memref<2000x32xf32, #tpu.memory_space<vmem>>, vector<2000x32xf32>,
    %get3A_45 = arith.constant 0 : index
    %get3A_46 = arith.constant 0 : index
    %get3A_47 = vector.load %arg6[%get3A_45, %get3A_46] : memref<32x64xf32, #tpu.memory_space<vmem>>, vector<32x64xf32>
    %dot_general3A = arith.constant dense<0.000000e+00> : vector<2000x64xf32>
    %dot_general3A_48 = tpu.matmul %add3A_42, %get3A_47, %dot_general3A {dimension_numbers = #tpu.dot_dimension_numbers<[1], [0], [0], [1], [0, 0, 1, 1], [], []>, transpose_lhs_hint = false} : vector<2000x32xf32>, vector<32x64xf32>, vector<2000x64xf32> -> vector<2000x64xf32>
    %get3A_49 = arith.constant 0 : index
    %get3A_50 = arith.constant 0 : index
    %get3A_51 = vector.load %arg7[%get3A_49, %get3A_50] : memref<1x64xf32, #tpu.memory_space<vmem>>, vector<1x64xf32>
    %add3A_52 = vector.broadcast %get3A_51 : vector<1x64xf32> to vector<2000x64xf32>
    %add3A_53 = arith.addf %dot_general3A_48, %add3A_52 : vector<2000x64xf32>
    %max3A_54 = arith.constant 0.000000e+00 : f32
    %max3A_55 = vector.broadcast %max3A_54 : f32 to vector<2000x64xf32>
    %max3A_56 = arith.maximumf %add3A_53, %max3A_55 : vector<2000x64xf32>
    %get3A_57 = arith.constant 0 : index
    %get3A_58 = arith.constant 0 : index
    %get3A_59 = vector.load %arg8[%get3A_57, %get3A_58] : memref<64x128xf32, #tpu.memory_space<vmem>>, vector<64x128xf32>
    %dot_general3A_60 = arith.constant dense<0.000000e+00> : vector<2000x128xf32>
    %dot_general3A_61 = tpu.matmul %max3A_56, %get3A_59, %dot_general3A_60 {dimension_numbers = #tpu.dot_dimension_numbers<[1], [0], [0], [1], [0, 0, 1, 1], [], []>, transpose_lhs_hint = false} : vector<2000x64xf32>, vector<64x128xf32>, vector<2000x128xf32> -> vector<2000x128xf32>
    %get3A_62 = arith.constant 0 : index
    %get3A_63 = arith.constant 0 : index
    %get3A_64 = vector.load %arg9[%get3A_62, %get3A_63] : memref<1x128xf32, #tpu.memory_space<vmem>>, vector<1x128xf32>
    %add3A_65 = vector.broadcast %get3A_64 : vector<1x128xf32> to vector<2000x128xf32>
    %add3A_66 = arith.addf %dot_general3A_61, %add3A_65 : vector<2000x128xf32>
    %swap3A_67 = arith.constant 0 : index
    %swap3A_68 = arith.constant 0 : index
    %swap3A_69 = vector.load %arg11[%swap3A_67, %swap3A_68] : memref<2000x128xf32, #tpu.memory_space<vmem>>, vector<2000x128xf32>
    tpu.vector_store %arg11[%swap3A_67, %swap3A_68], %add3A_66 {strides = array<i32>} : memref<2000x128xf32, #tpu.memory_space<vmem>>, vector<2000x128xf32>,
    return
  }
  func.func @transform_0(%arg0: i32) -> (i32, i32) {
    %c0_i32 = arith.constant 0 : i32
    %c0_i32_0 = arith.constant 0 : i32
    return %arg0, %c0_i32 : i32, i32
  }
  func.func @transform_1(%arg0: i32) -> (i32, i32) {
    %c0_i32 = arith.constant 0 : i32
    %c0_i32_0 = arith.constant 0 : i32
    return %arg0, %c0_i32 : i32, i32
  }
  func.func @transform_2(%arg0: i32) -> (i32, i32) {
    %c0_i32 = arith.constant 0 : i32
    %c0_i32_0 = arith.constant 0 : i32
    %c0_i32_1 = arith.constant 0 : i32
    return %c0_i32, %c0_i32_0 : i32, i32
  }
  func.func @transform_3(%arg0: i32) -> (i32, i32) {
    %c0_i32 = arith.constant 0 : i32
    %c0_i32_0 = arith.constant 0 : i32
    %c0_i32_1 = arith.constant 0 : i32
    return %c0_i32, %c0_i32_0 : i32, i32
  }
  func.func @transform_4(%arg0: i32) -> (i32, i32) {
    %c0_i32 = arith.constant 0 : i32
    %c0_i32_0 = arith.constant 0 : i32
    %c0_i32_1 = arith.constant 0 : i32
    return %c0_i32, %c0_i32_0 : i32, i32
  }
  func.func @transform_5(%arg0: i32) -> (i32, i32) {
    %c0_i32 = arith.constant 0 : i32
    %c0_i32_0 = arith.constant 0 : i32
    %c0_i32_1 = arith.constant 0 : i32
    return %c0_i32, %c0_i32_0 : i32, i32
  }
  func.func @transform_6(%arg0: i32) -> (i32, i32) {
    %c0_i32 = arith.constant 0 : i32
    %c0_i32_0 = arith.constant 0 : i32
    %c0_i32_1 = arith.constant 0 : i32
    return %c0_i32, %c0_i32_0 : i32, i32
  }
  func.func @transform_7(%arg0: i32) -> (i32, i32) {
    %c0_i32 = arith.constant 0 : i32
    %c0_i32_0 = arith.constant 0 : i32
    %c0_i32_1 = arith.constant 0 : i32
    return %c0_i32, %c0_i32_0 : i32, i32
  }
  func.func @transform_8(%arg0: i32) -> (i32, i32) {
    %c0_i32 = arith.constant 0 : i32
    %c0_i32_0 = arith.constant 0 : i32
    %c0_i32_1 = arith.constant 0 : i32
    return %c0_i32, %c0_i32_0 : i32, i32
  }
  func.func @transform_9(%arg0: i32) -> (i32, i32) {
    %c0_i32 = arith.constant 0 : i32
    %c0_i32_0 = arith.constant 0 : i32
    return %arg0, %c0_i32 : i32, i32
  }
  func.func @transform_10(%arg0: i32) -> (i32, i32) {
    %c0_i32 = arith.constant 0 : i32
    %c0_i32_0 = arith.constant 0 : i32
    return %arg0, %c0_i32 : i32, i32
  }
}

</mosaic_0001>

<sc_bundles>
// kernel: kernel.12.cloned.1.call-start
scs
__scs_entry_jumppad:
0x0: {  	(pc) =	sbr.rel $0x88, $3  }
0x1: {  	(tag) =	ssettag $0x0;
	lr =	simm.s32 $0x1  }
0x2: {  	[smem:$0x3F93] =	sst lr;
	_ =	strace $0xD0000000  }
0x3: {  	_ = 	snop  }
0x4: {  	_ = 	snop  }
0x5: {  	_ = 	snop  }
0x6: {  	_ = 	snop  }
0x7: {  	_ = 	snop  }
__scs_overlays_trampoline_lowered:
0x8: {  	[smem:$0x3FA2] =	sst s0  }
0x9: {  	[smem:$0x3FA3] =	sst s1  }
0xa: {  	[smem:$0x3FA4] =	sst s2  }
0xb: {  	[smem:$0x3FA5] =	sst s3  }
0xc: {  	[smem:$0x3FA6] =	sst s4  }
0xd: {  	[smem:$0x3FA7] =	sst s5  }
0xe: {  	[smem:$0x3FA8] =	sst s6  }
0xf: {  	[smem:$0x3FA9] =	sst s7  }
0x10: {  	[smem:$0x3FAA] =	sst s8  }
0x11: {  	[smem:$0x3FAB] =	sst s9;
	s0 =	simm.s32 @!p0 $0x0  }
0x12: {  	s1 =	sld [smem:$0x3F91];
	s0 =	simm.s32 @p0 $0x1  }
0x13: {  	[smem:$0x3FAC] =	sst s0;
	s0 =	simm.s32 @!p1 $0x0  }
0x14: {  	s2 =	sld [smem:$0x3F90];
	s0 =	simm.s32 @p1 $0x1  }
0x15: {  	[smem:$0x3FAD] =	sst s0;
	s0 =	simm.s32 @!p2 $0x0  }
0x16: {  	s3 =	sld [smem:$0x3FDB];
	s0 =	simm.s32 @p2 $0x1  }
0x17: {  	s4 =	simm.s32 $0x1BF5;
	[smem:$0x3FAF] =	sst s0  }
0x18: {  	s0 =	sld [smem:$0x3F92];
	_ =	swait.ge [sflag:s4], $0x0  }
0x19: {  	s7 =	sld [smem:$0x3F93]  }
0x1a: {  	s8 =	sadd.s32 $0xFFFFE003, lr  }
0x1b: {  	s9 =	sadd.s32 $0xFFFFFEF7, lr;
	s5 =	simm.s32 $0xFFFFFFFF;
	p2 =	slt.u32 s8, $0xFFFFF086  }
0x1c: {  	p1 =	slt.u32 s9, $0xF7A;
	s5 =	simm.s32 @!p2 $0x0  }
0x1d: {  	s5 =	simm.s32 @p1 $0x1;
	p0 =	seq.s32 s7, s2  }
0x1e: {  	s7 =	smul.u32 @!p0 $0xF7A, s2;
	p2 =	seq.s32 @!p0 s5, $0x0  }
0x1f: {  	s9 =	smul.u32 $0xF7A, s1;
	s8 =	simm.s32 @!p0 $0x1BF5;
	p2 =	por !p2, p0  }
0x20: {  	[sflag:s8] =	ssyncset.s32 @!p0 $0xFFFFF086;
	s6 =	sadd.s32 @!p0 s3, s7;
	s7 =	simm.s32 @!p0 $0x108  }
0x21: {  	s3 =	sadd.s32 s3, s9;
	s6 =	sadd.s32 @!p0 $0x88, s6;
	s7 =	simm.s32 @p2 $0x1082  }
0x22: {  	[simem:s7], [sflag:s8] =	dma.local @!p0 [hbm:s6], $0xF7A  }
0x23: {  	s9 =	sor.u32 $0xD0000000, s2;
	s6 =	simm.s32 $0x108;
	_ =	swait.ge @!p0 [sflag:s8], $0x0  }
0x24: {  	s3 =	sadd.s32 $0x88, s3;
	s6 =	simm.s32 @!p1 $0x1082;
	[sflag:s4] =	ssyncset.s32 $0xFFFFF086  }
0x25: {  	[simem:s6], [sflag:s4] =	dma.local [hbm:s3], $0xF7A  }
0x26: {  	[smem:$0x3F93] =	sst s1;
	(tag) =	ssettag s2;
	_ =	strace s9  }
0x27: {  	s1 =	sld [smem:$0x3FA3]  }
0x28: {  	s2 =	sld [smem:$0x3FA4]  }
0x29: {  	s4 =	sld [smem:$0x3FA6]  }
0x2a: {  	p0 =	seq.s32 s5, $0x0;
	s5 =	sld [smem:$0x3FA7]  }
0x2b: {  	s6 =	sld [smem:$0x3FA8]  }
0x2c: {  	s7 =	sld [smem:$0x3FA9]  }
0x2d: {  	s3 =	simm.s32 $0x108;
	s8 =	sld [smem:$0x3FAA]  }
0x2e: {  	s3 =	simm.s32 @!p0 $0x1082;
	s9 =	sld [smem:$0x3FAB]  }
0x2f: {  	lr =	sadd.s32 s0, s3;
	s0 =	sld [smem:$0x3FA2]  }
0x30: {  	s3 =	sld [smem:$0x3FA5]  }
0x31: {  	[smem:$0x3FAE] =	sst s10  }
0x32: {  	s10 =	sld [smem:$0x3FAC];
	_ =	sdelay $0x3  }
0x33: {  	p0 =	seq.s32 s10, $0x1;
	s10 =	sld [smem:$0x3FAE];
	_ =	sdelay $0x3  }
0x34: {  	[smem:$0x3FAE] =	sst s10  }
0x35: {  	s10 =	sld [smem:$0x3FAD];
	_ =	sdelay $0x3  }
0x36: {  	p1 =	seq.s32 s10, $0x1;
	s10 =	sld [smem:$0x3FAE];
	_ =	sdelay $0x3  }
0x37: {  	[smem:$0x3FAE] =	sst s10  }
0x38: {  	s10 =	sld [smem:$0x3FAF]  }
0x39: {  	_ = 	snop;
	(pc) =	sbr.ind lr, $3  }
0x3a: {  	_ = 	snop  }
0x3b: {  	_ = 	snop  }
0x3c: {  	p2 =	seq.s32 s10, $0x1;
	s10 =	sld [smem:$0x3FAE]  }
0x3d: {  	_ =	shalt  }
0x3e: {  	_ =	shalt  }
0x3f: {  	_ =	shalt  }
0x40: {  	_ =	shalt  }
0x41: {  	_ =	shalt  }
0x42: {  	_ =	shalt  }
0x43: {  	_ =	shalt  }
0x44: {  	_ =	shalt  }
0x45: {  	_ =	shalt  }
0x46: {  	_ =	shalt  }
0x47: {  	_ =	shalt  }
0x48: {  	_ =	shalt  }
0x49: {  	_ =	shalt  }
0x4a: {  	_ =	shalt  }
0x4b: {  	_ =	shalt  }
0x4c: {  	_ =	shalt  }
0x4d: {  	_ =	shalt  }
0x4e: {  	_ =	shalt  }
0x4f: {  	_ =	shalt  }
0x50: {  	_ =	shalt  }
0x51: {  	_ =	shalt  }
0x52: {  	_ =	shalt  }
0x53: {  	_ =	shalt  }
0x54: {  	_ =	shalt  }
0x55: {  	_ =	shalt  }
0x56: {  	_ =	shalt  }
0x57: {  	_ =	shalt  }
0x58: {  	_ =	shalt  }
0x59: {  	_ =	shalt  }
0x5a: {  	_ =	shalt  }
0x5b: {  	_ =	shalt  }
0x5c: {  	_ =	shalt  }
0x5d: {  	_ =	shalt  }
0x5e: {  	_ =	shalt  }
0x5f: {  	_ =	shalt  }
0x60: {  	_ =	shalt  }
0x61: {  	_ =	shalt  }
0x62: {  	_ =	shalt  }
0x63: {  	_ =	shalt  }
0x64: {  	_ =	shalt  }
0x65: {  	_ =	shalt  }
0x66: {  	_ =	shalt  }
0x67: {  	_ =	shalt  }
0x68: {  	_ =	shalt  }
0x69: {  	_ =	shalt  }
0x6a: {  	_ =	shalt  }
0x6b: {  	_ =	shalt  }
0x6c: {  	_ =	shalt  }
0x6d: {  	_ =	shalt  }
0x6e: {  	_ =	shalt  }
0x6f: {  	_ =	shalt  }
0x70: {  	_ =	shalt  }
0x71: {  	_ =	shalt  }
0x72: {  	_ =	shalt  }
0x73: {  	_ =	shalt  }
0x74: {  	_ =	shalt  }
0x75: {  	_ =	shalt  }
0x76: {  	_ =	shalt  }
0x77: {  	_ =	shalt  }
0x78: {  	_ =	shalt  }
0x79: {  	_ =	shalt  }
0x7a: {  	_ =	shalt  }
0x7b: {  	_ =	shalt  }
0x7c: {  	_ =	shalt  }
0x7d: {  	_ =	shalt  }
0x7e: {  	_ =	shalt  }
0x7f: {  	_ =	shalt  }
0x80: {  	_ =	shalt  }
0x81: {  	_ =	shalt  }
0x82: {  	_ =	shalt  }
0x83: {  	_ =	shalt  }
0x84: {  	_ =	shalt  }
0x85: {  	_ =	shalt  }
0x86: {  	_ =	shalt  }
0x87: {  	_ =	shalt  }
.Lfunc_end0:
.L_simem_size_0:
called_computation.1_lowered:
.L_overlay_start_0:
0x88: {  	s2 =	sld [smem:$0x3FD9]  }
0x89: {  	s3 =	sld [smem:$0x3FFE];
	_ =	sdelay $0x1  }
0x8a: {  	s1 =	srdreg.scid  }
0x8b: {  	s0 =	sand.u32 $0x1, s1  }
0x8c: {  	s14 =	sshll.u32 s0, $0xA;
	s2 =	sadd.s32 s3, s2  }
0x8d: {  	s2 =	sadd.s32 s2, s14  }
0x8e: {  	[smem:$0x3FBA] =	sst s2  }
0x8f: {  	_ = 	snop  }
0x90: {  	s2 =	sld [smem:$0x3FD0];
	_ =	sdelay $0x2  }
0x91: {  	s15 =	simm.s32 $0xA;
	s4 =	simm.s32 $0x10  }
0x92: {  	[smem:s4], [sflag:s15] =	dma.local [hbm:s2], $0x1  }
0x93: {  	_ =	swait.eq [sflag:s15], $0x1  }
0x94: {  	[sflag:s15] =	ssyncset.done $0x0  }
0x95: {  	[sflag:s15] =	ssyncadd.s32 $0xFFFFFFFF  }
0x96: {  	s16 =	sld [smem:$0x11];
	(tm) =	ssettm $0x1  }
0x97: {  	s17 =	sld [smem:$0x3FFB];
	_ =	sdelay $0x3  }
0x98: {  	_ =	strace s17  }
0x99: {  	s3 =	sld [smem:$0x3FFC];
	_ =	sdelay $0x3  }
0x9a: {  	_ =	strace s3  }
0x9b: {  	s3 =	sld [smem:$0x3FFD];
	_ =	sdelay $0x3  }
0x9c: {  	_ =	strace s3  }
0x9d: {  	_ =	strace $0x8FFFFFFF  }
0x9e: {  	s18 =	sld [smem:$0x3FDB];
	_ =	sdelay $0x1  }
0x9f: {  	s19 =	simm.s32 $_scs_section_size  }
0xa0: {  	s5 =	simm.s32 $_size__tile_overlayer_lowered;
	s6 =	simm.s32 $_tile_overlayer_lowered  }
0xa1: {  	s22 =	simm.s32 $0x1BFF;
	s21 =	sshll.u32 s6, $0x1;
	s3 =	sadd.s32 s19, s18  }
0xa2: {  	s7 =	simm.s32 $0x0;
	s20 =	sshll.u32 s5, $0x1;
	s5 =	sadd.s32 s21, s3  }
0xa3: {  	[timem:s7], [sflag:s22] =	dma.local [hbm:s5], s20  }
0xa4: {  	_ =	swait.ge [sflag:s22], s20  }
0xa5: {  	s4 =	ssub.s32 $0x0, s20;
	[sflag:s22] =	ssyncset.done $0x0  }
0xa6: {  	[sflag:s22] =	ssyncadd.s32 s4;
	_ =	sdelay $0x1  }
0xa7: {  	s23 =	simm.s32 $0x1B8B  }
0xa8: {  	_ =	swait.ge [sflag:s23], $0x1  }
0xa9: {  	[sflag:s23] =	ssyncset.done $0x0  }
0xaa: {  	s25 =	simm.s32 $0x1B8E;
	s24 =	sld [smem:$0x3FFE];
	[sflag:s23] =	ssyncadd.s32 $0xFFFFFFFF  }
0xab: {  	s26 =	simm.s32 $execute0_lowered;
	[smem:$0x3FD2] =	sst s25  }
0xac: {  	s5 =	sshll.u32 s26, $0x1;
	_ =	strace $0x80000049;
	[dreg:$0x1] =	wrdreg $0xFFFFFFFF  }
0xad: {  	s28 =	simm.s32 $_size_execute0_lowered;
	s3 =	sadd.s32 s3, s5;
	[dreg:$0x0] =	wrdreg $0x0  }
0xae: {  	s5 =	sshll.u32 s28, $0x1;
	[dreg:$0x2] =	wrdreg s3  }
0xaf: {  	[dreg:$0x3] =	wrdreg s5  }
0xb0: {  	[dreg:$0x4] =	wrdreg $0xC0  }
0xb1: {  	_ =	task [dreg:s7], $0x5FFFF  }
0xb2: {  	[dreg:$0x1] =	wrdreg $0xFFFFFFFF  }
0xb3: {  	[dreg:$0x0] =	wrdreg $0x60  }
0xb4: {  	[dreg:$0x2] =	wrdreg s24  }
0xb5: {  	[dreg:$0x3] =	wrdreg s16  }
0xb6: {  	[dreg:$0x4] =	wrdreg $0x9E200  }
0xb7: {  	[dreg:$0x5] =	wrdreg $0x9  }
0xb8: {  	_ =	task.clear_ibuf [dreg:s7], $0x6FFFF;
	_ =	strace $0x90000049  }
0xb9: {  	s29 =	simm.s32 $0x9;
	_ =	strace $0x8000004B  }
0xba: {  	_ =	swait.ge [sflag:s29], $0x1  }
0xbb: {  	[sflag:s29] =	ssyncadd.s32 $0xFFFFFFFF  }
0xbc: {  	_ =	strace $0x9000004B  }
0xbd: {  	_ =	sfence  }
0xbe: {  	s30 =	sld [smem:$0x0];
	_ =	sdelay $0x2  }
0xbf: {  	s31 =	sshll.u32 s1, $0xD;
	s1 =	sshrl.u32 s1, $0x2  }
0xc0: {  	s3 =	sand.u32 $0x4000, s31;
	s1 =	sadd.s32 s1, s30  }
0xc1: {  	s0 =	sor.u32 s3, s0;
	s1 =	sshll.u32 s1, $0x11  }
0xc2: {  	s0 =	sor.u32 s1, s0  }
0xc3: {  	s0 =	sadd.s32 $0x8F2B, s0  }
0xc4: {  	[sflag:s0] =	ssyncadd.remote.s32 $0x1  }
0xc5: {  	_ =	sfence.sel $0xFFFF  }
0xc6: {  	[dreg:$0x0] =	wrdreg $0xFFFFFFFF;
	(pc) =	sbr.abs _section_cstart, $3  }
0xc7: {  	[dreg:$0x1] =	wrdreg $0xFFFFFFFF  }
0xc8: {  	_ =	task.clear_ibuf [dreg:s7], $0x2FFFF;
	_ =	strace $0x9FFFFFFF  }
0xc9: {  	(tm) =	ssettm $0x7FFFFFFF  }
tec
execute0_lowered:
.L_overlay_start_1:
0x0: {  	(tag) =	ssettag $0x1  }
0x1: {  	s0 =	rddreg [dreg:$0x0]  }
0x2: {  	s1 =	rddreg [dreg:$0x1]  }
0x3: {  	s2 =	rddreg [dreg:$0x2]  }
0x4: {  	s3 =	srdreg.scid;
	s13 =	stileid.u32  }
0x5: {  	s14 =	simm.s32 $0x4;
	s15 =	simm.s32 $0x50;
	s16 =	simm.s32 $0x4E20  }
0x6: {  	s17 =	simm.s32 $0x6220;
	s18 =	simm.s32 $0x1;
	s20 =	simm.s32 $0x7620  }
0x7: {  	s21 =	simm.s32 $0x2;
	s24 =	simm.s32 $0x8A20;
	s25 =	simm.s32 $0x3  }
0x8: {  	s26 =	simm.s32 $0x5;
	s28 =	simm.s32 $0x6;
	s29 =	simm.s32 $0x7  }
0x9: {  	s30 =	simm.s32 $0x8;
	s19 =	simm.s32 $0x4DD0;
	s22 =	simm.s32 $0x9  }
0xa: {  	s23 =	simm.s32 $0x0;
	s5 =	sand.u32 $0x1, s3;
	s3 =	simm.s32 $0x0  }
0xb: {  	s6 =	smul.u32 $0xA000, s13;
	s4 =	sshll.u32 s5, $0x4;
	[smem:$0x7FF] =	sst s3  }
0xc: {  	s7 =	smul.u32 $0xA0000, s5;
	s5 =	ssub.s32 $0x2, s5;
	s4 =	sor.u32 s13, s4  }
0xd: {  	_ =	strace $0x8000004A;
	s9 =	sshrl.u32 s5, $0x1;
	s12 =	sadd.s32 s6, s2  }
0xe: {  	s8 =	smul.u32 $0x2710, s4;
	s4 =	sadd.s32 $0x16800, s0;
	s7 =	sadd.s32 s6, s7  }
0xf: {  	s11 =	ssub.s32 s5, s9;
	s6 =	sshrl.u32 s6, $0x3;
	s5 =	sshll.u32 s13, $0x6  }
0x10: {  	s12 =	sshrl.u32 s12, $0x3;
	s13 =	simm.s32 $0x2710;
	s7 =	sshrl.u32 s7, $0x3  }
0x11: {  	s6 =	sadd.s32 s1, s6;
	s11 =	smax.u32 s11, $0x1;
	s8 =	sshrl.u32 s8, $0x3  }
0x12: {  	s10 =	sadd.s32 s8, s0;
	s0 =	sadd.s32 s7, s0;
	s7 =	sor.u32 $0x1C04, s5  }
0x13: {  	s8 =	sadd.s32 $0x2E00, s10;
	s9 =	sadd.s32 $0xCA40, s10;
	s10 =	sadd.s32 $0x2A200, s0  }
.LBB2_1:
0x14: {  	[spmem:s12], [sflag:s7] =	dma.local [hbm:s6], $0x1400  }
0x15: {  	[tilespmem:s3], [sflag:$0x4] =	stream.linear.gather [hbm4b:s8+s3], $0x2710, $0x38;
	[tilespmem:$0x13E20] =	vst v63  }
0x16: {  	_ = 	snop  }
0x17: {  	[tilespmem:s13], [sflag:$0x4] =	stream.linear.gather [hbm4b:s9+s3], $0x2710, $0x38;
	[tilespmem:$0x13E20] =	vst v63  }
0x18: {  	_ =	swait.ge [sflag:s14], $0x1400  }
0x19: {  	[sflag:s14] =	ssyncset.done $0x0  }
0x1a: {  	[sflag:s14] =	ssyncadd.s32 $0xFFFFEC00  }
0x1b: {  	_ =	swait.ge [sflag:s14], $0x2710  }
0x1c: {  	[sflag:s14] =	ssyncset.done $0x0  }
0x1d: {  	[sflag:s14] =	ssyncadd.s32 $0xFFFFD8F0  }
0x1e: {  	_ =	swait.ge [sflag:s14], $0x2710  }
0x1f: {  	[sflag:s14] =	ssyncset.done $0x0  }
0x20: {  	[sflag:s14] =	ssyncadd.s32 $0xFFFFD8F0  }
0x21: {  	[bflag:$0x0] =	sbarrier.arrive $0xFFFF  }
0x22: {  	[tilespmem:s16], [sflag:$0x1] =	stream.indirect.gather [hbm4b:s4+s15], $0x40, s3, s15, $0xb8;
	[tilespmem:$0x13E20] =	vst v63  }
0x23: {  	_ = 	snop  }
0x24: {  	[tilespmem:s17], [sflag:$0x2] =	stream.indirect.gather [hbm4b:s4+s15], $0x40, s15, s15, $0xb8;
	[tilespmem:$0x13E20] =	vst v63  }
0x25: {  	_ =	swait.ge [sflag:s18], $0x1400  }
0x26: {  	[sflag:s18] =	ssyncset.done $0x0  }
0x27: {  	[sflag:s18] =	ssyncadd.s32 $0xFFFFEC00  }
0x28: {  	[spmem:s2] =	stream.indirect.scatter.add.f32 [tilespmem:s16], [sflag:$0x5], $0x40, s13, s15, $0xb8;
	[tilespmem:$0x13E20] =	vst v63  }
0x29: {  	s0 =	simm.s32 $0xA0  }
0x2a: {  	[tilespmem:s20], [sflag:$0x3] =	stream.indirect.gather [hbm4b:s4+s15], $0x40, s0, s15, $0xb8;
	[tilespmem:$0x13E20] =	vst v63  }
0x2b: {  	_ =	swait.ge [sflag:s21], $0x1400  }
0x2c: {  	[sflag:s21] =	ssyncset.done $0x0  }
0x2d: {  	s1 =	simm.s32 $0x2760;
	[sflag:s21] =	ssyncadd.s32 $0xFFFFEC00  }
0x2e: {  	[spmem:s2] =	stream.indirect.scatter.add.f32 [tilespmem:s17], [sflag:$0x6], $0x40, s1, s15, $0xb8;
	[tilespmem:$0x13E20] =	vst v63  }
0x2f: {  	s1 =	simm.s32 $0xF0  }
0x30: {  	[tilespmem:s24], [sflag:$0x4] =	stream.indirect.gather [hbm4b:s4+s15], $0x40, s1, s15, $0xb8;
	[tilespmem:$0x13E20] =	vst v63  }
0x31: {  	_ =	swait.ge [sflag:s25], $0x1400  }
0x32: {  	[sflag:s25] =	ssyncset.done $0x0  }
0x33: {  	s1 =	simm.s32 $0x27B0;
	[sflag:s25] =	ssyncadd.s32 $0xFFFFEC00  }
0x34: {  	[spmem:s2] =	stream.indirect.scatter.add.f32 [tilespmem:s20], [sflag:$0x7], $0x40, s1, s15, $0xb8;
	[tilespmem:$0x13E20] =	vst v63  }
0x35: {  	_ =	swait.ge [sflag:s26], $0x1400  }
0x36: {  	[sflag:s26] =	ssyncset.done $0x0  }
0x37: {  	s1 =	simm.s32 $0x140;
	[sflag:s26] =	ssyncadd.s32 $0xFFFFEC00  }
0x38: {  	[tilespmem:s16], [sflag:$0x1] =	stream.indirect.gather [hbm4b:s4+s15], $0x40, s1, s15, $0xb8;
	[tilespmem:$0x13E20] =	vst v63  }
0x39: {  	_ =	swait.ge [sflag:s14], $0x1400  }
0x3a: {  	[sflag:s14] =	ssyncset.done $0x0  }
0x3b: {  	s1 =	simm.s32 $0x2800;
	[sflag:s14] =	ssyncadd.s32 $0xFFFFEC00  }
0x3c: {  	[spmem:s2] =	stream.indirect.scatter.add.f32 [tilespmem:s24], [sflag:$0x8], $0x40, s1, s15, $0xb8;
	[tilespmem:$0x13E20] =	vst v63  }
0x3d: {  	_ =	swait.ge [sflag:s28], $0x1400  }
0x3e: {  	[sflag:s28] =	ssyncset.done $0x0  }
0x3f: {  	s1 =	simm.s32 $0x190;
	[sflag:s28] =	ssyncadd.s32 $0xFFFFEC00  }
0x40: {  	[tilespmem:s17], [sflag:$0x2] =	stream.indirect.gather [hbm4b:s4+s15], $0x40, s1, s15, $0xb8;
	[tilespmem:$0x13E20] =	vst v63  }
0x41: {  	_ =	swait.ge [sflag:s18], $0x1400  }
0x42: {  	[sflag:s18] =	ssyncset.done $0x0  }
0x43: {  	s1 =	simm.s32 $0x2850;
	[sflag:s18] =	ssyncadd.s32 $0xFFFFEC00  }
0x44: {  	[spmem:s2] =	stream.indirect.scatter.add.f32 [tilespmem:s16], [sflag:$0x5], $0x40, s1, s15, $0xb8;
	[tilespmem:$0x13E20] =	vst v63  }
0x45: {  	_ =	swait.ge [sflag:s29], $0x1400  }
0x46: {  	[sflag:s29] =	ssyncset.done $0x0  }
0x47: {  	s1 =	simm.s32 $0x1E0;
	[sflag:s29] =	ssyncadd.s32 $0xFFFFEC00  }
0x48: {  	[tilespmem:s20], [sflag:$0x3] =	stream.indirect.gather [hbm4b:s4+s15], $0x40, s1, s15, $0xb8;
	[tilespmem:$0x13E20] =	vst v63  }
0x49: {  	_ =	swait.ge [sflag:s21], $0x1400  }
0x4a: {  	[sflag:s21] =	ssyncset.done $0x0  }
0x4b: {  	s1 =	simm.s32 $0x28A0;
	[sflag:s21] =	ssyncadd.s32 $0xFFFFEC00  }
0x4c: {  	[spmem:s2] =	stream.indirect.scatter.add.f32 [tilespmem:s17], [sflag:$0x6], $0x40, s1, s15, $0xb8;
	[tilespmem:$0x13E20] =	vst v63  }
0x4d: {  	_ =	swait.ge [sflag:s30], $0x1400  }
0x4e: {  	[sflag:s30] =	ssyncset.done $0x0  }
0x4f: {  	s31 =	simm.s32 $0x500;
	s0 =	simm.s32 $0x230;
	[sflag:s30] =	ssyncadd.s32 $0xFFFFEC00  }
.LBB2_2:
0x50: {  	[tilespmem:s24], [sflag:$0x4] =	stream.indirect.gather [hbm4b:s4+s15], $0x40, s0, s15, $0xb8;
	[tilespmem:$0x13E20] =	vst v63  }
0x51: {  	s0 =	smov.u32 s31  }
0x52: {  	p0 =	sne.s32 s31, $0x9100;
	s31 =	sadd.s32 $0x500, s31;
	_ =	swait.ge [sflag:s25], $0x1400  }
0x53: {  	s0 =	sshra.s32 s0, $0x2;
	[sflag:s25] =	ssyncset.done $0x0  }
0x54: {  	s1 =	sadd.s32 $0x27B0, s0;
	[sflag:s25] =	ssyncadd.s32 $0xFFFFEC00  }
0x55: {  	[spmem:s2] =	stream.indirect.scatter.add.f32 [tilespmem:s20], [sflag:$0x7], $0x40, s1, s15, $0xb8;
	[tilespmem:$0x13E20] =	vst v63  }
0x56: {  	_ =	swait.ge [sflag:s26], $0x1400  }
0x57: {  	[sflag:s26] =	ssyncset.done $0x0  }
0x58: {  	s1 =	sadd.s32 $0x140, s0;
	[sflag:s26] =	ssyncadd.s32 $0xFFFFEC00  }
0x59: {  	[tilespmem:s16], [sflag:$0x1] =	stream.indirect.gather [hbm4b:s4+s15], $0x40, s1, s15, $0xb8;
	[tilespmem:$0x13E20] =	vst v63  }
0x5a: {  	_ =	swait.ge [sflag:s14], $0x1400  }
0x5b: {  	[sflag:s14] =	ssyncset.done $0x0  }
0x5c: {  	s1 =	sadd.s32 $0x2800, s0;
	[sflag:s14] =	ssyncadd.s32 $0xFFFFEC00  }
0x5d: {  	[spmem:s2] =	stream.indirect.scatter.add.f32 [tilespmem:s24], [sflag:$0x8], $0x40, s1, s15, $0xb8;
	[tilespmem:$0x13E20] =	vst v63  }
0x5e: {  	_ =	swait.ge [sflag:s28], $0x1400  }
0x5f: {  	[sflag:s28] =	ssyncset.done $0x0  }
0x60: {  	s1 =	sadd.s32 $0x190, s0;
	[sflag:s28] =	ssyncadd.s32 $0xFFFFEC00  }
0x61: {  	[tilespmem:s17], [sflag:$0x2] =	stream.indirect.gather [hbm4b:s4+s15], $0x40, s1, s15, $0xb8;
	[tilespmem:$0x13E20] =	vst v63  }
0x62: {  	_ =	swait.ge [sflag:s18], $0x1400  }
0x63: {  	[sflag:s18] =	ssyncset.done $0x0  }
0x64: {  	s1 =	sadd.s32 $0x2850, s0;
	[sflag:s18] =	ssyncadd.s32 $0xFFFFEC00  }
0x65: {  	[spmem:s2] =	stream.indirect.scatter.add.f32 [tilespmem:s16], [sflag:$0x5], $0x40, s1, s15, $0xb8;
	[tilespmem:$0x13E20] =	vst v63  }
0x66: {  	_ =	swait.ge [sflag:s29], $0x1400  }
0x67: {  	[sflag:s29] =	ssyncset.done $0x0  }
0x68: {  	s1 =	sadd.s32 $0x1E0, s0;
	[sflag:s29] =	ssyncadd.s32 $0xFFFFEC00  }
0x69: {  	[tilespmem:s20], [sflag:$0x3] =	stream.indirect.gather [hbm4b:s4+s15], $0x40, s1, s15, $0xb8;
	[tilespmem:$0x13E20] =	vst v63  }
0x6a: {  	_ =	swait.ge [sflag:s21], $0x1400  }
0x6b: {  	[sflag:s21] =	ssyncset.done $0x0  }
.Ltmp0:
0x6c: {  	s1 =	sadd.s32 $0x28A0, s0;
	[sflag:s21] =	ssyncadd.s32 $0xFFFFEC00;
	(pc) =	sbr.rel @p0 .LBB2_2-.Ltmp0, $4  }
0x6d: {  	[spmem:s2] =	stream.indirect.scatter.add.f32 [tilespmem:s17], [sflag:$0x6], $0x40, s1, s15, $0xb8;
	[tilespmem:$0x13E20] =	vst v63  }
0x6e: {  	_ =	swait.ge [sflag:s30], $0x1400  }
0x6f: {  	[sflag:s30] =	ssyncset.done $0x0  }
0x70: {  	s0 =	sadd.s32 $0x230, s0;
	[sflag:s30] =	ssyncadd.s32 $0xFFFFEC00  }
0x71: {  	[tilespmem:s24], [sflag:$0x4] =	stream.indirect.gather [hbm4b:s4+s15], $0x40, s0, s15, $0xb8;
	[tilespmem:$0x13E20] =	vst v63  }
0x72: {  	_ =	swait.ge [sflag:s25], $0x1400  }
0x73: {  	[sflag:s25] =	ssyncset.done $0x0  }
0x74: {  	s1 =	simm.s32 $0x4D30;
	[sflag:s25] =	ssyncadd.s32 $0xFFFFEC00  }
0x75: {  	[spmem:s2] =	stream.indirect.scatter.add.f32 [tilespmem:s20], [sflag:$0x7], $0x40, s1, s15, $0xb8;
	[tilespmem:$0x13E20] =	vst v63  }
0x76: {  	_ =	swait.ge [sflag:s26], $0x1400  }
0x77: {  	[sflag:s26] =	ssyncset.done $0x0  }
0x78: {  	s31 =	simm.s32 $0x26C0;
	[sflag:s26] =	ssyncadd.s32 $0xFFFFEC00  }
0x79: {  	[tilespmem:s16], [sflag:$0x1] =	stream.indirect.gather [hbm4b:s4+s15], $0x40, s31, s15, $0xb8;
	[tilespmem:$0x13E20] =	vst v63  }
0x7a: {  	_ =	swait.ge [sflag:s14], $0x1400  }
0x7b: {  	[sflag:s14] =	ssyncset.done $0x0  }
0x7c: {  	s1 =	simm.s32 $0x4D80;
	[sflag:s14] =	ssyncadd.s32 $0xFFFFEC00  }
0x7d: {  	[spmem:s2] =	stream.indirect.scatter.add.f32 [tilespmem:s24], [sflag:$0x8], $0x40, s1, s15, $0xb8;
	[tilespmem:$0x13E20] =	vst v63  }
0x7e: {  	_ =	swait.ge [sflag:s28], $0x1400  }
0x7f: {  	[sflag:s28] =	ssyncset.done $0x0  }
0x80: {  	[sflag:s28] =	ssyncadd.s32 $0xFFFFEC00  }
0x81: {  	_ =	swait.ge [sflag:s18], $0x1400  }
0x82: {  	[sflag:s18] =	ssyncset.done $0x0  }
0x83: {  	[sflag:s18] =	ssyncadd.s32 $0xFFFFEC00  }
0x84: {  	[spmem:s2] =	stream.indirect.scatter.add.f32 [tilespmem:s16], [sflag:$0x5], $0x40, s19, s15, $0xb8;
	[tilespmem:$0x13E20] =	vst v63  }
0x85: {  	_ =	swait.ge [sflag:s29], $0x1400  }
0x86: {  	[sflag:s29] =	ssyncset.done $0x0  }
0x87: {  	[sflag:s29] =	ssyncadd.s32 $0xFFFFEC00  }
0x88: {  	_ =	swait.ge [sflag:s30], $0x1400  }
0x89: {  	[sflag:s30] =	ssyncset.done $0x0  }
0x8a: {  	[sflag:s30] =	ssyncadd.s32 $0xFFFFEC00  }
0x8b: {  	_ =	swait.ge [sflag:s26], $0x1400  }
0x8c: {  	s23 =	sadd.s32 $0x1, s23;
	[sflag:s26] =	ssyncset.done $0x0  }
0x8d: {  	p0 =	sne.s32 s23, s11;
	[sflag:s26] =	ssyncadd.s32 $0xFFFFEC00  }
.Ltmp1:
0x8e: {  	s31 =	sor.u32 $0x1C09, s5;
	[bflag:$0x0] =	sbarrier.arrive $0xFFFF;
	(pc) =	sbr.rel @p0 .LBB2_1-.Ltmp1, $4  }
0x8f: {  	[hbm:s10], [sflag:s31] =	dma.local [spmem:s12], $0x1400  }
0x90: {  	_ =	swait.ge [sflag:s22], $0x1400  }
0x91: {  	[sflag:s22] =	ssyncset.done $0x0  }
0x92: {  	[sflag:s22] =	ssyncadd.s32 $0xFFFFEC00  }
0x93: {  	_ =	sfence.sel $0x180000  }
0x94: {  	[bflag:$0x0] =	sbarrier.arrive $0xFFFF  }
0x95: {  	_ =	strace $0x9000004A  }
0x96: {  	s0 =	stileid.u32;
	[bflag:$0x2] =	sbarrier.arrive $0xFFFF  }
0x97: {  	p0 =	sne.s32 s0, $0x0;
	s0 =	rddreg [dreg:$0x3]  }
0x98: {  	s0 =	sadd.s32 @!p0 $0x100000, s0  }
0x99: {  	[sflag:s0] =	ssyncadd.tile.s32 @!p0 $0x1;
	_ =	shalt  }
.Lfunc_end2:
_tile_overlayer_lowered:
.L_overlay_start_2:
0x9a: {  	(tag) =	ssettag $0x2  }
0x9b: {  	s0 =	rddreg [dreg:$0x0];
	s2 =	stileid.u32  }
0x9c: {  	s1 =	rddreg [dreg:$0x1];
	p0 =	sne.s32 s2, $0x0  }
0x9d: {  	s3 =	rddreg [dreg:$0x2];
	[bflag:$0x3] =	sbarrier.arrive $0xFFFF;
	s2 =	simm.s32 @!p0 $0x1C09  }
0x9e: {  	[timem:s3], [sflag:s2] =	dma.local @!p0 [hbm:s0], s1  }
0x9f: {  	s0 =	simm.s32 @!p0 $0x9  }
0xa0: {  	_ =	swait.ge @!p0 [sflag:s0], s1  }
0xa1: {  	s1 =	ssub.s32 @!p0 $0x0, s1;
	[sflag:s0] =	ssyncset.done @!p0 $0x0  }
0xa2: {  	[sflag:s0] =	ssyncadd.s32 @!p0 s1  }
0xa3: {  	[bflag:$0x3] =	sbarrier.arrive $0xFFFF  }
0xa4: {  	_ =	shalt  }

// kernel: kernel.15.cloned.1.call-start
scs
__scs_entry_jumppad:
0x0: {  	(pc) =	sbr.rel $0x88, $3  }
0x1: {  	(tag) =	ssettag $0x0;
	lr =	simm.s32 $0x1  }
0x2: {  	[smem:$0x3F93] =	sst lr;
	_ =	strace $0xD0000000  }
0x3: {  	_ = 	snop  }
0x4: {  	_ = 	snop  }
0x5: {  	_ = 	snop  }
0x6: {  	_ = 	snop  }
0x7: {  	_ = 	snop  }
__scs_overlays_trampoline_lowered:
0x8: {  	[smem:$0x3FA2] =	sst s0  }
0x9: {  	[smem:$0x3FA3] =	sst s1  }
0xa: {  	[smem:$0x3FA4] =	sst s2  }
0xb: {  	[smem:$0x3FA5] =	sst s3  }
0xc: {  	[smem:$0x3FA6] =	sst s4  }
0xd: {  	[smem:$0x3FA7] =	sst s5  }
0xe: {  	[smem:$0x3FA8] =	sst s6  }
0xf: {  	[smem:$0x3FA9] =	sst s7  }
0x10: {  	[smem:$0x3FAA] =	sst s8  }
0x11: {  	[smem:$0x3FAB] =	sst s9;
	s0 =	simm.s32 @!p0 $0x0  }
0x12: {  	s1 =	sld [smem:$0x3F91];
	s0 =	simm.s32 @p0 $0x1  }
0x13: {  	[smem:$0x3FAC] =	sst s0;
	s0 =	simm.s32 @!p1 $0x0  }
0x14: {  	s2 =	sld [smem:$0x3F90];
	s0 =	simm.s32 @p1 $0x1  }
0x15: {  	[smem:$0x3FAD] =	sst s0;
	s0 =	simm.s32 @!p2 $0x0  }
0x16: {  	s3 =	sld [smem:$0x3FDB];
	s0 =	simm.s32 @p2 $0x1  }
0x17: {  	s4 =	simm.s32 $0x1BF5;
	[smem:$0x3FAF] =	sst s0  }
0x18: {  	s0 =	sld [smem:$0x3F92];
	_ =	swait.ge [sflag:s4], $0x0  }
0x19: {  	s7 =	sld [smem:$0x3F93]  }
0x1a: {  	s8 =	sadd.s32 $0xFFFFE003, lr  }
0x1b: {  	s9 =	sadd.s32 $0xFFFFFEF7, lr;
	s5 =	simm.s32 $0xFFFFFFFF;
	p2 =	slt.u32 s8, $0xFFFFF086  }
0x1c: {  	p1 =	slt.u32 s9, $0xF7A;
	s5 =	simm.s32 @!p2 $0x0  }
0x1d: {  	s5 =	simm.s32 @p1 $0x1;
	p0 =	seq.s32 s7, s2  }
0x1e: {  	s7 =	smul.u32 @!p0 $0xF7A, s2;
	p2 =	seq.s32 @!p0 s5, $0x0  }
0x1f: {  	s9 =	smul.u32 $0xF7A, s1;
	s8 =	simm.s32 @!p0 $0x1BF5;
	p2 =	por !p2, p0  }
0x20: {  	[sflag:s8] =	ssyncset.s32 @!p0 $0xFFFFF086;
	s6 =	sadd.s32 @!p0 s3, s7;
	s7 =	simm.s32 @!p0 $0x108  }
0x21: {  	s3 =	sadd.s32 s3, s9;
	s6 =	sadd.s32 @!p0 $0x88, s6;
	s7 =	simm.s32 @p2 $0x1082  }
0x22: {  	[simem:s7], [sflag:s8] =	dma.local @!p0 [hbm:s6], $0xF7A  }
0x23: {  	s9 =	sor.u32 $0xD0000000, s2;
	s6 =	simm.s32 $0x108;
	_ =	swait.ge @!p0 [sflag:s8], $0x0  }
0x24: {  	s3 =	sadd.s32 $0x88, s3;
	s6 =	simm.s32 @!p1 $0x1082;
	[sflag:s4] =	ssyncset.s32 $0xFFFFF086  }
0x25: {  	[simem:s6], [sflag:s4] =	dma.local [hbm:s3], $0xF7A  }
0x26: {  	[smem:$0x3F93] =	sst s1;
	(tag) =	ssettag s2;
	_ =	strace s9  }
0x27: {  	s1 =	sld [smem:$0x3FA3]  }
0x28: {  	s2 =	sld [smem:$0x3FA4]  }
0x29: {  	s4 =	sld [smem:$0x3FA6]  }
0x2a: {  	p0 =	seq.s32 s5, $0x0;
	s5 =	sld [smem:$0x3FA7]  }
0x2b: {  	s6 =	sld [smem:$0x3FA8]  }
0x2c: {  	s7 =	sld [smem:$0x3FA9]  }
0x2d: {  	s3 =	simm.s32 $0x108;
	s8 =	sld [smem:$0x3FAA]  }
0x2e: {  	s3 =	simm.s32 @!p0 $0x1082;
	s9 =	sld [smem:$0x3FAB]  }
0x2f: {  	lr =	sadd.s32 s0, s3;
	s0 =	sld [smem:$0x3FA2]  }
0x30: {  	s3 =	sld [smem:$0x3FA5]  }
0x31: {  	[smem:$0x3FAE] =	sst s10  }
0x32: {  	s10 =	sld [smem:$0x3FAC];
	_ =	sdelay $0x3  }
0x33: {  	p0 =	seq.s32 s10, $0x1;
	s10 =	sld [smem:$0x3FAE];
	_ =	sdelay $0x3  }
0x34: {  	[smem:$0x3FAE] =	sst s10  }
0x35: {  	s10 =	sld [smem:$0x3FAD];
	_ =	sdelay $0x3  }
0x36: {  	p1 =	seq.s32 s10, $0x1;
	s10 =	sld [smem:$0x3FAE];
	_ =	sdelay $0x3  }
0x37: {  	[smem:$0x3FAE] =	sst s10  }
0x38: {  	s10 =	sld [smem:$0x3FAF]  }
0x39: {  	_ = 	snop;
	(pc) =	sbr.ind lr, $3  }
0x3a: {  	_ = 	snop  }
0x3b: {  	_ = 	snop  }
0x3c: {  	p2 =	seq.s32 s10, $0x1;
	s10 =	sld [smem:$0x3FAE]  }
0x3d: {  	_ =	shalt  }
0x3e: {  	_ =	shalt  }
0x3f: {  	_ =	shalt  }
0x40: {  	_ =	shalt  }
0x41: {  	_ =	shalt  }
0x42: {  	_ =	shalt  }
0x43: {  	_ =	shalt  }
0x44: {  	_ =	shalt  }
0x45: {  	_ =	shalt  }
0x46: {  	_ =	shalt  }
0x47: {  	_ =	shalt  }
0x48: {  	_ =	shalt  }
0x49: {  	_ =	shalt  }
0x4a: {  	_ =	shalt  }
0x4b: {  	_ =	shalt  }
0x4c: {  	_ =	shalt  }
0x4d: {  	_ =	shalt  }
0x4e: {  	_ =	shalt  }
0x4f: {  	_ =	shalt  }
0x50: {  	_ =	shalt  }
0x51: {  	_ =	shalt  }
0x52: {  	_ =	shalt  }
0x53: {  	_ =	shalt  }
0x54: {  	_ =	shalt  }
0x55: {  	_ =	shalt  }
0x56: {  	_ =	shalt  }
0x57: {  	_ =	shalt  }
0x58: {  	_ =	shalt  }
0x59: {  	_ =	shalt  }
0x5a: {  	_ =	shalt  }
0x5b: {  	_ =	shalt  }
0x5c: {  	_ =	shalt  }
0x5d: {  	_ =	shalt  }
0x5e: {  	_ =	shalt  }
0x5f: {  	_ =	shalt  }
0x60: {  	_ =	shalt  }
0x61: {  	_ =	shalt  }
0x62: {  	_ =	shalt  }
0x63: {  	_ =	shalt  }
0x64: {  	_ =	shalt  }
0x65: {  	_ =	shalt  }
0x66: {  	_ =	shalt  }
0x67: {  	_ =	shalt  }
0x68: {  	_ =	shalt  }
0x69: {  	_ =	shalt  }
0x6a: {  	_ =	shalt  }
0x6b: {  	_ =	shalt  }
0x6c: {  	_ =	shalt  }
0x6d: {  	_ =	shalt  }
0x6e: {  	_ =	shalt  }
0x6f: {  	_ =	shalt  }
0x70: {  	_ =	shalt  }
0x71: {  	_ =	shalt  }
0x72: {  	_ =	shalt  }
0x73: {  	_ =	shalt  }
0x74: {  	_ =	shalt  }
0x75: {  	_ =	shalt  }
0x76: {  	_ =	shalt  }
0x77: {  	_ =	shalt  }
0x78: {  	_ =	shalt  }
0x79: {  	_ =	shalt  }
0x7a: {  	_ =	shalt  }
0x7b: {  	_ =	shalt  }
0x7c: {  	_ =	shalt  }
0x7d: {  	_ =	shalt  }
0x7e: {  	_ =	shalt  }
0x7f: {  	_ =	shalt  }
0x80: {  	_ =	shalt  }
0x81: {  	_ =	shalt  }
0x82: {  	_ =	shalt  }
0x83: {  	_ =	shalt  }
0x84: {  	_ =	shalt  }
0x85: {  	_ =	shalt  }
0x86: {  	_ =	shalt  }
0x87: {  	_ =	shalt  }
.Lfunc_end0:
.L_simem_size_0:
called_computation.2_lowered:
.L_overlay_start_0:
0x88: {  	s2 =	sld [smem:$0x3FD9]  }
0x89: {  	s3 =	sld [smem:$0x3FFE];
	_ =	sdelay $0x1  }
0x8a: {  	s1 =	srdreg.scid  }
0x8b: {  	s0 =	sand.u32 $0x1, s1  }
0x8c: {  	s14 =	sshll.u32 s0, $0xA;
	s2 =	sadd.s32 s3, s2  }
0x8d: {  	s2 =	sadd.s32 s2, s14  }
0x8e: {  	[smem:$0x3FBA] =	sst s2  }
0x8f: {  	_ = 	snop  }
0x90: {  	s2 =	sld [smem:$0x3FD0];
	_ =	sdelay $0x2  }
0x91: {  	s15 =	simm.s32 $0xA;
	s4 =	simm.s32 $0x10  }
0x92: {  	[smem:s4], [sflag:s15] =	dma.local [hbm:s2], $0x1  }
0x93: {  	_ =	swait.eq [sflag:s15], $0x1  }
0x94: {  	[sflag:s15] =	ssyncset.done $0x0  }
0x95: {  	s16 =	sld [smem:$0x10];
	[sflag:s15] =	ssyncadd.s32 $0xFFFFFFFF  }
0x96: {  	s17 =	sld [smem:$0x11];
	(tm) =	ssettm $0x1  }
0x97: {  	s18 =	sld [smem:$0x3FFB];
	_ =	sdelay $0x3  }
0x98: {  	_ =	strace s18  }
0x99: {  	s4 =	sld [smem:$0x3FFC];
	_ =	sdelay $0x3  }
0x9a: {  	_ =	strace s4  }
0x9b: {  	s4 =	sld [smem:$0x3FFD];
	_ =	sdelay $0x3  }
0x9c: {  	_ =	strace s4  }
0x9d: {  	_ =	strace $0x8FFFFFFF  }
0x9e: {  	s19 =	sld [smem:$0x3FDB];
	_ =	sdelay $0x1  }
0x9f: {  	s5 =	simm.s32 $_scs_section_size  }
0xa0: {  	s6 =	simm.s32 $_size__tile_overlayer_lowered;
	s7 =	simm.s32 $_tile_overlayer_lowered  }
0xa1: {  	s22 =	simm.s32 $0x1BFF;
	s21 =	sshll.u32 s7, $0x1;
	s4 =	sadd.s32 s5, s19  }
0xa2: {  	s8 =	simm.s32 $0x0;
	s20 =	sshll.u32 s6, $0x1;
	s6 =	sadd.s32 s21, s4  }
0xa3: {  	[timem:s8], [sflag:s22] =	dma.local [hbm:s6], s20  }
0xa4: {  	_ =	swait.ge [sflag:s22], s20  }
0xa5: {  	s5 =	ssub.s32 $0x0, s20;
	[sflag:s22] =	ssyncset.done $0x0  }
0xa6: {  	[sflag:s22] =	ssyncadd.s32 s5;
	_ =	sdelay $0x1  }
0xa7: {  	s23 =	simm.s32 $0x1B8B  }
0xa8: {  	_ =	swait.ge [sflag:s23], $0x1  }
0xa9: {  	[sflag:s23] =	ssyncset.done $0x0  }
0xaa: {  	s25 =	simm.s32 $0x1B8E;
	s24 =	sld [smem:$0x3FFE];
	[sflag:s23] =	ssyncadd.s32 $0xFFFFFFFF  }
0xab: {  	s26 =	simm.s32 $execute0_lowered;
	[smem:$0x3FD2] =	sst s25  }
0xac: {  	s6 =	sshll.u32 s26, $0x1;
	_ =	strace $0x8000004C;
	[dreg:$0x1] =	wrdreg $0xFFFFFFFF  }
0xad: {  	s28 =	simm.s32 $_size_execute0_lowered;
	s4 =	sadd.s32 s4, s6;
	[dreg:$0x0] =	wrdreg $0x0  }
0xae: {  	s6 =	sshll.u32 s28, $0x1;
	[dreg:$0x2] =	wrdreg s4  }
0xaf: {  	[dreg:$0x3] =	wrdreg s6  }
0xb0: {  	[dreg:$0x4] =	wrdreg $0xC0  }
0xb1: {  	_ =	task [dreg:s8], $0x5FFFF  }
0xb2: {  	[dreg:$0x1] =	wrdreg $0xFFFFFFFF  }
0xb3: {  	[dreg:$0x0] =	wrdreg $0x60  }
0xb4: {  	[dreg:$0x2] =	wrdreg s16  }
0xb5: {  	[dreg:$0x3] =	wrdreg s24  }
0xb6: {  	[dreg:$0x4] =	wrdreg s17  }
0xb7: {  	[dreg:$0x5] =	wrdreg $0x76200  }
0xb8: {  	[dreg:$0x6] =	wrdreg $0x9  }
0xb9: {  	_ =	task.clear_ibuf [dreg:s8], $0x7FFFF;
	_ =	strace $0x9000004C  }
0xba: {  	s29 =	simm.s32 $0x9;
	_ =	strace $0x8000004E  }
0xbb: {  	_ =	swait.ge [sflag:s29], $0x1  }
0xbc: {  	[sflag:s29] =	ssyncadd.s32 $0xFFFFFFFF  }
0xbd: {  	_ =	strace $0x9000004E  }
0xbe: {  	_ =	sfence  }
0xbf: {  	s30 =	sld [smem:$0x0];
	_ =	sdelay $0x2  }
0xc0: {  	s31 =	sshll.u32 s1, $0xD;
	s1 =	sshrl.u32 s1, $0x2  }
0xc1: {  	s3 =	sand.u32 $0x4000, s31;
	s1 =	sadd.s32 s1, s30  }
0xc2: {  	s0 =	sor.u32 s3, s0;
	s1 =	sshll.u32 s1, $0x11  }
0xc3: {  	s0 =	sor.u32 s1, s0  }
0xc4: {  	s0 =	sadd.s32 $0x8F2B, s0  }
0xc5: {  	[sflag:s0] =	ssyncadd.remote.s32 $0x1  }
0xc6: {  	_ =	sfence.sel $0xFFFF  }
0xc7: {  	[dreg:$0x0] =	wrdreg $0xFFFFFFFF;
	(pc) =	sbr.abs _section_cstart, $3  }
0xc8: {  	[dreg:$0x1] =	wrdreg $0xFFFFFFFF  }
0xc9: {  	_ =	task.clear_ibuf [dreg:s8], $0x2FFFF;
	_ =	strace $0x9FFFFFFF  }
0xca: {  	(tm) =	ssettm $0x7FFFFFFF  }
0xcb: {  	_ =	shalt  }
tec
execute0_lowered:
.L_overlay_start_1:
0x0: {  	(tag) =	ssettag $0x1  }
0x1: {  	s1 =	rddreg [dreg:$0x0]  }
0x2: {  	s0 =	srdreg.scid;
	s2 =	rddreg [dreg:$0x1]  }
0x3: {  	s13 =	stileid.u32;
	s10 =	rddreg [dreg:$0x2]  }
0x4: {  	s14 =	simm.s32 $0x4;
	s15 =	simm.s32 $0x50;
	s16 =	simm.s32 $0x4E20  }
0x5: {  	s17 =	simm.s32 $0x5820;
	s18 =	simm.s32 $0x1;
	s20 =	simm.s32 $0x6220  }
0x6: {  	s21 =	simm.s32 $0x2;
	s24 =	simm.s32 $0x6C20;
	s25 =	simm.s32 $0x3  }
0x7: {  	s26 =	simm.s32 $0x5;
	s28 =	simm.s32 $0x6;
	s29 =	simm.s32 $0x7  }
0x8: {  	s30 =	simm.s32 $0x8;
	s19 =	simm.s32 $0x4DD0;
	s22 =	simm.s32 $0x9  }
0x9: {  	s23 =	simm.s32 $0x0;
	s0 =	sand.u32 $0x1, s0;
	s7 =	smul.u32 $0x5000, s13  }
0xa: {  	s3 =	sshll.u32 s0, $0x4;
	s31 =	ssub.s32 $0x2, s0;
	s0 =	smul.u32 $0x50000, s0  }
0xb: {  	s4 =	sor.u32 s13, s3;
	s3 =	rddreg [dreg:$0x3];
	s6 =	sshrl.u32 s7, $0x3  }
0xc: {  	s8 =	sshrl.u32 s31, $0x1;
	s5 =	smul.u32 $0x2710, s4;
	s4 =	simm.s32 $0x0  }
0xd: {  	s11 =	ssub.s32 s31, s8;
	s12 =	sadd.s32 s7, s3;
	s0 =	sadd.s32 s7, s0  }
0xe: {  	[smem:$0x7FF] =	sst s4;
	s0 =	sshrl.u32 s0, $0x3;
	s11 =	smax.u32 s11, $0x1  }
0xf: {  	s12 =	sshrl.u32 s12, $0x3;
	s5 =	sshrl.u32 s5, $0x3;
	_ =	strace $0x8000004D  }
0x10: {  	s10 =	sadd.s32 s10, s0;
	s9 =	sadd.s32 s5, s2;
	s2 =	sadd.s32 s6, s2  }
0x11: {  	s6 =	sshll.u32 s13, $0x6;
	s13 =	simm.s32 $0x2710;
	s5 =	sadd.s32 $0x16800, s2  }
0x12: {  	s7 =	sor.u32 $0x1C04, s6;
	s8 =	sadd.s32 $0x2E00, s9;
	s9 =	sadd.s32 $0xCA40, s9  }
.LBB2_1:
0x13: {  	[spmem:s12], [sflag:s7] =	dma.local [hbm:s5], $0xA00  }
0x14: {  	[tilespmem:s4], [sflag:$0x4] =	stream.linear.gather [hbm4b:s8+s4], $0x2710, $0x38;
	[tilespmem:$0xC620] =	vst v63  }
0x15: {  	_ = 	snop  }
0x16: {  	[tilespmem:s13], [sflag:$0x4] =	stream.linear.gather [hbm4b:s9+s4], $0x2710, $0x38;
	[tilespmem:$0xC620] =	vst v63  }
0x17: {  	_ =	swait.ge [sflag:s14], $0xA00  }
0x18: {  	[sflag:s14] =	ssyncset.done $0x0  }
0x19: {  	[sflag:s14] =	ssyncadd.s32 $0xFFFFF600  }
0x1a: {  	_ =	swait.ge [sflag:s14], $0x2710  }
0x1b: {  	[sflag:s14] =	ssyncset.done $0x0  }
0x1c: {  	[sflag:s14] =	ssyncadd.s32 $0xFFFFD8F0  }
0x1d: {  	_ =	swait.ge [sflag:s14], $0x2710  }
0x1e: {  	[sflag:s14] =	ssyncset.done $0x0  }
0x1f: {  	[sflag:s14] =	ssyncadd.s32 $0xFFFFD8F0  }
0x20: {  	[bflag:$0x0] =	sbarrier.arrive $0xFFFF  }
0x21: {  	[tilespmem:s16], [sflag:$0x1] =	stream.indirect.gather [hbm4b:s1+s15], $0x20, s4, s15, $0xb8;
	[tilespmem:$0xC620] =	vst v63  }
0x22: {  	_ = 	snop  }
0x23: {  	[tilespmem:s17], [sflag:$0x2] =	stream.indirect.gather [hbm4b:s1+s15], $0x20, s15, s15, $0xb8;
	[tilespmem:$0xC620] =	vst v63  }
0x24: {  	_ =	swait.ge [sflag:s18], $0xA00  }
0x25: {  	[sflag:s18] =	ssyncset.done $0x0  }
0x26: {  	[sflag:s18] =	ssyncadd.s32 $0xFFFFF600  }
0x27: {  	[spmem:s3] =	stream.indirect.scatter.add.f32 [tilespmem:s16], [sflag:$0x5], $0x20, s13, s15, $0xb8;
	[tilespmem:$0xC620] =	vst v63  }
0x28: {  	s0 =	simm.s32 $0xA0  }
0x29: {  	[tilespmem:s20], [sflag:$0x3] =	stream.indirect.gather [hbm4b:s1+s15], $0x20, s0, s15, $0xb8;
	[tilespmem:$0xC620] =	vst v63  }
0x2a: {  	_ =	swait.ge [sflag:s21], $0xA00  }
0x2b: {  	[sflag:s21] =	ssyncset.done $0x0  }
0x2c: {  	s2 =	simm.s32 $0x2760;
	[sflag:s21] =	ssyncadd.s32 $0xFFFFF600  }
0x2d: {  	[spmem:s3] =	stream.indirect.scatter.add.f32 [tilespmem:s17], [sflag:$0x6], $0x20, s2, s15, $0xb8;
	[tilespmem:$0xC620] =	vst v63  }
0x2e: {  	s2 =	simm.s32 $0xF0  }
0x2f: {  	[tilespmem:s24], [sflag:$0x4] =	stream.indirect.gather [hbm4b:s1+s15], $0x20, s2, s15, $0xb8;
	[tilespmem:$0xC620] =	vst v63  }
0x30: {  	_ =	swait.ge [sflag:s25], $0xA00  }
0x31: {  	[sflag:s25] =	ssyncset.done $0x0  }
0x32: {  	s2 =	simm.s32 $0x27B0;
	[sflag:s25] =	ssyncadd.s32 $0xFFFFF600  }
0x33: {  	[spmem:s3] =	stream.indirect.scatter.add.f32 [tilespmem:s20], [sflag:$0x7], $0x20, s2, s15, $0xb8;
	[tilespmem:$0xC620] =	vst v63  }
0x34: {  	_ =	swait.ge [sflag:s26], $0xA00  }
0x35: {  	[sflag:s26] =	ssyncset.done $0x0  }
0x36: {  	s0 =	simm.s32 $0x140;
	[sflag:s26] =	ssyncadd.s32 $0xFFFFF600  }
0x37: {  	[tilespmem:s16], [sflag:$0x1] =	stream.indirect.gather [hbm4b:s1+s15], $0x20, s0, s15, $0xb8;
	[tilespmem:$0xC620] =	vst v63  }
0x38: {  	_ =	swait.ge [sflag:s14], $0xA00  }
0x39: {  	[sflag:s14] =	ssyncset.done $0x0  }
0x3a: {  	s0 =	simm.s32 $0x2800;
	[sflag:s14] =	ssyncadd.s32 $0xFFFFF600  }
0x3b: {  	[spmem:s3] =	stream.indirect.scatter.add.f32 [tilespmem:s24], [sflag:$0x8], $0x20, s0, s15, $0xb8;
	[tilespmem:$0xC620] =	vst v63  }
0x3c: {  	_ =	swait.ge [sflag:s28], $0xA00  }
0x3d: {  	[sflag:s28] =	ssyncset.done $0x0  }
0x3e: {  	s0 =	simm.s32 $0x190;
	[sflag:s28] =	ssyncadd.s32 $0xFFFFF600  }
0x3f: {  	[tilespmem:s17], [sflag:$0x2] =	stream.indirect.gather [hbm4b:s1+s15], $0x20, s0, s15, $0xb8;
	[tilespmem:$0xC620] =	vst v63  }
0x40: {  	_ =	swait.ge [sflag:s18], $0xA00  }
0x41: {  	[sflag:s18] =	ssyncset.done $0x0  }
0x42: {  	s0 =	simm.s32 $0x2850;
	[sflag:s18] =	ssyncadd.s32 $0xFFFFF600  }
0x43: {  	[spmem:s3] =	stream.indirect.scatter.add.f32 [tilespmem:s16], [sflag:$0x5], $0x20, s0, s15, $0xb8;
	[tilespmem:$0xC620] =	vst v63  }
0x44: {  	_ =	swait.ge [sflag:s29], $0xA00  }
0x45: {  	[sflag:s29] =	ssyncset.done $0x0  }
0x46: {  	s0 =	simm.s32 $0x1E0;
	[sflag:s29] =	ssyncadd.s32 $0xFFFFF600  }
0x47: {  	[tilespmem:s20], [sflag:$0x3] =	stream.indirect.gather [hbm4b:s1+s15], $0x20, s0, s15, $0xb8;
	[tilespmem:$0xC620] =	vst v63  }
0x48: {  	_ =	swait.ge [sflag:s21], $0xA00  }
0x49: {  	[sflag:s21] =	ssyncset.done $0x0  }
0x4a: {  	s0 =	simm.s32 $0x28A0;
	[sflag:s21] =	ssyncadd.s32 $0xFFFFF600  }
0x4b: {  	[spmem:s3] =	stream.indirect.scatter.add.f32 [tilespmem:s17], [sflag:$0x6], $0x20, s0, s15, $0xb8;
	[tilespmem:$0xC620] =	vst v63  }
0x4c: {  	_ =	swait.ge [sflag:s30], $0xA00  }
0x4d: {  	[sflag:s30] =	ssyncset.done $0x0  }
0x4e: {  	s31 =	simm.s32 $0x500;
	s2 =	simm.s32 $0x230;
	[sflag:s30] =	ssyncadd.s32 $0xFFFFF600  }
.LBB2_2:
0x4f: {  	[tilespmem:s24], [sflag:$0x4] =	stream.indirect.gather [hbm4b:s1+s15], $0x20, s2, s15, $0xb8;
	[tilespmem:$0xC620] =	vst v63  }
0x50: {  	s2 =	smov.u32 s31  }
0x51: {  	p0 =	sne.s32 s31, $0x9100;
	s31 =	sadd.s32 $0x500, s31;
	_ =	swait.ge [sflag:s25], $0xA00  }
0x52: {  	s2 =	sshra.s32 s2, $0x2;
	[sflag:s25] =	ssyncset.done $0x0  }
0x53: {  	s0 =	sadd.s32 $0x27B0, s2;
	[sflag:s25] =	ssyncadd.s32 $0xFFFFF600  }
0x54: {  	[spmem:s3] =	stream.indirect.scatter.add.f32 [tilespmem:s20], [sflag:$0x7], $0x20, s0, s15, $0xb8;
	[tilespmem:$0xC620] =	vst v63  }
0x55: {  	_ =	swait.ge [sflag:s26], $0xA00  }
0x56: {  	[sflag:s26] =	ssyncset.done $0x0  }
0x57: {  	s0 =	sadd.s32 $0x140, s2;
	[sflag:s26] =	ssyncadd.s32 $0xFFFFF600  }
0x58: {  	[tilespmem:s16], [sflag:$0x1] =	stream.indirect.gather [hbm4b:s1+s15], $0x20, s0, s15, $0xb8;
	[tilespmem:$0xC620] =	vst v63  }
0x59: {  	_ =	swait.ge [sflag:s14], $0xA00  }
0x5a: {  	[sflag:s14] =	ssyncset.done $0x0  }
0x5b: {  	s0 =	sadd.s32 $0x2800, s2;
	[sflag:s14] =	ssyncadd.s32 $0xFFFFF600  }
0x5c: {  	[spmem:s3] =	stream.indirect.scatter.add.f32 [tilespmem:s24], [sflag:$0x8], $0x20, s0, s15, $0xb8;
	[tilespmem:$0xC620] =	vst v63  }
0x5d: {  	_ =	swait.ge [sflag:s28], $0xA00  }
0x5e: {  	[sflag:s28] =	ssyncset.done $0x0  }
0x5f: {  	s0 =	sadd.s32 $0x190, s2;
	[sflag:s28] =	ssyncadd.s32 $0xFFFFF600  }
0x60: {  	[tilespmem:s17], [sflag:$0x2] =	stream.indirect.gather [hbm4b:s1+s15], $0x20, s0, s15, $0xb8;
	[tilespmem:$0xC620] =	vst v63  }
0x61: {  	_ =	swait.ge [sflag:s18], $0xA00  }
0x62: {  	[sflag:s18] =	ssyncset.done $0x0  }
0x63: {  	s0 =	sadd.s32 $0x2850, s2;
	[sflag:s18] =	ssyncadd.s32 $0xFFFFF600  }
0x64: {  	[spmem:s3] =	stream.indirect.scatter.add.f32 [tilespmem:s16], [sflag:$0x5], $0x20, s0, s15, $0xb8;
	[tilespmem:$0xC620] =	vst v63  }
0x65: {  	_ =	swait.ge [sflag:s29], $0xA00  }
0x66: {  	[sflag:s29] =	ssyncset.done $0x0  }
0x67: {  	s0 =	sadd.s32 $0x1E0, s2;
	[sflag:s29] =	ssyncadd.s32 $0xFFFFF600  }
0x68: {  	[tilespmem:s20], [sflag:$0x3] =	stream.indirect.gather [hbm4b:s1+s15], $0x20, s0, s15, $0xb8;
	[tilespmem:$0xC620] =	vst v63  }
0x69: {  	_ =	swait.ge [sflag:s21], $0xA00  }
0x6a: {  	[sflag:s21] =	ssyncset.done $0x0  }
.Ltmp0:
0x6b: {  	s0 =	sadd.s32 $0x28A0, s2;
	[sflag:s21] =	ssyncadd.s32 $0xFFFFF600;
	(pc) =	sbr.rel @p0 .LBB2_2-.Ltmp0, $4  }
0x6c: {  	[spmem:s3] =	stream.indirect.scatter.add.f32 [tilespmem:s17], [sflag:$0x6], $0x20, s0, s15, $0xb8;
	[tilespmem:$0xC620] =	vst v63  }
0x6d: {  	_ =	swait.ge [sflag:s30], $0xA00  }
0x6e: {  	[sflag:s30] =	ssyncset.done $0x0  }
0x6f: {  	s2 =	sadd.s32 $0x230, s2;
	[sflag:s30] =	ssyncadd.s32 $0xFFFFF600  }
0x70: {  	[tilespmem:s24], [sflag:$0x4] =	stream.indirect.gather [hbm4b:s1+s15], $0x20, s2, s15, $0xb8;
	[tilespmem:$0xC620] =	vst v63  }
0x71: {  	_ =	swait.ge [sflag:s25], $0xA00  }
0x72: {  	[sflag:s25] =	ssyncset.done $0x0  }
0x73: {  	s0 =	simm.s32 $0x4D30;
	[sflag:s25] =	ssyncadd.s32 $0xFFFFF600  }
0x74: {  	[spmem:s3] =	stream.indirect.scatter.add.f32 [tilespmem:s20], [sflag:$0x7], $0x20, s0, s15, $0xb8;
	[tilespmem:$0xC620] =	vst v63  }
0x75: {  	_ =	swait.ge [sflag:s26], $0xA00  }
0x76: {  	[sflag:s26] =	ssyncset.done $0x0  }
0x77: {  	s31 =	simm.s32 $0x26C0;
	[sflag:s26] =	ssyncadd.s32 $0xFFFFF600  }
0x78: {  	[tilespmem:s16], [sflag:$0x1] =	stream.indirect.gather [hbm4b:s1+s15], $0x20, s31, s15, $0xb8;
	[tilespmem:$0xC620] =	vst v63  }
0x79: {  	_ =	swait.ge [sflag:s14], $0xA00  }
0x7a: {  	[sflag:s14] =	ssyncset.done $0x0  }
0x7b: {  	s2 =	simm.s32 $0x4D80;
	[sflag:s14] =	ssyncadd.s32 $0xFFFFF600  }
0x7c: {  	[spmem:s3] =	stream.indirect.scatter.add.f32 [tilespmem:s24], [sflag:$0x8], $0x20, s2, s15, $0xb8;
	[tilespmem:$0xC620] =	vst v63  }
0x7d: {  	_ =	swait.ge [sflag:s28], $0xA00  }
0x7e: {  	[sflag:s28] =	ssyncset.done $0x0  }
0x7f: {  	[sflag:s28] =	ssyncadd.s32 $0xFFFFF600  }
0x80: {  	_ =	swait.ge [sflag:s18], $0xA00  }
0x81: {  	[sflag:s18] =	ssyncset.done $0x0  }
0x82: {  	[sflag:s18] =	ssyncadd.s32 $0xFFFFF600  }
0x83: {  	[spmem:s3] =	stream.indirect.scatter.add.f32 [tilespmem:s16], [sflag:$0x5], $0x20, s19, s15, $0xb8;
	[tilespmem:$0xC620] =	vst v63  }
0x84: {  	_ =	swait.ge [sflag:s29], $0xA00  }
0x85: {  	[sflag:s29] =	ssyncset.done $0x0  }
0x86: {  	[sflag:s29] =	ssyncadd.s32 $0xFFFFF600  }
0x87: {  	_ =	swait.ge [sflag:s30], $0xA00  }
0x88: {  	[sflag:s30] =	ssyncset.done $0x0  }
0x89: {  	[sflag:s30] =	ssyncadd.s32 $0xFFFFF600  }
0x8a: {  	_ =	swait.ge [sflag:s26], $0xA00  }
0x8b: {  	s23 =	sadd.s32 $0x1, s23;
	[sflag:s26] =	ssyncset.done $0x0  }
0x8c: {  	p0 =	sne.s32 s23, s11;
	[sflag:s26] =	ssyncadd.s32 $0xFFFFF600  }
.Ltmp1:
0x8d: {  	s31 =	sor.u32 $0x1C09, s6;
	[bflag:$0x0] =	sbarrier.arrive $0xFFFF;
	(pc) =	sbr.rel @p0 .LBB2_1-.Ltmp1, $4  }
0x8e: {  	[hbm:s10], [sflag:s31] =	dma.local [spmem:s12], $0xA00  }
0x8f: {  	_ =	swait.ge [sflag:s22], $0xA00  }
0x90: {  	[sflag:s22] =	ssyncset.done $0x0  }
0x91: {  	[sflag:s22] =	ssyncadd.s32 $0xFFFFF600  }
0x92: {  	_ =	sfence.sel $0x180000  }
0x93: {  	[bflag:$0x0] =	sbarrier.arrive $0xFFFF  }
0x94: {  	_ =	strace $0x9000004D  }
0x95: {  	s0 =	stileid.u32;
	[bflag:$0x2] =	sbarrier.arrive $0xFFFF  }
0x96: {  	p0 =	sne.s32 s0, $0x0;
	s0 =	rddreg [dreg:$0x4]  }
0x97: {  	s0 =	sadd.s32 @!p0 $0x100000, s0  }
0x98: {  	[sflag:s0] =	ssyncadd.tile.s32 @!p0 $0x1;
	_ =	shalt  }
.Lfunc_end2:
_tile_overlayer_lowered:
.L_overlay_start_2:
0x99: {  	(tag) =	ssettag $0x2  }
0x9a: {  	s0 =	rddreg [dreg:$0x0];
	s2 =	stileid.u32  }
0x9b: {  	s1 =	rddreg [dreg:$0x1];
	p0 =	sne.s32 s2, $0x0  }
0x9c: {  	s3 =	rddreg [dreg:$0x2];
	[bflag:$0x3] =	sbarrier.arrive $0xFFFF;
	s2 =	simm.s32 @!p0 $0x1C09  }
0x9d: {  	[timem:s3], [sflag:s2] =	dma.local @!p0 [hbm:s0], s1  }
0x9e: {  	s0 =	simm.s32 @!p0 $0x9  }
0x9f: {  	_ =	swait.ge @!p0 [sflag:s0], s1  }
0xa0: {  	s1 =	ssub.s32 @!p0 $0x0, s1;
	[sflag:s0] =	ssyncset.done @!p0 $0x0  }
0xa1: {  	[sflag:s0] =	ssyncadd.s32 @!p0 s1  }
0xa2: {  	[bflag:$0x3] =	sbarrier.arrive $0xFFFF  }
0xa3: {  	_ =	shalt  }

// kernel: kernel.9.cloned.1.call-start
scs
__scs_entry_jumppad:
0x0: {  	(pc) =	sbr.rel $0x88, $3  }
0x1: {  	(tag) =	ssettag $0x0;
	lr =	simm.s32 $0x1  }
0x2: {  	[smem:$0x3F93] =	sst lr;
	_ =	strace $0xD0000000  }
0x3: {  	_ = 	snop  }
0x4: {  	_ = 	snop  }
0x5: {  	_ = 	snop  }
0x6: {  	_ = 	snop  }
0x7: {  	_ = 	snop  }
__scs_overlays_trampoline_lowered:
0x8: {  	[smem:$0x3FA2] =	sst s0  }
0x9: {  	[smem:$0x3FA3] =	sst s1  }
0xa: {  	[smem:$0x3FA4] =	sst s2  }
0xb: {  	[smem:$0x3FA5] =	sst s3  }
0xc: {  	[smem:$0x3FA6] =	sst s4  }
0xd: {  	[smem:$0x3FA7] =	sst s5  }
0xe: {  	[smem:$0x3FA8] =	sst s6  }
0xf: {  	[smem:$0x3FA9] =	sst s7  }
0x10: {  	[smem:$0x3FAA] =	sst s8  }
0x11: {  	[smem:$0x3FAB] =	sst s9;
	s0 =	simm.s32 @!p0 $0x0  }
0x12: {  	s1 =	sld [smem:$0x3F91];
	s0 =	simm.s32 @p0 $0x1  }
0x13: {  	[smem:$0x3FAC] =	sst s0;
	s0 =	simm.s32 @!p1 $0x0  }
0x14: {  	s2 =	sld [smem:$0x3F90];
	s0 =	simm.s32 @p1 $0x1  }
0x15: {  	[smem:$0x3FAD] =	sst s0;
	s0 =	simm.s32 @!p2 $0x0  }
0x16: {  	s3 =	sld [smem:$0x3FDB];
	s0 =	simm.s32 @p2 $0x1  }
0x17: {  	s4 =	simm.s32 $0x1BF5;
	[smem:$0x3FAF] =	sst s0  }
0x18: {  	s0 =	sld [smem:$0x3F92];
	_ =	swait.ge [sflag:s4], $0x0  }
0x19: {  	s7 =	sld [smem:$0x3F93]  }
0x1a: {  	s8 =	sadd.s32 $0xFFFFE003, lr  }
0x1b: {  	s9 =	sadd.s32 $0xFFFFFEF7, lr;
	s5 =	simm.s32 $0xFFFFFFFF;
	p2 =	slt.u32 s8, $0xFFFFF086  }
0x1c: {  	p1 =	slt.u32 s9, $0xF7A;
	s5 =	simm.s32 @!p2 $0x0  }
0x1d: {  	s5 =	simm.s32 @p1 $0x1;
	p0 =	seq.s32 s7, s2  }
0x1e: {  	s7 =	smul.u32 @!p0 $0xF7A, s2;
	p2 =	seq.s32 @!p0 s5, $0x0  }
0x1f: {  	s9 =	smul.u32 $0xF7A, s1;
	s8 =	simm.s32 @!p0 $0x1BF5;
	p2 =	por !p2, p0  }
0x20: {  	[sflag:s8] =	ssyncset.s32 @!p0 $0xFFFFF086;
	s6 =	sadd.s32 @!p0 s3, s7;
	s7 =	simm.s32 @!p0 $0x108  }
0x21: {  	s3 =	sadd.s32 s3, s9;
	s6 =	sadd.s32 @!p0 $0x88, s6;
	s7 =	simm.s32 @p2 $0x1082  }
0x22: {  	[simem:s7], [sflag:s8] =	dma.local @!p0 [hbm:s6], $0xF7A  }
0x23: {  	s9 =	sor.u32 $0xD0000000, s2;
	s6 =	simm.s32 $0x108;
	_ =	swait.ge @!p0 [sflag:s8], $0x0  }
0x24: {  	s3 =	sadd.s32 $0x88, s3;
	s6 =	simm.s32 @!p1 $0x1082;
	[sflag:s4] =	ssyncset.s32 $0xFFFFF086  }
0x25: {  	[simem:s6], [sflag:s4] =	dma.local [hbm:s3], $0xF7A  }
0x26: {  	[smem:$0x3F93] =	sst s1;
	(tag) =	ssettag s2;
	_ =	strace s9  }
0x27: {  	s1 =	sld [smem:$0x3FA3]  }
0x28: {  	s2 =	sld [smem:$0x3FA4]  }
0x29: {  	s4 =	sld [smem:$0x3FA6]  }
0x2a: {  	p0 =	seq.s32 s5, $0x0;
	s5 =	sld [smem:$0x3FA7]  }
0x2b: {  	s6 =	sld [smem:$0x3FA8]  }
0x2c: {  	s7 =	sld [smem:$0x3FA9]  }
0x2d: {  	s3 =	simm.s32 $0x108;
	s8 =	sld [smem:$0x3FAA]  }
0x2e: {  	s3 =	simm.s32 @!p0 $0x1082;
	s9 =	sld [smem:$0x3FAB]  }
0x2f: {  	lr =	sadd.s32 s0, s3;
	s0 =	sld [smem:$0x3FA2]  }
0x30: {  	s3 =	sld [smem:$0x3FA5]  }
0x31: {  	[smem:$0x3FAE] =	sst s10  }
0x32: {  	s10 =	sld [smem:$0x3FAC];
	_ =	sdelay $0x3  }
0x33: {  	p0 =	seq.s32 s10, $0x1;
	s10 =	sld [smem:$0x3FAE];
	_ =	sdelay $0x3  }
0x34: {  	[smem:$0x3FAE] =	sst s10  }
0x35: {  	s10 =	sld [smem:$0x3FAD];
	_ =	sdelay $0x3  }
0x36: {  	p1 =	seq.s32 s10, $0x1;
	s10 =	sld [smem:$0x3FAE];
	_ =	sdelay $0x3  }
0x37: {  	[smem:$0x3FAE] =	sst s10  }
0x38: {  	s10 =	sld [smem:$0x3FAF]  }
0x39: {  	_ = 	snop;
	(pc) =	sbr.ind lr, $3  }
0x3a: {  	_ = 	snop  }
0x3b: {  	_ = 	snop  }
0x3c: {  	p2 =	seq.s32 s10, $0x1;
	s10 =	sld [smem:$0x3FAE]  }
0x3d: {  	_ =	shalt  }
0x3e: {  	_ =	shalt  }
0x3f: {  	_ =	shalt  }
0x40: {  	_ =	shalt  }
0x41: {  	_ =	shalt  }
0x42: {  	_ =	shalt  }
0x43: {  	_ =	shalt  }
0x44: {  	_ =	shalt  }
0x45: {  	_ =	shalt  }
0x46: {  	_ =	shalt  }
0x47: {  	_ =	shalt  }
0x48: {  	_ =	shalt  }
0x49: {  	_ =	shalt  }
0x4a: {  	_ =	shalt  }
0x4b: {  	_ =	shalt  }
0x4c: {  	_ =	shalt  }
0x4d: {  	_ =	shalt  }
0x4e: {  	_ =	shalt  }
0x4f: {  	_ =	shalt  }
0x50: {  	_ =	shalt  }
0x51: {  	_ =	shalt  }
0x52: {  	_ =	shalt  }
0x53: {  	_ =	shalt  }
0x54: {  	_ =	shalt  }
0x55: {  	_ =	shalt  }
0x56: {  	_ =	shalt  }
0x57: {  	_ =	shalt  }
0x58: {  	_ =	shalt  }
0x59: {  	_ =	shalt  }
0x5a: {  	_ =	shalt  }
0x5b: {  	_ =	shalt  }
0x5c: {  	_ =	shalt  }
0x5d: {  	_ =	shalt  }
0x5e: {  	_ =	shalt  }
0x5f: {  	_ =	shalt  }
0x60: {  	_ =	shalt  }
0x61: {  	_ =	shalt  }
0x62: {  	_ =	shalt  }
0x63: {  	_ =	shalt  }
0x64: {  	_ =	shalt  }
0x65: {  	_ =	shalt  }
0x66: {  	_ =	shalt  }
0x67: {  	_ =	shalt  }
0x68: {  	_ =	shalt  }
0x69: {  	_ =	shalt  }
0x6a: {  	_ =	shalt  }
0x6b: {  	_ =	shalt  }
0x6c: {  	_ =	shalt  }
0x6d: {  	_ =	shalt  }
0x6e: {  	_ =	shalt  }
0x6f: {  	_ =	shalt  }
0x70: {  	_ =	shalt  }
0x71: {  	_ =	shalt  }
0x72: {  	_ =	shalt  }
0x73: {  	_ =	shalt  }
0x74: {  	_ =	shalt  }
0x75: {  	_ =	shalt  }
0x76: {  	_ =	shalt  }
0x77: {  	_ =	shalt  }
0x78: {  	_ =	shalt  }
0x79: {  	_ =	shalt  }
0x7a: {  	_ =	shalt  }
0x7b: {  	_ =	shalt  }
0x7c: {  	_ =	shalt  }
0x7d: {  	_ =	shalt  }
0x7e: {  	_ =	shalt  }
0x7f: {  	_ =	shalt  }
0x80: {  	_ =	shalt  }
0x81: {  	_ =	shalt  }
0x82: {  	_ =	shalt  }
0x83: {  	_ =	shalt  }
0x84: {  	_ =	shalt  }
0x85: {  	_ =	shalt  }
0x86: {  	_ =	shalt  }
0x87: {  	_ =	shalt  }
.Lfunc_end0:
.L_simem_size_0:
called_computation_lowered:
.L_overlay_start_0:
0x88: {  	s2 =	sld [smem:$0x3FD9]  }
0x89: {  	s3 =	sld [smem:$0x3FFE];
	_ =	sdelay $0x1  }
0x8a: {  	s1 =	srdreg.scid  }
0x8b: {  	s0 =	sand.u32 $0x1, s1  }
0x8c: {  	s14 =	sshll.u32 s0, $0xA;
	s2 =	sadd.s32 s3, s2  }
0x8d: {  	s2 =	sadd.s32 s2, s14  }
0x8e: {  	[smem:$0x3FBA] =	sst s2  }
0x8f: {  	_ = 	snop  }
0x90: {  	s2 =	sld [smem:$0x3FD0];
	_ =	sdelay $0x2  }
0x91: {  	s15 =	simm.s32 $0xA;
	s4 =	simm.s32 $0x10  }
0x92: {  	[smem:s4], [sflag:s15] =	dma.local [hbm:s2], $0x1  }
0x93: {  	_ =	swait.eq [sflag:s15], $0x1  }
0x94: {  	[sflag:s15] =	ssyncset.done $0x0  }
0x95: {  	s16 =	sld [smem:$0x10];
	[sflag:s15] =	ssyncadd.s32 $0xFFFFFFFF  }
0x96: {  	s17 =	sld [smem:$0x11];
	(tm) =	ssettm $0x1  }
0x97: {  	s18 =	sld [smem:$0x3FFB];
	_ =	sdelay $0x3  }
0x98: {  	_ =	strace s18  }
0x99: {  	s4 =	sld [smem:$0x3FFC];
	_ =	sdelay $0x3  }
0x9a: {  	_ =	strace s4  }
0x9b: {  	s4 =	sld [smem:$0x3FFD];
	_ =	sdelay $0x3  }
0x9c: {  	_ =	strace s4  }
0x9d: {  	_ =	strace $0x8FFFFFFF  }
0x9e: {  	s19 =	sld [smem:$0x3FDB];
	_ =	sdelay $0x1  }
0x9f: {  	s5 =	simm.s32 $_scs_section_size  }
0xa0: {  	s6 =	simm.s32 $_size__tile_overlayer_lowered;
	s7 =	simm.s32 $_tile_overlayer_lowered  }
0xa1: {  	s22 =	simm.s32 $0x1BFF;
	s21 =	sshll.u32 s7, $0x1;
	s4 =	sadd.s32 s5, s19  }
0xa2: {  	s8 =	simm.s32 $0x0;
	s20 =	sshll.u32 s6, $0x1;
	s6 =	sadd.s32 s21, s4  }
0xa3: {  	[timem:s8], [sflag:s22] =	dma.local [hbm:s6], s20  }
0xa4: {  	_ =	swait.ge [sflag:s22], s20  }
0xa5: {  	s5 =	ssub.s32 $0x0, s20;
	[sflag:s22] =	ssyncset.done $0x0  }
0xa6: {  	[sflag:s22] =	ssyncadd.s32 s5;
	_ =	sdelay $0x1  }
0xa7: {  	s23 =	simm.s32 $0x1B8B  }
0xa8: {  	_ =	swait.ge [sflag:s23], $0x1  }
0xa9: {  	[sflag:s23] =	ssyncset.done $0x0  }
0xaa: {  	s25 =	simm.s32 $0x1B8E;
	s24 =	sld [smem:$0x3FFE];
	[sflag:s23] =	ssyncadd.s32 $0xFFFFFFFF  }
0xab: {  	s26 =	simm.s32 $execute0_lowered;
	[smem:$0x3FD2] =	sst s25  }
0xac: {  	s6 =	sshll.u32 s26, $0x1;
	_ =	strace $0x80000046;
	[dreg:$0x1] =	wrdreg $0xFFFFFFFF  }
0xad: {  	s28 =	simm.s32 $_size_execute0_lowered;
	s4 =	sadd.s32 s4, s6;
	[dreg:$0x0] =	wrdreg $0x0  }
0xae: {  	s6 =	sshll.u32 s28, $0x1;
	[dreg:$0x2] =	wrdreg s4  }
0xaf: {  	[dreg:$0x3] =	wrdreg s6  }
0xb0: {  	[dreg:$0x4] =	wrdreg $0xC0  }
0xb1: {  	_ =	task [dreg:s8], $0x5FFFF  }
0xb2: {  	[dreg:$0x1] =	wrdreg $0xFFFFFFFF  }
0xb3: {  	[dreg:$0x0] =	wrdreg $0x60  }
0xb4: {  	[dreg:$0x2] =	wrdreg s24  }
0xb5: {  	[dreg:$0x3] =	wrdreg s16  }
0xb6: {  	[dreg:$0x4] =	wrdreg s17  }
0xb7: {  	[dreg:$0x5] =	wrdreg $0x2C100  }
0xb8: {  	[dreg:$0x6] =	wrdreg $0x9  }
0xb9: {  	_ =	task.clear_ibuf [dreg:s8], $0x7FFFF;
	_ =	strace $0x90000046  }
0xba: {  	s29 =	simm.s32 $0x9;
	_ =	strace $0x80000048  }
0xbb: {  	_ =	swait.ge [sflag:s29], $0x1  }
0xbc: {  	[sflag:s29] =	ssyncadd.s32 $0xFFFFFFFF  }
0xbd: {  	_ =	strace $0x90000048  }
0xbe: {  	_ =	sfence  }
0xbf: {  	s30 =	sld [smem:$0x0];
	_ =	sdelay $0x2  }
0xc0: {  	s31 =	sshll.u32 s1, $0xD;
	s1 =	sshrl.u32 s1, $0x2  }
0xc1: {  	s3 =	sand.u32 $0x4000, s31;
	s1 =	sadd.s32 s1, s30  }
0xc2: {  	s0 =	sor.u32 s3, s0;
	s1 =	sshll.u32 s1, $0x11  }
0xc3: {  	s0 =	sor.u32 s1, s0  }
0xc4: {  	s0 =	sadd.s32 $0x8F2B, s0  }
0xc5: {  	[sflag:s0] =	ssyncadd.remote.s32 $0x1  }
0xc6: {  	_ =	sfence.sel $0xFFFF  }
0xc7: {  	[dreg:$0x0] =	wrdreg $0xFFFFFFFF;
	(pc) =	sbr.abs _section_cstart, $3  }
0xc8: {  	[dreg:$0x1] =	wrdreg $0xFFFFFFFF  }
0xc9: {  	_ =	task.clear_ibuf [dreg:s8], $0x2FFFF;
	_ =	strace $0x9FFFFFFF  }
0xca: {  	(tm) =	ssettm $0x7FFFFFFF  }
0xcb: {  	_ =	shalt  }
tec
execute0_lowered:
.L_overlay_start_1:
0x0: {  	(tag) =	ssettag $0x1  }
0x1: {  	s5 =	rddreg [dreg:$0x0]  }
0x2: {  	s4 =	rddreg [dreg:$0x1]  }
0x3: {  	s7 =	rddreg [dreg:$0x2]  }
0x4: {  	s1 =	rddreg [dreg:$0x3];
	s2 =	srdreg.scid  }
0x5: {  	s0 =	rddreg [dreg:$0x4];
	s3 =	simm.s32 $0x0;
	s14 =	simm.s32 $0x2  }
0x6: {  	s15 =	simm.s32 $0x0;
	s6 =	sand.u32 $0x1, s2;
	s2 =	stileid.u32  }
0x7: {  	[smem:$0x7FF] =	sst s3;
	s8 =	sshll.u32 s6, $0x4;
	s10 =	smul.u32 $0x2800, s2  }
0x8: {  	s9 =	ssub.s32 $0x2, s6;
	_ =	strace $0x80000047;
	s6 =	smul.u32 $0x28000, s6  }
0x9: {  	s13 =	sshll.u32 s2, $0x6;
	s8 =	sor.u32 s2, s8;
	s11 =	sshrl.u32 s9, $0x1  }
0xa: {  	s8 =	smul.u32 $0x2710, s8;
	s9 =	ssub.s32 s9, s11;
	s30 =	sshrl.u32 s10, $0x3  }
0xb: {  	s12 =	sadd.s32 s10, s1;
	s10 =	sadd.s32 s10, s6;
	s11 =	simm.s32 $0x50  }
0xc: {  	s4 =	sadd.s32 s4, s30;
	s31 =	sshrl.u32 s10, $0x3;
	s8 =	sshrl.u32 s8, $0x3  }
0xd: {  	s10 =	simm.s32 $0x1;
	s7 =	sadd.s32 s7, s31;
	s8 =	sadd.s32 s5, s8  }
0xe: {  	s5 =	sor.u32 $0x1C01, s13;
	s13 =	sor.u32 $0x1C02, s13;
	s6 =	sadd.s32 $0xCA40, s8  }
0xf: {  	v0 =	vimm.f32 $1.000000000e+00;
	s8 =	smax.u32 s9, $0x1;
	s9 =	sshrl.u32 s12, $0x3;
	s12 =	simm.s32 $0x2710  }
.LBB2_1:
0x10: {  	[spmem:s9], [sflag:s5] =	dma.local [hbm:s4], $0x500  }
0x11: {  	[tilespmem:s3], [sflag:$0x1] =	stream.linear.gather [hbm4b:s6+s3], $0x2710, $0x38;
	[tilespmem:$0x5410] =	vst v63  }
0x12: {  	_ =	swait.ge [sflag:s10], $0x500  }
0x13: {  	[sflag:s10] =	ssyncset.done $0x0  }
0x14: {  	[sflag:s10] =	ssyncadd.s32 $0xFFFFFB00  }
0x15: {  	_ =	swait.ge [sflag:s10], $0x2710  }
0x16: {  	[sflag:s10] =	ssyncset.done $0x0  }
0x17: {  	[sflag:s10] =	ssyncadd.s32 $0xFFFFD8F0  }
0x18: {  	[tilespmem:$0x2710] =	vst v0  }
0x19: {  	[tilespmem:$0x2720] =	vst v0  }
0x1a: {  	[tilespmem:$0x2730] =	vst v0  }
0x1b: {  	[tilespmem:$0x2740] =	vst v0  }
0x1c: {  	[tilespmem:$0x2750] =	vst v0  }
0x1d: {  	[tilespmem:$0x2760] =	vst v0  }
0x1e: {  	[tilespmem:$0x2770] =	vst v0  }
0x1f: {  	[tilespmem:$0x2780] =	vst v0  }
0x20: {  	[tilespmem:$0x2790] =	vst v0  }
0x21: {  	[tilespmem:$0x27A0] =	vst v0  }
0x22: {  	[tilespmem:$0x27B0] =	vst v0  }
0x23: {  	[tilespmem:$0x27C0] =	vst v0  }
0x24: {  	[tilespmem:$0x27D0] =	vst v0  }
0x25: {  	[tilespmem:$0x27E0] =	vst v0  }
0x26: {  	[tilespmem:$0x27F0] =	vst v0  }
0x27: {  	[tilespmem:$0x2800] =	vst v0  }
0x28: {  	[tilespmem:$0x2810] =	vst v0  }
0x29: {  	[tilespmem:$0x2820] =	vst v0  }
0x2a: {  	[tilespmem:$0x2830] =	vst v0  }
0x2b: {  	[tilespmem:$0x2840] =	vst v0  }
0x2c: {  	[tilespmem:$0x2850] =	vst v0  }
0x2d: {  	[tilespmem:$0x2860] =	vst v0  }
0x2e: {  	[tilespmem:$0x2870] =	vst v0  }
0x2f: {  	[tilespmem:$0x2880] =	vst v0  }
0x30: {  	[tilespmem:$0x2890] =	vst v0  }
0x31: {  	[tilespmem:$0x28A0] =	vst v0  }
0x32: {  	[tilespmem:$0x28B0] =	vst v0  }
0x33: {  	[tilespmem:$0x28C0] =	vst v0  }
0x34: {  	[tilespmem:$0x28D0] =	vst v0  }
0x35: {  	[tilespmem:$0x28E0] =	vst v0  }
0x36: {  	[tilespmem:$0x28F0] =	vst v0  }
0x37: {  	[tilespmem:$0x2900] =	vst v0  }
0x38: {  	[tilespmem:$0x2910] =	vst v0  }
0x39: {  	[tilespmem:$0x2920] =	vst v0  }
0x3a: {  	[tilespmem:$0x2930] =	vst v0  }
0x3b: {  	[tilespmem:$0x2940] =	vst v0  }
0x3c: {  	[tilespmem:$0x2950] =	vst v0  }
0x3d: {  	[tilespmem:$0x2960] =	vst v0  }
0x3e: {  	[tilespmem:$0x2970] =	vst v0  }
0x3f: {  	[tilespmem:$0x2980] =	vst v0  }
0x40: {  	[tilespmem:$0x2990] =	vst v0  }
0x41: {  	[tilespmem:$0x29A0] =	vst v0  }
0x42: {  	[tilespmem:$0x29B0] =	vst v0  }
0x43: {  	[tilespmem:$0x29C0] =	vst v0  }
0x44: {  	[tilespmem:$0x29D0] =	vst v0  }
0x45: {  	[tilespmem:$0x29E0] =	vst v0  }
0x46: {  	[tilespmem:$0x29F0] =	vst v0  }
0x47: {  	[tilespmem:$0x2A00] =	vst v0  }
0x48: {  	[tilespmem:$0x2A10] =	vst v0  }
0x49: {  	[tilespmem:$0x2A20] =	vst v0  }
0x4a: {  	[tilespmem:$0x2A30] =	vst v0  }
0x4b: {  	[tilespmem:$0x2A40] =	vst v0  }
0x4c: {  	[tilespmem:$0x2A50] =	vst v0  }
0x4d: {  	[tilespmem:$0x2A60] =	vst v0  }
0x4e: {  	[tilespmem:$0x2A70] =	vst v0  }
0x4f: {  	[tilespmem:$0x2A80] =	vst v0  }
0x50: {  	[tilespmem:$0x2A90] =	vst v0  }
0x51: {  	[tilespmem:$0x2AA0] =	vst v0  }
0x52: {  	[tilespmem:$0x2AB0] =	vst v0  }
0x53: {  	[tilespmem:$0x2AC0] =	vst v0  }
0x54: {  	[tilespmem:$0x2AD0] =	vst v0  }
0x55: {  	[tilespmem:$0x2AE0] =	vst v0  }
0x56: {  	[tilespmem:$0x2AF0] =	vst v0  }
0x57: {  	[tilespmem:$0x2B00] =	vst v0  }
0x58: {  	[tilespmem:$0x2B10] =	vst v0  }
0x59: {  	[tilespmem:$0x2B20] =	vst v0  }
0x5a: {  	[tilespmem:$0x2B30] =	vst v0  }
0x5b: {  	[tilespmem:$0x2B40] =	vst v0  }
0x5c: {  	[tilespmem:$0x2B50] =	vst v0  }
0x5d: {  	[tilespmem:$0x2B60] =	vst v0  }
0x5e: {  	[tilespmem:$0x2B70] =	vst v0  }
0x5f: {  	[tilespmem:$0x2B80] =	vst v0  }
0x60: {  	[tilespmem:$0x2B90] =	vst v0  }
0x61: {  	[tilespmem:$0x2BA0] =	vst v0  }
0x62: {  	[tilespmem:$0x2BB0] =	vst v0  }
0x63: {  	[tilespmem:$0x2BC0] =	vst v0  }
0x64: {  	[tilespmem:$0x2BD0] =	vst v0  }
0x65: {  	[tilespmem:$0x2BE0] =	vst v0  }
0x66: {  	[tilespmem:$0x2BF0] =	vst v0  }
0x67: {  	[tilespmem:$0x2C00] =	vst v0  }
0x68: {  	s16 =	simm.s32 $0x0;
	[bflag:$0x0] =	sbarrier.arrive $0xFFFF  }
.LBB2_2:
0x69: {  	p0 =	sne.s32 s16, $0x9B00  }
.Ltmp0:
0x6a: {  	_ = 	snop;
	(pc) =	sbr.rel @p0 .LBB2_2-.Ltmp0, $3  }
0x6b: {  	_ =	sdelay $0x1  }
0x6c: {  	s17 =	sshra.s32 s16, $0x2;
	s16 =	sadd.s32 $0x140, s16  }
0x6d: {  	[spmem:s1] =	stream.indirect.scatter.add.f32 [tilespmem:s12], [sflag:$0x1], $0x10, s17, s11, $0xb8;
	[tilespmem:$0x5410] =	vst v63  }
0x6e: {  	_ =	swait.ge [sflag:s10], $0x500  }
0x6f: {  	s16 =	simm.s32 $0x7C;
	[sflag:s10] =	ssyncset.done $0x0  }
.LBB2_4:
0x70: {  	p0 =	sne.s32 s16, $0x1;
	s16 =	sadd.s32 $0xFFFFFFFF, s16;
	[sflag:s10] =	ssyncadd.s32 $0xFFFFFB00  }
.Ltmp1:
0x71: {  	(pc) =	sbr.rel @p0 .LBB2_4-.Ltmp1, $3  }
0x72: {  	_ =	sdelay $0x1  }
0x73: {  	_ =	swait.ge [sflag:s10], $0x500  }
0x74: {  	[sflag:s10] =	ssyncset.done $0x0  }
0x75: {  	s15 =	sadd.s32 $0x1, s15  }
0x76: {  	[sflag:s10] =	ssyncadd.s32 $0xFFFFFB00;
	p0 =	sne.s32 s15, s8  }
.Ltmp2:
0x77: {  	[bflag:$0x0] =	sbarrier.arrive $0xFFFF;
	(pc) =	sbr.rel @p0 .LBB2_1-.Ltmp2, $4  }
0x78: {  	[hbm:s7], [sflag:s13] =	dma.local [spmem:s9], $0x500  }
0x79: {  	_ =	swait.ge [sflag:s14], $0x500  }
0x7a: {  	[sflag:s14] =	ssyncset.done $0x0  }
0x7b: {  	[sflag:s14] =	ssyncadd.s32 $0xFFFFFB00  }
0x7c: {  	_ =	sfence.sel $0x180000  }
0x7d: {  	[bflag:$0x0] =	sbarrier.arrive $0xFFFF  }
0x7e: {  	p0 =	sne.s32 s2, $0x0;
	_ =	strace $0x90000047  }
0x7f: {  	s0 =	sadd.s32 @!p0 $0x100000, s0;
	[bflag:$0x2] =	sbarrier.arrive $0xFFFF  }
0x80: {  	[sflag:s0] =	ssyncadd.tile.s32 @!p0 $0x1;
	_ =	shalt  }
.Lfunc_end2:
_tile_overlayer_lowered:
.L_overlay_start_2:
0x81: {  	(tag) =	ssettag $0x2  }
0x82: {  	s0 =	rddreg [dreg:$0x0];
	s2 =	stileid.u32  }
0x83: {  	s1 =	rddreg [dreg:$0x1];
	p0 =	sne.s32 s2, $0x0  }
0x84: {  	s3 =	rddreg [dreg:$0x2];
	[bflag:$0x3] =	sbarrier.arrive $0xFFFF;
	s2 =	simm.s32 @!p0 $0x1C02  }
0x85: {  	[timem:s3], [sflag:s2] =	dma.local @!p0 [hbm:s0], s1  }
0x86: {  	s0 =	simm.s32 @!p0 $0x2  }
0x87: {  	_ =	swait.ge @!p0 [sflag:s0], s1  }
0x88: {  	s1 =	ssub.s32 @!p0 $0x0, s1;
	[sflag:s0] =	ssyncset.done @!p0 $0x0  }
0x89: {  	[sflag:s0] =	ssyncadd.s32 @!p0 s1  }
0x8a: {  	[bflag:$0x3] =	sbarrier.arrive $0xFFFF  }
0x8b: {  	_ =	shalt  }

</sc_bundles>
